<compile_context>
chip_gen: v7x
topology: tpu7x:2x2x1
jax: 0.10.2.dev20260603
libtpu: 0.0.44.dev20260713+nightly
codegen_flags: <defaults>
</compile_context>

<pallas_src>
import functools

import jax
import jax.numpy as jnp
from jax import lax
from jax.experimental import pallas as pl
from jax.experimental.pallas import tpu as pltpu
from jax.experimental.pallas import tpu_sc as plsc

N = 10000
E = 320000
D = 128
H = 64
G = 64

NC = 2
NS = 16
NW = NC * NS
CH = 128
NCH = 80
EPT = CH * NCH
EPAD = EPT * NW
NP = 10240
PAIR = NP // 2
RPT = NP // NS
HW = 16
XCH = RPT * 4 // CH
NBUF = 2
CPB = 128


@functools.cache
def _sc_mesh():
  return plsc.VectorSubcoreMesh(
      core_axis_name="c", subcore_axis_name="s", num_cores=NC, num_subcores=NS)


def _hist_body(dst_hbm, eidx_hbm, out_hbm, acc, onesv, idxv, bufv, erows,
               eidxv, esem):
  c = lax.axis_index("c")
  s = lax.axis_index("s")

  def fill(i, carry):
    onesv[i, :] = jnp.full((HW,), 1.0, jnp.float32)
    return carry

  lax.fori_loop(0, CH, fill, 0)

  def zfill(i, carry):
    bufv[i, :] = jnp.zeros((HW,), jnp.float32)
    return carry

  lax.fori_loop(0, CPB, zfill, 0)
  for t in range(RPT // CPB):
    pltpu.sync_copy(bufv, acc.at[pl.ds(s * RPT + t * CPB, CPB)])
  plsc.subcore_barrier()
  pltpu.sync_copy(dst_hbm.at[c, s], idxv)

  def body(j, carry):
    pltpu.sync_copy(onesv, acc.at[idxv.at[j]], add=True)
    return carry

  lax.fori_loop(0, NCH, body, 0)
  plsc.subcore_barrier()
  pltpu.sync_copy(eidx_hbm.at[s], eidxv)
  for t in range(XCH):
    pltpu.async_copy(acc.at[eidxv.at[t]], erows.at[pl.ds(t * CH, CH)], esem)
  for t in range(XCH):
    pltpu.make_async_copy(acc.at[eidxv.at[0]], erows.at[pl.ds(0, CH)],
                          esem).wait()
  pltpu.sync_copy(erows, out_hbm.at[c, s])


@functools.cache
def _hist_call():
  return pl.kernel(
      _hist_body,
      out_type=jax.ShapeDtypeStruct((NC, NS, RPT * 4, HW), jnp.float32),
      mesh=_sc_mesh(),
      compiler_params=pltpu.CompilerParams(use_tc_tiling_on_sc=False),
      scratch_types=[
          pltpu.VMEM_SHARED((NP, HW), jnp.float32),
          pltpu.VMEM((CH, HW), jnp.float32),
          pltpu.VMEM((NCH, CH), jnp.int32),
          pltpu.VMEM((CPB, HW), jnp.float32),
          pltpu.VMEM((RPT * 4, HW), jnp.float32),
          pltpu.VMEM((XCH, CH), jnp.int32),
          pltpu.SemaphoreType.DMA,
      ],
  )


def _agg_body(src_hbm, dst_hbm, g_hbm, out_hbm, acc, gbuf, srcv, dstv, rows,
              gsems, ssems, stsem):
  c = lax.axis_index("c")
  s = lax.axis_index("s")
  zbuf = rows[0].at[pl.ds(0, CPB)]

  stage = pltpu.async_copy(
      g_hbm.at[pl.ds(s * RPT, RPT)], gbuf.at[pl.ds(s * RPT, RPT)], stsem)

  def fill(i, carry):
    for q in range(H // 16):
      rows[0][i, pl.ds(q * 16, 16)] = jnp.zeros((16,), jnp.float32)
    return carry

  lax.fori_loop(0, CPB, fill, 0)
  for t in range(RPT // CPB):
    pltpu.sync_copy(zbuf, acc.at[pl.ds(s * RPT + t * CPB, CPB)])
  stage.wait()
  plsc.subcore_barrier()

  pltpu.sync_copy(src_hbm.at[c, s], srcv)
  pltpu.sync_copy(dst_hbm.at[c, s], dstv)
  for b in range(NBUF):
    pltpu.async_copy(gbuf.at[srcv.at[b]], rows[b], gsems[b])

  def body(t, carry):
    j0 = NBUF * t
    for b in range(NBUF):
      j = j0 + b
      pltpu.make_async_copy(gbuf.at[srcv.at[0]], rows[b], gsems[b]).wait()
      pltpu.async_copy(rows[b], acc.at[dstv.at[j]], ssems[b], add=True)

      @pl.when(j + NBUF < NCH)
      def _():
        pltpu.make_async_copy(rows[b], acc.at[dstv.at[0]], ssems[b]).wait()
        pltpu.async_copy(gbuf.at[srcv.at[j + NBUF]], rows[b], gsems[b])

    return carry

  lax.fori_loop(0, NCH // NBUF, body, 0)
  for b in range(NBUF):
    pltpu.make_async_copy(rows[b], acc.at[dstv.at[0]], ssems[b]).wait()

  plsc.subcore_barrier()
  for t in range(RPT // CPB):
    pltpu.sync_copy(acc.at[pl.ds(s * RPT + t * CPB, CPB)], zbuf)
    pltpu.sync_copy(zbuf, out_hbm.at[c, pl.ds(s * RPT + t * CPB, CPB)])


@functools.cache
def _agg_call():
  return pl.kernel(
      _agg_body,
      out_type=jax.ShapeDtypeStruct((NC, NP, H), jnp.float32),
      mesh=_sc_mesh(),
      compiler_params=pltpu.CompilerParams(use_tc_tiling_on_sc=False),
      scratch_types=[
          pltpu.VMEM_SHARED((NP, H), jnp.float32),
          pltpu.VMEM_SHARED((NP, H), jnp.float32),
          pltpu.VMEM((NCH, CH), jnp.int32),
          pltpu.VMEM((NCH, CH), jnp.int32),
          [pltpu.VMEM((CH, H), jnp.float32) for _ in range(NBUF)],
          [pltpu.SemaphoreType.DMA for _ in range(NBUF)],
          [pltpu.SemaphoreType.DMA for _ in range(NBUF)],
          pltpu.SemaphoreType.DMA,
      ],
  )


def _tc1_body(x_ref, w_ref, hist_ref, g_ref, dinv_ref):
  deg = hist_ref[0] + hist_ref[1] + 1.0
  dinv = lax.rsqrt(jnp.maximum(deg, 1.0))
  dinv_ref[...] = dinv
  g_ref[...] = dinv * jnp.dot(
      x_ref[...], w_ref[...], preferred_element_type=jnp.float32)


def _tc1_call(x2, wblk, hist):
  return pl.pallas_call(
      _tc1_body,
      out_shape=(
          jax.ShapeDtypeStruct((PAIR, 128), jnp.float32),
          jax.ShapeDtypeStruct((PAIR, 128), jnp.float32),
      ),
  )(x2, wblk, hist)


def _tc2_body(p_ref, g_ref, dinv_ref, b_ref, w_ref, o_ref):
  es = p_ref[0] + p_ref[1] + g_ref[...]
  h = jnp.maximum(dinv_ref[...] * es + b_ref[...], 0.0)
  o_ref[...] = dinv_ref[...] * jnp.dot(
      h, w_ref[...], preferred_element_type=jnp.float32)


def _tc2_call(p, g, dinv, b, wblk):
  return pl.pallas_call(
      _tc2_body,
      out_shape=jax.ShapeDtypeStruct((PAIR, 128), jnp.float32),
  )(p, g, dinv, b, wblk)


def _tc3_body(p_ref, g_ref, dinv_ref, b_ref, batch_ref, wfc_ref, bfc_ref,
              wout_ref, bout_ref, o_ref):
  h = jnp.maximum(
      dinv_ref[...] * (p_ref[0] + p_ref[1] + g_ref[...]) + b_ref[...], 0.0)
  seg = lax.broadcasted_iota(jnp.int32, (PAIR, 2 * G), 1)
  bl = batch_ref[...][:, 0:1]
  br = batch_ref[...][:, 1:2]
  msk = (seg < G).astype(jnp.float32)
  ohl = (bl == seg).astype(jnp.float32)
  ohr = (br == seg - G).astype(jnp.float32)
  oh = msk * ohl + (1.0 - msk) * ohr
  m = lax.dot_general(
      oh, h, (((0,), (0,)), ((), ())), preferred_element_type=jnp.float32)
  sums = lax.slice(m, (0, 0), (G, G)) + lax.slice(m, (G, G), (2 * G, 2 * G))
  cnt = lax.dot_general(
      oh, jnp.ones((PAIR, 1), jnp.float32), (((0,), (0,)), ((), ())),
      preferred_element_type=jnp.float32)
  counts = lax.slice(cnt, (0, 0), (G, 1)) + lax.slice(cnt, (G, 0), (2 * G, 1))
  pooled = sums / jnp.maximum(counts, 1.0)
  z = jnp.maximum(
      jnp.dot(pooled, wfc_ref[...], preferred_element_type=jnp.float32)
      + bfc_ref[...], 0.0)
  o_ref[...] = jnp.dot(
      z, wout_ref[...], preferred_element_type=jnp.float32) + bout_ref[...]


def _tc3_call(p, g, dinv, b, batch2, wfc, bfc, wout, bout):
  return pl.pallas_call(
      _tc3_body,
      out_shape=jax.ShapeDtypeStruct((G, 1), jnp.float32),
  )(p, g, dinv, b, batch2, wfc, bfc, wout, bout)


def _blockdiag2(w):
  k, m = w.shape
  z = jnp.zeros((2 * k, 2 * m), jnp.float32)
  return z.at[:k, :m].set(w).at[k:, m:].set(w)


def kernel(x, edge_index, batch, W1, b1, W2, b2, Wfc1, bfc1, Wout, bout):
  pad = jnp.full((EPAD - E,), N, jnp.int32)
  srcp = jnp.concatenate([edge_index[0].astype(jnp.int32), pad]).reshape(
      NC, NS, NCH, CH)
  dstp = jnp.concatenate([edge_index[1].astype(jnp.int32), pad]).reshape(
      NC, NS, NCH, CH)
  x2 = jnp.pad(x, ((0, NP - N), (0, 0))).reshape(PAIR, 2 * D)
  batch2 = jnp.pad(
      batch.astype(jnp.int32), (0, NP - N), constant_values=G).reshape(PAIR, 2)
  eidx = jnp.repeat(jnp.arange(NP, dtype=jnp.int32), 4).reshape(NS, XCH, CH)
  w1blk = _blockdiag2(W1)
  w2blk = _blockdiag2(W2)
  b1p = jnp.concatenate([b1, b1]).reshape(1, 2 * H)
  b2p = jnp.concatenate([b2, b2]).reshape(1, 2 * H)

  hist = _hist_call()(dstp, eidx).reshape(NC, PAIR, 128)
  g1, dinv = _tc1_call(x2, w1blk, hist)
  p1 = _agg_call()(srcp, dstp, g1.reshape(NP, H)).reshape(NC, PAIR, 128)
  g2 = _tc2_call(p1, g1, dinv, b1p, w2blk)
  p2 = _agg_call()(srcp, dstp, g2.reshape(NP, H)).reshape(NC, PAIR, 128)
  out = _tc3_call(p2, g2, dinv, b2p, batch2, Wfc1, bfc1.reshape(1, G), Wout,
                  bout.reshape(1, 1))
  return out

# --- scband reference (transcript-rebuilt; emitter-appended) ---
"""Pipeline reference for scband-simple-gnn-76158360093322 (READ-ONLY COPY).

The authoritative reference and input builder live on the scoring server;
editing this copy changes nothing except your own understanding.
"""

import jax, jax.numpy as jnp
import numpy as np

N = 10000
E = 320000
D = 128
H = 64
G = 64


def setup_inputs(seed: int = 0) -> dict:
    key = jax.random.key(seed)
    ks = jax.random.split(key, 12)
    x = jax.random.normal(ks[0], (N, D), dtype=jnp.float32)
    edge_index = jax.random.randint(ks[1], (2, E), 0, N)
    batch = jnp.sort(jax.random.randint(ks[2], (N,), 0, G))
    W1 = jax.random.normal(ks[3], (D, H), dtype=jnp.float32) * 0.05
    b1 = jnp.zeros((H,), dtype=jnp.float32)
    W2 = jax.random.normal(ks[4], (H, H), dtype=jnp.float32) * 0.05
    b2 = jnp.zeros((H,), dtype=jnp.float32)
    Wfc1 = jax.random.normal(ks[5], (H, 64), dtype=jnp.float32) * 0.05
    bfc1 = jnp.zeros((64,), dtype=jnp.float32)
    Wout = jax.random.normal(ks[6], (64, 1), dtype=jnp.float32) * 0.05
    bout = jnp.zeros((1,), dtype=jnp.float32)
    return {"x": x, "edge_index": edge_index, "batch": batch, "W1": W1, "b1": b1, "W2": W2, "b2": b2, "Wfc1": Wfc1, "bfc1": bfc1, "Wout": Wout, "bout": bout}


def _gcn_conv(x, src, dst, n, W, b):
    # GCNConv: linear transform, symmetric normalization with self-loops, scatter-add aggregation
    h = x @ W
    deg = jnp.zeros((n,), dtype=h.dtype).at[dst].add(1.0)
    dinv = jnp.where(deg > 0, 1.0 / jnp.sqrt(deg), 0.0)
    norm = dinv[src] * dinv[dst]
    msg = h[src] * norm[:, None]
    out = jnp.zeros_like(h).at[dst].add(msg)
    return out + b


def reference(x, edge_index, batch, W1, b1, W2, b2, Wfc1, bfc1, Wout, bout):
    n = x.shape[0]
    loop = jnp.arange(n)
    src = jnp.concatenate([edge_index[0], loop])
    dst = jnp.concatenate([edge_index[1], loop])
    # layer 1 (dropout is identity in eval)
    h = _gcn_conv(x, src, dst, n, W1, b1)
    h = jnp.maximum(h, 0.0)
    # layer 2
    h = _gcn_conv(h, src, dst, n, W2, b2)
    h = jnp.maximum(h, 0.0)
    # global mean pool over batch segment ids
    summed = jax.ops.segment_sum(h, batch, num_segments=G)
    counts = jax.ops.segment_sum(jnp.ones((n,), dtype=h.dtype), batch, num_segments=G)
    pooled = summed / jnp.maximum(counts, 1.0)[:, None]
    # head
    z = jnp.maximum(pooled @ Wfc1 + bfc1, 0.0)
    out = z @ Wout + bout
    return out

if __name__ == "__main__":
    import jax
    _d = setup_inputs()
    print(jax.jit(kernel)(*tuple(_d.values())))

</pallas_src>

<mosaic_0001>
#map = affine_map<(d0, d1) -> (0, 0, 0, 0)>
#map1 = affine_map<(d0, d1) -> (0, 0, 0)>
module attributes {stable_mosaic.version = 14 : i64} {
  func.func @_hist_body(%arg0: i32, %arg1: i32, %arg2: memref<2x16x80x128xi32, #tpu.memory_space<hbm>>, %arg3: memref<16x20x128xi32, #tpu.memory_space<hbm>>, %arg4: memref<2x16x2560x16xf32, #tpu.memory_space<hbm>>, %arg5: memref<10240x16xf32, #tpu.memory_space<vmem_shared>>, %arg6: memref<128x16xf32, #tpu.memory_space<vmem>>, %arg7: memref<80x128xi32, #tpu.memory_space<vmem>>, %arg8: memref<128x16xf32, #tpu.memory_space<vmem>>, %arg9: memref<2560x16xf32, #tpu.memory_space<vmem>>, %arg10: memref<20x128xi32, #tpu.memory_space<vmem>>, %arg11: memref<!tpu.dma_semaphore, #tpu.memory_space<semaphore_mem>>) attributes {dimension_semantics = [#tpu.dimension_semantics<core_parallel>, #tpu.dimension_semantics<subcore_parallel>], iteration_bounds = array<i64: 2, 16>, scalar_prefetch = 0 : i64, scratch_operands = 7 : i64, tpu.core_type = #tpu.core_type<sc_vector_subcore>, window_params = [{transform_indices = #map}, {transform_indices = #map1}, {transform_indices = #map}]} {
    %scan3A = arith.constant 0 : i32
    %scan3A_0 = arith.constant 0 : i32
    %scan3A_1 = arith.constant 128 : i32
    %scan3A_2 = arith.addi %scan3A_0, %scan3A_1 : i32
    %scan3A_3 = arith.constant 1 : i32
    scf.for %scan3A_434 = %scan3A_0 to %scan3A_2 step %scan3A_3  : i32 {
      %broadcast_in_dim3A = arith.constant 1.000000e+00 : f32
      %broadcast_in_dim3A_435 = vector.broadcast %broadcast_in_dim3A : f32 to vector<16xf32>
      %swap3A = arith.index_cast %scan3A_434 : i32 to index
      %swap3A_436 = arith.constant 0 : index
      %swap3A_437 = tpu.vector_load %arg6[%swap3A, %swap3A_436] {strides = array<i32>} : memref<128x16xf32, #tpu.memory_space<vmem>>, vector<1x16xf32>,
      %swap3A_438 = vector.shape_cast %swap3A_437 : vector<1x16xf32> to vector<16xf32>
      %swap3A_439 = vector.shape_cast %broadcast_in_dim3A_435 : vector<16xf32> to vector<1x16xf32>
      tpu.vector_store %arg6[%swap3A, %swap3A_436], %swap3A_439 {strides = array<i32>} : memref<128x16xf32, #tpu.memory_space<vmem>>, vector<1x16xf32>,
    }
    %scan3A_4 = arith.constant 128 : i32
    %scan3A_5 = arith.constant 0 : i32
    %scan3A_6 = arith.constant 0 : i32
    %scan3A_7 = arith.constant 128 : i32
    %scan3A_8 = arith.addi %scan3A_6, %scan3A_7 : i32
    %scan3A_9 = arith.constant 1 : i32
    scf.for %scan3A_434 = %scan3A_6 to %scan3A_8 step %scan3A_9  : i32 {
      %broadcast_in_dim3A = arith.constant 0.000000e+00 : f32
      %broadcast_in_dim3A_435 = vector.broadcast %broadcast_in_dim3A : f32 to vector<16xf32>
      %swap3A = arith.index_cast %scan3A_434 : i32 to index
      %swap3A_436 = arith.constant 0 : index
      %swap3A_437 = tpu.vector_load %arg8[%swap3A, %swap3A_436] {strides = array<i32>} : memref<128x16xf32, #tpu.memory_space<vmem>>, vector<1x16xf32>,
      %swap3A_438 = vector.shape_cast %swap3A_437 : vector<1x16xf32> to vector<16xf32>
      %swap3A_439 = vector.shape_cast %broadcast_in_dim3A_435 : vector<16xf32> to vector<1x16xf32>
      tpu.vector_store %arg8[%swap3A, %swap3A_436], %swap3A_439 {strides = array<i32>} : memref<128x16xf32, #tpu.memory_space<vmem>>, vector<1x16xf32>,
    }
    %scan3A_10 = arith.constant 128 : i32
    %mul3A = arith.constant 640 : i32
    %mul3A_11 = arith.muli %arg1, %mul3A : i32
    %add3A = arith.constant 0 : i32
    %add3A_12 = arith.addi %mul3A_11, %add3A : i32
    "tpu.region"() ({
      %run_scoped3A = tpu.sem_alloc : memref<!tpu.dma_semaphore, #tpu.memory_space<semaphore_mem>>
      %dma_start3A_434 = arith.constant 0 : i32
      %dma_start3A_435 = tpu.memref_slice %arg5[%add3A_12, %dma_start3A_434] : memref<10240x16xf32, #tpu.memory_space<vmem_shared>> -> memref<128x16xf32, #tpu.memory_space<vmem_shared>>
      %dma_start3A_436 = arith.constant 0 : i32
      %dma_start3A_437 = tpu.memref_slice %arg5[%add3A_12, %dma_start3A_436] : memref<10240x16xf32, #tpu.memory_space<vmem_shared>> -> memref<128x16xf32, #tpu.memory_space<vmem_shared>>
      tpu.enqueue_dma source(%arg8 : memref<128x16xf32, #tpu.memory_space<vmem>>) target(%dma_start3A_437 : memref<128x16xf32, #tpu.memory_space<vmem_shared>>) target_semaphore(%run_scoped3A : memref<!tpu.dma_semaphore, #tpu.memory_space<semaphore_mem>>)
      %dma_wait3A_438 = arith.constant 0 : i32
      %dma_wait3A_439 = tpu.memref_slice %arg5[%add3A_12, %dma_wait3A_438] : memref<10240x16xf32, #tpu.memory_space<vmem_shared>> -> memref<128x16xf32, #tpu.memory_space<vmem_shared>>
      %dma_wait3A_440 = arith.constant 0 : i32
      %dma_wait3A_441 = tpu.memref_slice %arg5[%add3A_12, %dma_wait3A_440] : memref<10240x16xf32, #tpu.memory_space<vmem_shared>> -> memref<128x16xf32, #tpu.memory_space<vmem_shared>>
      tpu.wait_dma2 semaphore(%run_scoped3A : memref<!tpu.dma_semaphore, #tpu.memory_space<semaphore_mem>>) src(%arg8 : memref<128x16xf32, #tpu.memory_space<vmem>>) dst(%dma_wait3A_441 : memref<128x16xf32, #tpu.memory_space<vmem_shared>>)
      tpu.yield
    }) : () -> ()
    %mul3A_13 = arith.constant 640 : i32
    %mul3A_14 = arith.muli %arg1, %mul3A_13 : i32
    %add3A_15 = arith.constant 128 : i32
    %add3A_16 = arith.addi %mul3A_14, %add3A_15 : i32
    "tpu.region"() ({
      %run_scoped3A = tpu.sem_alloc : memref<!tpu.dma_semaphore, #tpu.memory_space<semaphore_mem>>
      %dma_start3A_434 = arith.constant 0 : i32
      %dma_start3A_435 = tpu.memref_slice %arg5[%add3A_16, %dma_start3A_434] : memref<10240x16xf32, #tpu.memory_space<vmem_shared>> -> memref<128x16xf32, #tpu.memory_space<vmem_shared>>
      %dma_start3A_436 = arith.constant 0 : i32
      %dma_start3A_437 = tpu.memref_slice %arg5[%add3A_16, %dma_start3A_436] : memref<10240x16xf32, #tpu.memory_space<vmem_shared>> -> memref<128x16xf32, #tpu.memory_space<vmem_shared>>
      tpu.enqueue_dma source(%arg8 : memref<128x16xf32, #tpu.memory_space<vmem>>) target(%dma_start3A_437 : memref<128x16xf32, #tpu.memory_space<vmem_shared>>) target_semaphore(%run_scoped3A : memref<!tpu.dma_semaphore, #tpu.memory_space<semaphore_mem>>)
      %dma_wait3A_438 = arith.constant 0 : i32
      %dma_wait3A_439 = tpu.memref_slice %arg5[%add3A_16, %dma_wait3A_438] : memref<10240x16xf32, #tpu.memory_space<vmem_shared>> -> memref<128x16xf32, #tpu.memory_space<vmem_shared>>
      %dma_wait3A_440 = arith.constant 0 : i32
      %dma_wait3A_441 = tpu.memref_slice %arg5[%add3A_16, %dma_wait3A_440] : memref<10240x16xf32, #tpu.memory_space<vmem_shared>> -> memref<128x16xf32, #tpu.memory_space<vmem_shared>>
      tpu.wait_dma2 semaphore(%run_scoped3A : memref<!tpu.dma_semaphore, #tpu.memory_space<semaphore_mem>>) src(%arg8 : memref<128x16xf32, #tpu.memory_space<vmem>>) dst(%dma_wait3A_441 : memref<128x16xf32, #tpu.memory_space<vmem_shared>>)
      tpu.yield
    }) : () -> ()
    %mul3A_17 = arith.constant 640 : i32
    %mul3A_18 = arith.muli %arg1, %mul3A_17 : i32
    %add3A_19 = arith.constant 256 : i32
    %add3A_20 = arith.addi %mul3A_18, %add3A_19 : i32
    "tpu.region"() ({
      %run_scoped3A = tpu.sem_alloc : memref<!tpu.dma_semaphore, #tpu.memory_space<semaphore_mem>>
      %dma_start3A_434 = arith.constant 0 : i32
      %dma_start3A_435 = tpu.memref_slice %arg5[%add3A_20, %dma_start3A_434] : memref<10240x16xf32, #tpu.memory_space<vmem_shared>> -> memref<128x16xf32, #tpu.memory_space<vmem_shared>>
      %dma_start3A_436 = arith.constant 0 : i32
      %dma_start3A_437 = tpu.memref_slice %arg5[%add3A_20, %dma_start3A_436] : memref<10240x16xf32, #tpu.memory_space<vmem_shared>> -> memref<128x16xf32, #tpu.memory_space<vmem_shared>>
      tpu.enqueue_dma source(%arg8 : memref<128x16xf32, #tpu.memory_space<vmem>>) target(%dma_start3A_437 : memref<128x16xf32, #tpu.memory_space<vmem_shared>>) target_semaphore(%run_scoped3A : memref<!tpu.dma_semaphore, #tpu.memory_space<semaphore_mem>>)
      %dma_wait3A_438 = arith.constant 0 : i32
      %dma_wait3A_439 = tpu.memref_slice %arg5[%add3A_20, %dma_wait3A_438] : memref<10240x16xf32, #tpu.memory_space<vmem_shared>> -> memref<128x16xf32, #tpu.memory_space<vmem_shared>>
      %dma_wait3A_440 = arith.constant 0 : i32
      %dma_wait3A_441 = tpu.memref_slice %arg5[%add3A_20, %dma_wait3A_440] : memref<10240x16xf32, #tpu.memory_space<vmem_shared>> -> memref<128x16xf32, #tpu.memory_space<vmem_shared>>
      tpu.wait_dma2 semaphore(%run_scoped3A : memref<!tpu.dma_semaphore, #tpu.memory_space<semaphore_mem>>) src(%arg8 : memref<128x16xf32, #tpu.memory_space<vmem>>) dst(%dma_wait3A_441 : memref<128x16xf32, #tpu.memory_space<vmem_shared>>)
      tpu.yield
    }) : () -> ()
    %mul3A_21 = arith.constant 640 : i32
    %mul3A_22 = arith.muli %arg1, %mul3A_21 : i32
    %add3A_23 = arith.constant 384 : i32
    %add3A_24 = arith.addi %mul3A_22, %add3A_23 : i32
    "tpu.region"() ({
      %run_scoped3A = tpu.sem_alloc : memref<!tpu.dma_semaphore, #tpu.memory_space<semaphore_mem>>
      %dma_start3A_434 = arith.constant 0 : i32
      %dma_start3A_435 = tpu.memref_slice %arg5[%add3A_24, %dma_start3A_434] : memref<10240x16xf32, #tpu.memory_space<vmem_shared>> -> memref<128x16xf32, #tpu.memory_space<vmem_shared>>
      %dma_start3A_436 = arith.constant 0 : i32
      %dma_start3A_437 = tpu.memref_slice %arg5[%add3A_24, %dma_start3A_436] : memref<10240x16xf32, #tpu.memory_space<vmem_shared>> -> memref<128x16xf32, #tpu.memory_space<vmem_shared>>
      tpu.enqueue_dma source(%arg8 : memref<128x16xf32, #tpu.memory_space<vmem>>) target(%dma_start3A_437 : memref<128x16xf32, #tpu.memory_space<vmem_shared>>) target_semaphore(%run_scoped3A : memref<!tpu.dma_semaphore, #tpu.memory_space<semaphore_mem>>)
      %dma_wait3A_438 = arith.constant 0 : i32
      %dma_wait3A_439 = tpu.memref_slice %arg5[%add3A_24, %dma_wait3A_438] : memref<10240x16xf32, #tpu.memory_space<vmem_shared>> -> memref<128x16xf32, #tpu.memory_space<vmem_shared>>
      %dma_wait3A_440 = arith.constant 0 : i32
      %dma_wait3A_441 = tpu.memref_slice %arg5[%add3A_24, %dma_wait3A_440] : memref<10240x16xf32, #tpu.memory_space<vmem_shared>> -> memref<128x16xf32, #tpu.memory_space<vmem_shared>>
      tpu.wait_dma2 semaphore(%run_scoped3A : memref<!tpu.dma_semaphore, #tpu.memory_space<semaphore_mem>>) src(%arg8 : memref<128x16xf32, #tpu.memory_space<vmem>>) dst(%dma_wait3A_441 : memref<128x16xf32, #tpu.memory_space<vmem_shared>>)
      tpu.yield
    }) : () -> ()
    %mul3A_25 = arith.constant 640 : i32
    %mul3A_26 = arith.muli %arg1, %mul3A_25 : i32
    %add3A_27 = arith.constant 512 : i32
    %add3A_28 = arith.addi %mul3A_26, %add3A_27 : i32
    "tpu.region"() ({
      %run_scoped3A = tpu.sem_alloc : memref<!tpu.dma_semaphore, #tpu.memory_space<semaphore_mem>>
      %dma_start3A_434 = arith.constant 0 : i32
      %dma_start3A_435 = tpu.memref_slice %arg5[%add3A_28, %dma_start3A_434] : memref<10240x16xf32, #tpu.memory_space<vmem_shared>> -> memref<128x16xf32, #tpu.memory_space<vmem_shared>>
      %dma_start3A_436 = arith.constant 0 : i32
      %dma_start3A_437 = tpu.memref_slice %arg5[%add3A_28, %dma_start3A_436] : memref<10240x16xf32, #tpu.memory_space<vmem_shared>> -> memref<128x16xf32, #tpu.memory_space<vmem_shared>>
      tpu.enqueue_dma source(%arg8 : memref<128x16xf32, #tpu.memory_space<vmem>>) target(%dma_start3A_437 : memref<128x16xf32, #tpu.memory_space<vmem_shared>>) target_semaphore(%run_scoped3A : memref<!tpu.dma_semaphore, #tpu.memory_space<semaphore_mem>>)
      %dma_wait3A_438 = arith.constant 0 : i32
      %dma_wait3A_439 = tpu.memref_slice %arg5[%add3A_28, %dma_wait3A_438] : memref<10240x16xf32, #tpu.memory_space<vmem_shared>> -> memref<128x16xf32, #tpu.memory_space<vmem_shared>>
      %dma_wait3A_440 = arith.constant 0 : i32
      %dma_wait3A_441 = tpu.memref_slice %arg5[%add3A_28, %dma_wait3A_440] : memref<10240x16xf32, #tpu.memory_space<vmem_shared>> -> memref<128x16xf32, #tpu.memory_space<vmem_shared>>
      tpu.wait_dma2 semaphore(%run_scoped3A : memref<!tpu.dma_semaphore, #tpu.memory_space<semaphore_mem>>) src(%arg8 : memref<128x16xf32, #tpu.memory_space<vmem>>) dst(%dma_wait3A_441 : memref<128x16xf32, #tpu.memory_space<vmem_shared>>)
      tpu.yield
    }) : () -> ()
    %barrier3A = arith.constant 0 : index
    tpu.barrier barrier_id(%barrier3A)
    "tpu.region"() ({
      %run_scoped3A = tpu.sem_alloc : memref<!tpu.dma_semaphore, #tpu.memory_space<semaphore_mem>>
      %dma_start3A_434 = arith.constant 0 : i32
      %dma_start3A_435 = arith.constant 0 : i32
      %dma_start3A_436 = tpu.memref_slice %arg2[%arg0, %arg1, %dma_start3A_434, %dma_start3A_435] : memref<2x16x80x128xi32, #tpu.memory_space<hbm>> -> memref<1x1x80x128xi32, #tpu.memory_space<hbm>>
      %dma_start3A_437 = tpu.memref_squeeze %dma_start3A_436 : memref<1x1x80x128xi32, #tpu.memory_space<hbm>> -> memref<80x128xi32, #tpu.memory_space<hbm>>
      %dma_start3A_438 = arith.constant 0 : i32
      %dma_start3A_439 = arith.constant 0 : i32
      %dma_start3A_440 = tpu.memref_slice %arg2[%arg0, %arg1, %dma_start3A_438, %dma_start3A_439] : memref<2x16x80x128xi32, #tpu.memory_space<hbm>> -> memref<1x1x80x128xi32, #tpu.memory_space<hbm>>
      %dma_start3A_441 = tpu.memref_squeeze %dma_start3A_440 : memref<1x1x80x128xi32, #tpu.memory_space<hbm>> -> memref<80x128xi32, #tpu.memory_space<hbm>>
      tpu.enqueue_dma source(%dma_start3A_441 : memref<80x128xi32, #tpu.memory_space<hbm>>) target(%arg7 : memref<80x128xi32, #tpu.memory_space<vmem>>) target_semaphore(%run_scoped3A : memref<!tpu.dma_semaphore, #tpu.memory_space<semaphore_mem>>)
      %dma_wait3A_442 = arith.constant 0 : i32
      %dma_wait3A_443 = arith.constant 0 : i32
      %dma_wait3A_444 = tpu.memref_slice %arg2[%arg0, %arg1, %dma_wait3A_442, %dma_wait3A_443] : memref<2x16x80x128xi32, #tpu.memory_space<hbm>> -> memref<1x1x80x128xi32, #tpu.memory_space<hbm>>
      %dma_wait3A_445 = tpu.memref_squeeze %dma_wait3A_444 : memref<1x1x80x128xi32, #tpu.memory_space<hbm>> -> memref<80x128xi32, #tpu.memory_space<hbm>>
      %dma_wait3A_446 = arith.constant 0 : i32
      %dma_wait3A_447 = arith.constant 0 : i32
      %dma_wait3A_448 = tpu.memref_slice %arg2[%arg0, %arg1, %dma_wait3A_446, %dma_wait3A_447] : memref<2x16x80x128xi32, #tpu.memory_space<hbm>> -> memref<1x1x80x128xi32, #tpu.memory_space<hbm>>
      %dma_wait3A_449 = tpu.memref_squeeze %dma_wait3A_448 : memref<1x1x80x128xi32, #tpu.memory_space<hbm>> -> memref<80x128xi32, #tpu.memory_space<hbm>>
      tpu.wait_dma2 semaphore(%run_scoped3A : memref<!tpu.dma_semaphore, #tpu.memory_space<semaphore_mem>>) src(%dma_wait3A_449 : memref<80x128xi32, #tpu.memory_space<hbm>>) dst(%arg7 : memref<80x128xi32, #tpu.memory_space<vmem>>)
      tpu.yield
    }) : () -> ()
    %scan3A_29 = arith.constant 0 : i32
    %scan3A_30 = arith.constant 0 : i32
    %scan3A_31 = arith.constant 80 : i32
    %scan3A_32 = arith.addi %scan3A_30, %scan3A_31 : i32
    %scan3A_33 = arith.constant 1 : i32
    scf.for %scan3A_434 = %scan3A_30 to %scan3A_32 step %scan3A_33  : i32 {
      "tpu.region"() ({
        %run_scoped3A = tpu.sem_alloc : memref<!tpu.dma_semaphore, #tpu.memory_space<semaphore_mem>>
        %dma_start3A_435 = arith.constant 0 : i32
        %dma_start3A_436 = tpu.memref_slice %arg7[%scan3A_434, %dma_start3A_435] : memref<80x128xi32, #tpu.memory_space<vmem>> -> memref<1x128xi32, #tpu.memory_space<vmem>>
        %dma_start3A_437 = tpu.memref_squeeze %dma_start3A_436 : memref<1x128xi32, #tpu.memory_space<vmem>> -> memref<128xi32, #tpu.memory_space<vmem>>
        %dma_start3A_438 = arith.constant 0 : i32
        %dma_start3A_439 = arith.constant 0 : i32
        %dma_start3A_440 = tpu.memref_slice %arg5[%dma_start3A_438, %dma_start3A_439] : memref<10240x16xf32, #tpu.memory_space<vmem_shared>> -> memref<10240x16xf32, #tpu.memory_space<vmem_shared>>
        tpu.enqueue_indirect_dma source(%arg6 : memref<128x16xf32, #tpu.memory_space<vmem>>) target(%dma_start3A_440 : memref<10240x16xf32, #tpu.memory_space<vmem_shared>>) offsets(%dma_start3A_437 : memref<128xi32, #tpu.memory_space<vmem>>) semaphore(%run_scoped3A : memref<!tpu.dma_semaphore, #tpu.memory_space<semaphore_mem>>) {add = true}
        %dma_wait3A_441 = arith.constant 0 : i32
        %dma_wait3A_442 = tpu.memref_slice %arg7[%scan3A_434, %dma_wait3A_441] : memref<80x128xi32, #tpu.memory_space<vmem>> -> memref<1x128xi32, #tpu.memory_space<vmem>>
        %dma_wait3A_443 = tpu.memref_squeeze %dma_wait3A_442 : memref<1x128xi32, #tpu.memory_space<vmem>> -> memref<128xi32, #tpu.memory_space<vmem>>
        %dma_wait3A_444 = arith.constant 0 : i32
        %dma_wait3A_445 = arith.constant 0 : i32
        %dma_wait3A_446 = tpu.memref_slice %arg5[%dma_wait3A_444, %dma_wait3A_445] : memref<10240x16xf32, #tpu.memory_space<vmem_shared>> -> memref<10240x16xf32, #tpu.memory_space<vmem_shared>>
        tpu.wait_indirect_dma semaphore(%run_scoped3A : memref<!tpu.dma_semaphore, #tpu.memory_space<semaphore_mem>>) src(%arg6 : memref<128x16xf32, #tpu.memory_space<vmem>>) dst(%dma_wait3A_446 : memref<10240x16xf32, #tpu.memory_space<vmem_shared>>)
        tpu.yield
      }) : () -> ()
    }
    %scan3A_34 = arith.constant 80 : i32
    %barrier3A_35 = arith.constant 0 : index
    tpu.barrier barrier_id(%barrier3A_35)
    "tpu.region"() ({
      %run_scoped3A = tpu.sem_alloc : memref<!tpu.dma_semaphore, #tpu.memory_space<semaphore_mem>>
      %dma_start3A_434 = arith.constant 0 : i32
      %dma_start3A_435 = arith.constant 0 : i32
      %dma_start3A_436 = tpu.memref_slice %arg3[%arg1, %dma_start3A_434, %dma_start3A_435] : memref<16x20x128xi32, #tpu.memory_space<hbm>> -> memref<1x20x128xi32, #tpu.memory_space<hbm>>
      %dma_start3A_437 = tpu.memref_squeeze %dma_start3A_436 : memref<1x20x128xi32, #tpu.memory_space<hbm>> -> memref<20x128xi32, #tpu.memory_space<hbm>>
      %dma_start3A_438 = arith.constant 0 : i32
      %dma_start3A_439 = arith.constant 0 : i32
      %dma_start3A_440 = tpu.memref_slice %arg3[%arg1, %dma_start3A_438, %dma_start3A_439] : memref<16x20x128xi32, #tpu.memory_space<hbm>> -> memref<1x20x128xi32, #tpu.memory_space<hbm>>
      %dma_start3A_441 = tpu.memref_squeeze %dma_start3A_440 : memref<1x20x128xi32, #tpu.memory_space<hbm>> -> memref<20x128xi32, #tpu.memory_space<hbm>>
      tpu.enqueue_dma source(%dma_start3A_441 : memref<20x128xi32, #tpu.memory_space<hbm>>) target(%arg10 : memref<20x128xi32, #tpu.memory_space<vmem>>) target_semaphore(%run_scoped3A : memref<!tpu.dma_semaphore, #tpu.memory_space<semaphore_mem>>)
      %dma_wait3A_442 = arith.constant 0 : i32
      %dma_wait3A_443 = arith.constant 0 : i32
      %dma_wait3A_444 = tpu.memref_slice %arg3[%arg1, %dma_wait3A_442, %dma_wait3A_443] : memref<16x20x128xi32, #tpu.memory_space<hbm>> -> memref<1x20x128xi32, #tpu.memory_space<hbm>>
      %dma_wait3A_445 = tpu.memref_squeeze %dma_wait3A_444 : memref<1x20x128xi32, #tpu.memory_space<hbm>> -> memref<20x128xi32, #tpu.memory_space<hbm>>
      %dma_wait3A_446 = arith.constant 0 : i32
      %dma_wait3A_447 = arith.constant 0 : i32
      %dma_wait3A_448 = tpu.memref_slice %arg3[%arg1, %dma_wait3A_446, %dma_wait3A_447] : memref<16x20x128xi32, #tpu.memory_space<hbm>> -> memref<1x20x128xi32, #tpu.memory_space<hbm>>
      %dma_wait3A_449 = tpu.memref_squeeze %dma_wait3A_448 : memref<1x20x128xi32, #tpu.memory_space<hbm>> -> memref<20x128xi32, #tpu.memory_space<hbm>>
      tpu.wait_dma2 semaphore(%run_scoped3A : memref<!tpu.dma_semaphore, #tpu.memory_space<semaphore_mem>>) src(%dma_wait3A_449 : memref<20x128xi32, #tpu.memory_space<hbm>>) dst(%arg10 : memref<20x128xi32, #tpu.memory_space<vmem>>)
      tpu.yield
    }) : () -> ()
    %dma_start3A = arith.constant 0 : i32
    %dma_start3A_36 = arith.constant 0 : i32
    %dma_start3A_37 = arith.constant 0 : i32
    %dma_start3A_38 = tpu.memref_slice %arg9[%dma_start3A_36, %dma_start3A_37] : memref<2560x16xf32, #tpu.memory_space<vmem>> -> memref<128x16xf32, #tpu.memory_space<vmem>>
    %dma_start3A_39 = arith.constant 0 : i32
    %dma_start3A_40 = tpu.memref_slice %arg10[%dma_start3A, %dma_start3A_39] : memref<20x128xi32, #tpu.memory_space<vmem>> -> memref<1x128xi32, #tpu.memory_space<vmem>>
    %dma_start3A_41 = tpu.memref_squeeze %dma_start3A_40 : memref<1x128xi32, #tpu.memory_space<vmem>> -> memref<128xi32, #tpu.memory_space<vmem>>
    %dma_start3A_42 = arith.constant 0 : i32
    %dma_start3A_43 = arith.constant 0 : i32
    %dma_start3A_44 = tpu.memref_slice %arg5[%dma_start3A_42, %dma_start3A_43] : memref<10240x16xf32, #tpu.memory_space<vmem_shared>> -> memref<10240x16xf32, #tpu.memory_space<vmem_shared>>
    tpu.enqueue_indirect_dma source(%dma_start3A_44 : memref<10240x16xf32, #tpu.memory_space<vmem_shared>>) target(%dma_start3A_38 : memref<128x16xf32, #tpu.memory_space<vmem>>) offsets(%dma_start3A_41 : memref<128xi32, #tpu.memory_space<vmem>>) semaphore(%arg11 : memref<!tpu.dma_semaphore, #tpu.memory_space<semaphore_mem>>)
    %dma_start3A_45 = arith.constant 1 : i32
    %dma_start3A_46 = arith.constant 128 : i32
    %dma_start3A_47 = arith.constant 0 : i32
    %dma_start3A_48 = tpu.memref_slice %arg9[%dma_start3A_46, %dma_start3A_47] : memref<2560x16xf32, #tpu.memory_space<vmem>> -> memref<128x16xf32, #tpu.memory_space<vmem>>
    %dma_start3A_49 = arith.constant 0 : i32
    %dma_start3A_50 = tpu.memref_slice %arg10[%dma_start3A_45, %dma_start3A_49] : memref<20x128xi32, #tpu.memory_space<vmem>> -> memref<1x128xi32, #tpu.memory_space<vmem>>
    %dma_start3A_51 = tpu.memref_squeeze %dma_start3A_50 : memref<1x128xi32, #tpu.memory_space<vmem>> -> memref<128xi32, #tpu.memory_space<vmem>>
    %dma_start3A_52 = arith.constant 0 : i32
    %dma_start3A_53 = arith.constant 0 : i32
    %dma_start3A_54 = tpu.memref_slice %arg5[%dma_start3A_52, %dma_start3A_53] : memref<10240x16xf32, #tpu.memory_space<vmem_shared>> -> memref<10240x16xf32, #tpu.memory_space<vmem_shared>>
    tpu.enqueue_indirect_dma source(%dma_start3A_54 : memref<10240x16xf32, #tpu.memory_space<vmem_shared>>) target(%dma_start3A_48 : memref<128x16xf32, #tpu.memory_space<vmem>>) offsets(%dma_start3A_51 : memref<128xi32, #tpu.memory_space<vmem>>) semaphore(%arg11 : memref<!tpu.dma_semaphore, #tpu.memory_space<semaphore_mem>>)
    %dma_start3A_55 = arith.constant 2 : i32
    %dma_start3A_56 = arith.constant 256 : i32
    %dma_start3A_57 = arith.constant 0 : i32
    %dma_start3A_58 = tpu.memref_slice %arg9[%dma_start3A_56, %dma_start3A_57] : memref<2560x16xf32, #tpu.memory_space<vmem>> -> memref<128x16xf32, #tpu.memory_space<vmem>>
    %dma_start3A_59 = arith.constant 0 : i32
    %dma_start3A_60 = tpu.memref_slice %arg10[%dma_start3A_55, %dma_start3A_59] : memref<20x128xi32, #tpu.memory_space<vmem>> -> memref<1x128xi32, #tpu.memory_space<vmem>>
    %dma_start3A_61 = tpu.memref_squeeze %dma_start3A_60 : memref<1x128xi32, #tpu.memory_space<vmem>> -> memref<128xi32, #tpu.memory_space<vmem>>
    %dma_start3A_62 = arith.constant 0 : i32
    %dma_start3A_63 = arith.constant 0 : i32
    %dma_start3A_64 = tpu.memref_slice %arg5[%dma_start3A_62, %dma_start3A_63] : memref<10240x16xf32, #tpu.memory_space<vmem_shared>> -> memref<10240x16xf32, #tpu.memory_space<vmem_shared>>
    tpu.enqueue_indirect_dma source(%dma_start3A_64 : memref<10240x16xf32, #tpu.memory_space<vmem_shared>>) target(%dma_start3A_58 : memref<128x16xf32, #tpu.memory_space<vmem>>) offsets(%dma_start3A_61 : memref<128xi32, #tpu.memory_space<vmem>>) semaphore(%arg11 : memref<!tpu.dma_semaphore, #tpu.memory_space<semaphore_mem>>)
    %dma_start3A_65 = arith.constant 3 : i32
    %dma_start3A_66 = arith.constant 384 : i32
    %dma_start3A_67 = arith.constant 0 : i32
    %dma_start3A_68 = tpu.memref_slice %arg9[%dma_start3A_66, %dma_start3A_67] : memref<2560x16xf32, #tpu.memory_space<vmem>> -> memref<128x16xf32, #tpu.memory_space<vmem>>
    %dma_start3A_69 = arith.constant 0 : i32
    %dma_start3A_70 = tpu.memref_slice %arg10[%dma_start3A_65, %dma_start3A_69] : memref<20x128xi32, #tpu.memory_space<vmem>> -> memref<1x128xi32, #tpu.memory_space<vmem>>
    %dma_start3A_71 = tpu.memref_squeeze %dma_start3A_70 : memref<1x128xi32, #tpu.memory_space<vmem>> -> memref<128xi32, #tpu.memory_space<vmem>>
    %dma_start3A_72 = arith.constant 0 : i32
    %dma_start3A_73 = arith.constant 0 : i32
    %dma_start3A_74 = tpu.memref_slice %arg5[%dma_start3A_72, %dma_start3A_73] : memref<10240x16xf32, #tpu.memory_space<vmem_shared>> -> memref<10240x16xf32, #tpu.memory_space<vmem_shared>>
    tpu.enqueue_indirect_dma source(%dma_start3A_74 : memref<10240x16xf32, #tpu.memory_space<vmem_shared>>) target(%dma_start3A_68 : memref<128x16xf32, #tpu.memory_space<vmem>>) offsets(%dma_start3A_71 : memref<128xi32, #tpu.memory_space<vmem>>) semaphore(%arg11 : memref<!tpu.dma_semaphore, #tpu.memory_space<semaphore_mem>>)
    %dma_start3A_75 = arith.constant 4 : i32
    %dma_start3A_76 = arith.constant 512 : i32
    %dma_start3A_77 = arith.constant 0 : i32
    %dma_start3A_78 = tpu.memref_slice %arg9[%dma_start3A_76, %dma_start3A_77] : memref<2560x16xf32, #tpu.memory_space<vmem>> -> memref<128x16xf32, #tpu.memory_space<vmem>>
    %dma_start3A_79 = arith.constant 0 : i32
    %dma_start3A_80 = tpu.memref_slice %arg10[%dma_start3A_75, %dma_start3A_79] : memref<20x128xi32, #tpu.memory_space<vmem>> -> memref<1x128xi32, #tpu.memory_space<vmem>>
    %dma_start3A_81 = tpu.memref_squeeze %dma_start3A_80 : memref<1x128xi32, #tpu.memory_space<vmem>> -> memref<128xi32, #tpu.memory_space<vmem>>
    %dma_start3A_82 = arith.constant 0 : i32
    %dma_start3A_83 = arith.constant 0 : i32
    %dma_start3A_84 = tpu.memref_slice %arg5[%dma_start3A_82, %dma_start3A_83] : memref<10240x16xf32, #tpu.memory_space<vmem_shared>> -> memref<10240x16xf32, #tpu.memory_space<vmem_shared>>
    tpu.enqueue_indirect_dma source(%dma_start3A_84 : memref<10240x16xf32, #tpu.memory_space<vmem_shared>>) target(%dma_start3A_78 : memref<128x16xf32, #tpu.memory_space<vmem>>) offsets(%dma_start3A_81 : memref<128xi32, #tpu.memory_space<vmem>>) semaphore(%arg11 : memref<!tpu.dma_semaphore, #tpu.memory_space<semaphore_mem>>)
    %dma_start3A_85 = arith.constant 5 : i32
    %dma_start3A_86 = arith.constant 640 : i32
    %dma_start3A_87 = arith.constant 0 : i32
    %dma_start3A_88 = tpu.memref_slice %arg9[%dma_start3A_86, %dma_start3A_87] : memref<2560x16xf32, #tpu.memory_space<vmem>> -> memref<128x16xf32, #tpu.memory_space<vmem>>
    %dma_start3A_89 = arith.constant 0 : i32
    %dma_start3A_90 = tpu.memref_slice %arg10[%dma_start3A_85, %dma_start3A_89] : memref<20x128xi32, #tpu.memory_space<vmem>> -> memref<1x128xi32, #tpu.memory_space<vmem>>
    %dma_start3A_91 = tpu.memref_squeeze %dma_start3A_90 : memref<1x128xi32, #tpu.memory_space<vmem>> -> memref<128xi32, #tpu.memory_space<vmem>>
    %dma_start3A_92 = arith.constant 0 : i32
    %dma_start3A_93 = arith.constant 0 : i32
    %dma_start3A_94 = tpu.memref_slice %arg5[%dma_start3A_92, %dma_start3A_93] : memref<10240x16xf32, #tpu.memory_space<vmem_shared>> -> memref<10240x16xf32, #tpu.memory_space<vmem_shared>>
    tpu.enqueue_indirect_dma source(%dma_start3A_94 : memref<10240x16xf32, #tpu.memory_space<vmem_shared>>) target(%dma_start3A_88 : memref<128x16xf32, #tpu.memory_space<vmem>>) offsets(%dma_start3A_91 : memref<128xi32, #tpu.memory_space<vmem>>) semaphore(%arg11 : memref<!tpu.dma_semaphore, #tpu.memory_space<semaphore_mem>>)
    %dma_start3A_95 = arith.constant 6 : i32
    %dma_start3A_96 = arith.constant 768 : i32
    %dma_start3A_97 = arith.constant 0 : i32
    %dma_start3A_98 = tpu.memref_slice %arg9[%dma_start3A_96, %dma_start3A_97] : memref<2560x16xf32, #tpu.memory_space<vmem>> -> memref<128x16xf32, #tpu.memory_space<vmem>>
    %dma_start3A_99 = arith.constant 0 : i32
    %dma_start3A_100 = tpu.memref_slice %arg10[%dma_start3A_95, %dma_start3A_99] : memref<20x128xi32, #tpu.memory_space<vmem>> -> memref<1x128xi32, #tpu.memory_space<vmem>>
    %dma_start3A_101 = tpu.memref_squeeze %dma_start3A_100 : memref<1x128xi32, #tpu.memory_space<vmem>> -> memref<128xi32, #tpu.memory_space<vmem>>
    %dma_start3A_102 = arith.constant 0 : i32
    %dma_start3A_103 = arith.constant 0 : i32
    %dma_start3A_104 = tpu.memref_slice %arg5[%dma_start3A_102, %dma_start3A_103] : memref<10240x16xf32, #tpu.memory_space<vmem_shared>> -> memref<10240x16xf32, #tpu.memory_space<vmem_shared>>
    tpu.enqueue_indirect_dma source(%dma_start3A_104 : memref<10240x16xf32, #tpu.memory_space<vmem_shared>>) target(%dma_start3A_98 : memref<128x16xf32, #tpu.memory_space<vmem>>) offsets(%dma_start3A_101 : memref<128xi32, #tpu.memory_space<vmem>>) semaphore(%arg11 : memref<!tpu.dma_semaphore, #tpu.memory_space<semaphore_mem>>)
    %dma_start3A_105 = arith.constant 7 : i32
    %dma_start3A_106 = arith.constant 896 : i32
    %dma_start3A_107 = arith.constant 0 : i32
    %dma_start3A_108 = tpu.memref_slice %arg9[%dma_start3A_106, %dma_start3A_107] : memref<2560x16xf32, #tpu.memory_space<vmem>> -> memref<128x16xf32, #tpu.memory_space<vmem>>
    %dma_start3A_109 = arith.constant 0 : i32
    %dma_start3A_110 = tpu.memref_slice %arg10[%dma_start3A_105, %dma_start3A_109] : memref<20x128xi32, #tpu.memory_space<vmem>> -> memref<1x128xi32, #tpu.memory_space<vmem>>
    %dma_start3A_111 = tpu.memref_squeeze %dma_start3A_110 : memref<1x128xi32, #tpu.memory_space<vmem>> -> memref<128xi32, #tpu.memory_space<vmem>>
    %dma_start3A_112 = arith.constant 0 : i32
    %dma_start3A_113 = arith.constant 0 : i32
    %dma_start3A_114 = tpu.memref_slice %arg5[%dma_start3A_112, %dma_start3A_113] : memref<10240x16xf32, #tpu.memory_space<vmem_shared>> -> memref<10240x16xf32, #tpu.memory_space<vmem_shared>>
    tpu.enqueue_indirect_dma source(%dma_start3A_114 : memref<10240x16xf32, #tpu.memory_space<vmem_shared>>) target(%dma_start3A_108 : memref<128x16xf32, #tpu.memory_space<vmem>>) offsets(%dma_start3A_111 : memref<128xi32, #tpu.memory_space<vmem>>) semaphore(%arg11 : memref<!tpu.dma_semaphore, #tpu.memory_space<semaphore_mem>>)
    %dma_start3A_115 = arith.constant 8 : i32
    %dma_start3A_116 = arith.constant 1024 : i32
    %dma_start3A_117 = arith.constant 0 : i32
    %dma_start3A_118 = tpu.memref_slice %arg9[%dma_start3A_116, %dma_start3A_117] : memref<2560x16xf32, #tpu.memory_space<vmem>> -> memref<128x16xf32, #tpu.memory_space<vmem>>
    %dma_start3A_119 = arith.constant 0 : i32
    %dma_start3A_120 = tpu.memref_slice %arg10[%dma_start3A_115, %dma_start3A_119] : memref<20x128xi32, #tpu.memory_space<vmem>> -> memref<1x128xi32, #tpu.memory_space<vmem>>
    %dma_start3A_121 = tpu.memref_squeeze %dma_start3A_120 : memref<1x128xi32, #tpu.memory_space<vmem>> -> memref<128xi32, #tpu.memory_space<vmem>>
    %dma_start3A_122 = arith.constant 0 : i32
    %dma_start3A_123 = arith.constant 0 : i32
    %dma_start3A_124 = tpu.memref_slice %arg5[%dma_start3A_122, %dma_start3A_123] : memref<10240x16xf32, #tpu.memory_space<vmem_shared>> -> memref<10240x16xf32, #tpu.memory_space<vmem_shared>>
    tpu.enqueue_indirect_dma source(%dma_start3A_124 : memref<10240x16xf32, #tpu.memory_space<vmem_shared>>) target(%dma_start3A_118 : memref<128x16xf32, #tpu.memory_space<vmem>>) offsets(%dma_start3A_121 : memref<128xi32, #tpu.memory_space<vmem>>) semaphore(%arg11 : memref<!tpu.dma_semaphore, #tpu.memory_space<semaphore_mem>>)
    %dma_start3A_125 = arith.constant 9 : i32
    %dma_start3A_126 = arith.constant 1152 : i32
    %dma_start3A_127 = arith.constant 0 : i32
    %dma_start3A_128 = tpu.memref_slice %arg9[%dma_start3A_126, %dma_start3A_127] : memref<2560x16xf32, #tpu.memory_space<vmem>> -> memref<128x16xf32, #tpu.memory_space<vmem>>
    %dma_start3A_129 = arith.constant 0 : i32
    %dma_start3A_130 = tpu.memref_slice %arg10[%dma_start3A_125, %dma_start3A_129] : memref<20x128xi32, #tpu.memory_space<vmem>> -> memref<1x128xi32, #tpu.memory_space<vmem>>
    %dma_start3A_131 = tpu.memref_squeeze %dma_start3A_130 : memref<1x128xi32, #tpu.memory_space<vmem>> -> memref<128xi32, #tpu.memory_space<vmem>>
    %dma_start3A_132 = arith.constant 0 : i32
    %dma_start3A_133 = arith.constant 0 : i32
    %dma_start3A_134 = tpu.memref_slice %arg5[%dma_start3A_132, %dma_start3A_133] : memref<10240x16xf32, #tpu.memory_space<vmem_shared>> -> memref<10240x16xf32, #tpu.memory_space<vmem_shared>>
    tpu.enqueue_indirect_dma source(%dma_start3A_134 : memref<10240x16xf32, #tpu.memory_space<vmem_shared>>) target(%dma_start3A_128 : memref<128x16xf32, #tpu.memory_space<vmem>>) offsets(%dma_start3A_131 : memref<128xi32, #tpu.memory_space<vmem>>) semaphore(%arg11 : memref<!tpu.dma_semaphore, #tpu.memory_space<semaphore_mem>>)
    %dma_start3A_135 = arith.constant 10 : i32
    %dma_start3A_136 = arith.constant 1280 : i32
    %dma_start3A_137 = arith.constant 0 : i32
    %dma_start3A_138 = tpu.memref_slice %arg9[%dma_start3A_136, %dma_start3A_137] : memref<2560x16xf32, #tpu.memory_space<vmem>> -> memref<128x16xf32, #tpu.memory_space<vmem>>
    %dma_start3A_139 = arith.constant 0 : i32
    %dma_start3A_140 = tpu.memref_slice %arg10[%dma_start3A_135, %dma_start3A_139] : memref<20x128xi32, #tpu.memory_space<vmem>> -> memref<1x128xi32, #tpu.memory_space<vmem>>
    %dma_start3A_141 = tpu.memref_squeeze %dma_start3A_140 : memref<1x128xi32, #tpu.memory_space<vmem>> -> memref<128xi32, #tpu.memory_space<vmem>>
    %dma_start3A_142 = arith.constant 0 : i32
    %dma_start3A_143 = arith.constant 0 : i32
    %dma_start3A_144 = tpu.memref_slice %arg5[%dma_start3A_142, %dma_start3A_143] : memref<10240x16xf32, #tpu.memory_space<vmem_shared>> -> memref<10240x16xf32, #tpu.memory_space<vmem_shared>>
    tpu.enqueue_indirect_dma source(%dma_start3A_144 : memref<10240x16xf32, #tpu.memory_space<vmem_shared>>) target(%dma_start3A_138 : memref<128x16xf32, #tpu.memory_space<vmem>>) offsets(%dma_start3A_141 : memref<128xi32, #tpu.memory_space<vmem>>) semaphore(%arg11 : memref<!tpu.dma_semaphore, #tpu.memory_space<semaphore_mem>>)
    %dma_start3A_145 = arith.constant 11 : i32
    %dma_start3A_146 = arith.constant 1408 : i32
    %dma_start3A_147 = arith.constant 0 : i32
    %dma_start3A_148 = tpu.memref_slice %arg9[%dma_start3A_146, %dma_start3A_147] : memref<2560x16xf32, #tpu.memory_space<vmem>> -> memref<128x16xf32, #tpu.memory_space<vmem>>
    %dma_start3A_149 = arith.constant 0 : i32
    %dma_start3A_150 = tpu.memref_slice %arg10[%dma_start3A_145, %dma_start3A_149] : memref<20x128xi32, #tpu.memory_space<vmem>> -> memref<1x128xi32, #tpu.memory_space<vmem>>
    %dma_start3A_151 = tpu.memref_squeeze %dma_start3A_150 : memref<1x128xi32, #tpu.memory_space<vmem>> -> memref<128xi32, #tpu.memory_space<vmem>>
    %dma_start3A_152 = arith.constant 0 : i32
    %dma_start3A_153 = arith.constant 0 : i32
    %dma_start3A_154 = tpu.memref_slice %arg5[%dma_start3A_152, %dma_start3A_153] : memref<10240x16xf32, #tpu.memory_space<vmem_shared>> -> memref<10240x16xf32, #tpu.memory_space<vmem_shared>>
    tpu.enqueue_indirect_dma source(%dma_start3A_154 : memref<10240x16xf32, #tpu.memory_space<vmem_shared>>) target(%dma_start3A_148 : memref<128x16xf32, #tpu.memory_space<vmem>>) offsets(%dma_start3A_151 : memref<128xi32, #tpu.memory_space<vmem>>) semaphore(%arg11 : memref<!tpu.dma_semaphore, #tpu.memory_space<semaphore_mem>>)
    %dma_start3A_155 = arith.constant 12 : i32
    %dma_start3A_156 = arith.constant 1536 : i32
    %dma_start3A_157 = arith.constant 0 : i32
    %dma_start3A_158 = tpu.memref_slice %arg9[%dma_start3A_156, %dma_start3A_157] : memref<2560x16xf32, #tpu.memory_space<vmem>> -> memref<128x16xf32, #tpu.memory_space<vmem>>
    %dma_start3A_159 = arith.constant 0 : i32
    %dma_start3A_160 = tpu.memref_slice %arg10[%dma_start3A_155, %dma_start3A_159] : memref<20x128xi32, #tpu.memory_space<vmem>> -> memref<1x128xi32, #tpu.memory_space<vmem>>
    %dma_start3A_161 = tpu.memref_squeeze %dma_start3A_160 : memref<1x128xi32, #tpu.memory_space<vmem>> -> memref<128xi32, #tpu.memory_space<vmem>>
    %dma_start3A_162 = arith.constant 0 : i32
    %dma_start3A_163 = arith.constant 0 : i32
    %dma_start3A_164 = tpu.memref_slice %arg5[%dma_start3A_162, %dma_start3A_163] : memref<10240x16xf32, #tpu.memory_space<vmem_shared>> -> memref<10240x16xf32, #tpu.memory_space<vmem_shared>>
    tpu.enqueue_indirect_dma source(%dma_start3A_164 : memref<10240x16xf32, #tpu.memory_space<vmem_shared>>) target(%dma_start3A_158 : memref<128x16xf32, #tpu.memory_space<vmem>>) offsets(%dma_start3A_161 : memref<128xi32, #tpu.memory_space<vmem>>) semaphore(%arg11 : memref<!tpu.dma_semaphore, #tpu.memory_space<semaphore_mem>>)
    %dma_start3A_165 = arith.constant 13 : i32
    %dma_start3A_166 = arith.constant 1664 : i32
    %dma_start3A_167 = arith.constant 0 : i32
    %dma_start3A_168 = tpu.memref_slice %arg9[%dma_start3A_166, %dma_start3A_167] : memref<2560x16xf32, #tpu.memory_space<vmem>> -> memref<128x16xf32, #tpu.memory_space<vmem>>
    %dma_start3A_169 = arith.constant 0 : i32
    %dma_start3A_170 = tpu.memref_slice %arg10[%dma_start3A_165, %dma_start3A_169] : memref<20x128xi32, #tpu.memory_space<vmem>> -> memref<1x128xi32, #tpu.memory_space<vmem>>
    %dma_start3A_171 = tpu.memref_squeeze %dma_start3A_170 : memref<1x128xi32, #tpu.memory_space<vmem>> -> memref<128xi32, #tpu.memory_space<vmem>>
    %dma_start3A_172 = arith.constant 0 : i32
    %dma_start3A_173 = arith.constant 0 : i32
    %dma_start3A_174 = tpu.memref_slice %arg5[%dma_start3A_172, %dma_start3A_173] : memref<10240x16xf32, #tpu.memory_space<vmem_shared>> -> memref<10240x16xf32, #tpu.memory_space<vmem_shared>>
    tpu.enqueue_indirect_dma source(%dma_start3A_174 : memref<10240x16xf32, #tpu.memory_space<vmem_shared>>) target(%dma_start3A_168 : memref<128x16xf32, #tpu.memory_space<vmem>>) offsets(%dma_start3A_171 : memref<128xi32, #tpu.memory_space<vmem>>) semaphore(%arg11 : memref<!tpu.dma_semaphore, #tpu.memory_space<semaphore_mem>>)
    %dma_start3A_175 = arith.constant 14 : i32
    %dma_start3A_176 = arith.constant 1792 : i32
    %dma_start3A_177 = arith.constant 0 : i32
    %dma_start3A_178 = tpu.memref_slice %arg9[%dma_start3A_176, %dma_start3A_177] : memref<2560x16xf32, #tpu.memory_space<vmem>> -> memref<128x16xf32, #tpu.memory_space<vmem>>
    %dma_start3A_179 = arith.constant 0 : i32
    %dma_start3A_180 = tpu.memref_slice %arg10[%dma_start3A_175, %dma_start3A_179] : memref<20x128xi32, #tpu.memory_space<vmem>> -> memref<1x128xi32, #tpu.memory_space<vmem>>
    %dma_start3A_181 = tpu.memref_squeeze %dma_start3A_180 : memref<1x128xi32, #tpu.memory_space<vmem>> -> memref<128xi32, #tpu.memory_space<vmem>>
    %dma_start3A_182 = arith.constant 0 : i32
    %dma_start3A_183 = arith.constant 0 : i32
    %dma_start3A_184 = tpu.memref_slice %arg5[%dma_start3A_182, %dma_start3A_183] : memref<10240x16xf32, #tpu.memory_space<vmem_shared>> -> memref<10240x16xf32, #tpu.memory_space<vmem_shared>>
    tpu.enqueue_indirect_dma source(%dma_start3A_184 : memref<10240x16xf32, #tpu.memory_space<vmem_shared>>) target(%dma_start3A_178 : memref<128x16xf32, #tpu.memory_space<vmem>>) offsets(%dma_start3A_181 : memref<128xi32, #tpu.memory_space<vmem>>) semaphore(%arg11 : memref<!tpu.dma_semaphore, #tpu.memory_space<semaphore_mem>>)
    %dma_start3A_185 = arith.constant 15 : i32
    %dma_start3A_186 = arith.constant 1920 : i32
    %dma_start3A_187 = arith.constant 0 : i32
    %dma_start3A_188 = tpu.memref_slice %arg9[%dma_start3A_186, %dma_start3A_187] : memref<2560x16xf32, #tpu.memory_space<vmem>> -> memref<128x16xf32, #tpu.memory_space<vmem>>
    %dma_start3A_189 = arith.constant 0 : i32
    %dma_start3A_190 = tpu.memref_slice %arg10[%dma_start3A_185, %dma_start3A_189] : memref<20x128xi32, #tpu.memory_space<vmem>> -> memref<1x128xi32, #tpu.memory_space<vmem>>
    %dma_start3A_191 = tpu.memref_squeeze %dma_start3A_190 : memref<1x128xi32, #tpu.memory_space<vmem>> -> memref<128xi32, #tpu.memory_space<vmem>>
    %dma_start3A_192 = arith.constant 0 : i32
    %dma_start3A_193 = arith.constant 0 : i32
    %dma_start3A_194 = tpu.memref_slice %arg5[%dma_start3A_192, %dma_start3A_193] : memref<10240x16xf32, #tpu.memory_space<vmem_shared>> -> memref<10240x16xf32, #tpu.memory_space<vmem_shared>>
    tpu.enqueue_indirect_dma source(%dma_start3A_194 : memref<10240x16xf32, #tpu.memory_space<vmem_shared>>) target(%dma_start3A_188 : memref<128x16xf32, #tpu.memory_space<vmem>>) offsets(%dma_start3A_191 : memref<128xi32, #tpu.memory_space<vmem>>) semaphore(%arg11 : memref<!tpu.dma_semaphore, #tpu.memory_space<semaphore_mem>>)
    %dma_start3A_195 = arith.constant 16 : i32
    %dma_start3A_196 = arith.constant 2048 : i32
    %dma_start3A_197 = arith.constant 0 : i32
    %dma_start3A_198 = tpu.memref_slice %arg9[%dma_start3A_196, %dma_start3A_197] : memref<2560x16xf32, #tpu.memory_space<vmem>> -> memref<128x16xf32, #tpu.memory_space<vmem>>
    %dma_start3A_199 = arith.constant 0 : i32
    %dma_start3A_200 = tpu.memref_slice %arg10[%dma_start3A_195, %dma_start3A_199] : memref<20x128xi32, #tpu.memory_space<vmem>> -> memref<1x128xi32, #tpu.memory_space<vmem>>
    %dma_start3A_201 = tpu.memref_squeeze %dma_start3A_200 : memref<1x128xi32, #tpu.memory_space<vmem>> -> memref<128xi32, #tpu.memory_space<vmem>>
    %dma_start3A_202 = arith.constant 0 : i32
    %dma_start3A_203 = arith.constant 0 : i32
    %dma_start3A_204 = tpu.memref_slice %arg5[%dma_start3A_202, %dma_start3A_203] : memref<10240x16xf32, #tpu.memory_space<vmem_shared>> -> memref<10240x16xf32, #tpu.memory_space<vmem_shared>>
    tpu.enqueue_indirect_dma source(%dma_start3A_204 : memref<10240x16xf32, #tpu.memory_space<vmem_shared>>) target(%dma_start3A_198 : memref<128x16xf32, #tpu.memory_space<vmem>>) offsets(%dma_start3A_201 : memref<128xi32, #tpu.memory_space<vmem>>) semaphore(%arg11 : memref<!tpu.dma_semaphore, #tpu.memory_space<semaphore_mem>>)
    %dma_start3A_205 = arith.constant 17 : i32
    %dma_start3A_206 = arith.constant 2176 : i32
    %dma_start3A_207 = arith.constant 0 : i32
    %dma_start3A_208 = tpu.memref_slice %arg9[%dma_start3A_206, %dma_start3A_207] : memref<2560x16xf32, #tpu.memory_space<vmem>> -> memref<128x16xf32, #tpu.memory_space<vmem>>
    %dma_start3A_209 = arith.constant 0 : i32
    %dma_start3A_210 = tpu.memref_slice %arg10[%dma_start3A_205, %dma_start3A_209] : memref<20x128xi32, #tpu.memory_space<vmem>> -> memref<1x128xi32, #tpu.memory_space<vmem>>
    %dma_start3A_211 = tpu.memref_squeeze %dma_start3A_210 : memref<1x128xi32, #tpu.memory_space<vmem>> -> memref<128xi32, #tpu.memory_space<vmem>>
    %dma_start3A_212 = arith.constant 0 : i32
    %dma_start3A_213 = arith.constant 0 : i32
    %dma_start3A_214 = tpu.memref_slice %arg5[%dma_start3A_212, %dma_start3A_213] : memref<10240x16xf32, #tpu.memory_space<vmem_shared>> -> memref<10240x16xf32, #tpu.memory_space<vmem_shared>>
    tpu.enqueue_indirect_dma source(%dma_start3A_214 : memref<10240x16xf32, #tpu.memory_space<vmem_shared>>) target(%dma_start3A_208 : memref<128x16xf32, #tpu.memory_space<vmem>>) offsets(%dma_start3A_211 : memref<128xi32, #tpu.memory_space<vmem>>) semaphore(%arg11 : memref<!tpu.dma_semaphore, #tpu.memory_space<semaphore_mem>>)
    %dma_start3A_215 = arith.constant 18 : i32
    %dma_start3A_216 = arith.constant 2304 : i32
    %dma_start3A_217 = arith.constant 0 : i32
    %dma_start3A_218 = tpu.memref_slice %arg9[%dma_start3A_216, %dma_start3A_217] : memref<2560x16xf32, #tpu.memory_space<vmem>> -> memref<128x16xf32, #tpu.memory_space<vmem>>
    %dma_start3A_219 = arith.constant 0 : i32
    %dma_start3A_220 = tpu.memref_slice %arg10[%dma_start3A_215, %dma_start3A_219] : memref<20x128xi32, #tpu.memory_space<vmem>> -> memref<1x128xi32, #tpu.memory_space<vmem>>
    %dma_start3A_221 = tpu.memref_squeeze %dma_start3A_220 : memref<1x128xi32, #tpu.memory_space<vmem>> -> memref<128xi32, #tpu.memory_space<vmem>>
    %dma_start3A_222 = arith.constant 0 : i32
    %dma_start3A_223 = arith.constant 0 : i32
    %dma_start3A_224 = tpu.memref_slice %arg5[%dma_start3A_222, %dma_start3A_223] : memref<10240x16xf32, #tpu.memory_space<vmem_shared>> -> memref<10240x16xf32, #tpu.memory_space<vmem_shared>>
    tpu.enqueue_indirect_dma source(%dma_start3A_224 : memref<10240x16xf32, #tpu.memory_space<vmem_shared>>) target(%dma_start3A_218 : memref<128x16xf32, #tpu.memory_space<vmem>>) offsets(%dma_start3A_221 : memref<128xi32, #tpu.memory_space<vmem>>) semaphore(%arg11 : memref<!tpu.dma_semaphore, #tpu.memory_space<semaphore_mem>>)
    %dma_start3A_225 = arith.constant 19 : i32
    %dma_start3A_226 = arith.constant 2432 : i32
    %dma_start3A_227 = arith.constant 0 : i32
    %dma_start3A_228 = tpu.memref_slice %arg9[%dma_start3A_226, %dma_start3A_227] : memref<2560x16xf32, #tpu.memory_space<vmem>> -> memref<128x16xf32, #tpu.memory_space<vmem>>
    %dma_start3A_229 = arith.constant 0 : i32
    %dma_start3A_230 = tpu.memref_slice %arg10[%dma_start3A_225, %dma_start3A_229] : memref<20x128xi32, #tpu.memory_space<vmem>> -> memref<1x128xi32, #tpu.memory_space<vmem>>
    %dma_start3A_231 = tpu.memref_squeeze %dma_start3A_230 : memref<1x128xi32, #tpu.memory_space<vmem>> -> memref<128xi32, #tpu.memory_space<vmem>>
    %dma_start3A_232 = arith.constant 0 : i32
    %dma_start3A_233 = arith.constant 0 : i32
    %dma_start3A_234 = tpu.memref_slice %arg5[%dma_start3A_232, %dma_start3A_233] : memref<10240x16xf32, #tpu.memory_space<vmem_shared>> -> memref<10240x16xf32, #tpu.memory_space<vmem_shared>>
    tpu.enqueue_indirect_dma source(%dma_start3A_234 : memref<10240x16xf32, #tpu.memory_space<vmem_shared>>) target(%dma_start3A_228 : memref<128x16xf32, #tpu.memory_space<vmem>>) offsets(%dma_start3A_231 : memref<128xi32, #tpu.memory_space<vmem>>) semaphore(%arg11 : memref<!tpu.dma_semaphore, #tpu.memory_space<semaphore_mem>>)
    %dma_wait3A = arith.constant 0 : i32
    %dma_wait3A_235 = arith.constant 0 : i32
    %dma_wait3A_236 = arith.constant 0 : i32
    %dma_wait3A_237 = tpu.memref_slice %arg9[%dma_wait3A_235, %dma_wait3A_236] : memref<2560x16xf32, #tpu.memory_space<vmem>> -> memref<128x16xf32, #tpu.memory_space<vmem>>
    %dma_wait3A_238 = arith.constant 0 : i32
    %dma_wait3A_239 = tpu.memref_slice %arg10[%dma_wait3A, %dma_wait3A_238] : memref<20x128xi32, #tpu.memory_space<vmem>> -> memref<1x128xi32, #tpu.memory_space<vmem>>
    %dma_wait3A_240 = tpu.memref_squeeze %dma_wait3A_239 : memref<1x128xi32, #tpu.memory_space<vmem>> -> memref<128xi32, #tpu.memory_space<vmem>>
    %dma_wait3A_241 = arith.constant 0 : i32
    %dma_wait3A_242 = arith.constant 0 : i32
    %dma_wait3A_243 = tpu.memref_slice %arg5[%dma_wait3A_241, %dma_wait3A_242] : memref<10240x16xf32, #tpu.memory_space<vmem_shared>> -> memref<10240x16xf32, #tpu.memory_space<vmem_shared>>
    tpu.wait_indirect_dma semaphore(%arg11 : memref<!tpu.dma_semaphore, #tpu.memory_space<semaphore_mem>>) src(%dma_wait3A_243 : memref<10240x16xf32, #tpu.memory_space<vmem_shared>>) dst(%dma_wait3A_237 : memref<128x16xf32, #tpu.memory_space<vmem>>)
    %dma_wait3A_244 = arith.constant 0 : i32
    %dma_wait3A_245 = arith.constant 0 : i32
    %dma_wait3A_246 = arith.constant 0 : i32
    %dma_wait3A_247 = tpu.memref_slice %arg9[%dma_wait3A_245, %dma_wait3A_246] : memref<2560x16xf32, #tpu.memory_space<vmem>> -> memref<128x16xf32, #tpu.memory_space<vmem>>
    %dma_wait3A_248 = arith.constant 0 : i32
    %dma_wait3A_249 = tpu.memref_slice %arg10[%dma_wait3A_244, %dma_wait3A_248] : memref<20x128xi32, #tpu.memory_space<vmem>> -> memref<1x128xi32, #tpu.memory_space<vmem>>
    %dma_wait3A_250 = tpu.memref_squeeze %dma_wait3A_249 : memref<1x128xi32, #tpu.memory_space<vmem>> -> memref<128xi32, #tpu.memory_space<vmem>>
    %dma_wait3A_251 = arith.constant 0 : i32
    %dma_wait3A_252 = arith.constant 0 : i32
    %dma_wait3A_253 = tpu.memref_slice %arg5[%dma_wait3A_251, %dma_wait3A_252] : memref<10240x16xf32, #tpu.memory_space<vmem_shared>> -> memref<10240x16xf32, #tpu.memory_space<vmem_shared>>
    tpu.wait_indirect_dma semaphore(%arg11 : memref<!tpu.dma_semaphore, #tpu.memory_space<semaphore_mem>>) src(%dma_wait3A_253 : memref<10240x16xf32, #tpu.memory_space<vmem_shared>>) dst(%dma_wait3A_247 : memref<128x16xf32, #tpu.memory_space<vmem>>)
    %dma_wait3A_254 = arith.constant 0 : i32
    %dma_wait3A_255 = arith.constant 0 : i32
    %dma_wait3A_256 = arith.constant 0 : i32
    %dma_wait3A_257 = tpu.memref_slice %arg9[%dma_wait3A_255, %dma_wait3A_256] : memref<2560x16xf32, #tpu.memory_space<vmem>> -> memref<128x16xf32, #tpu.memory_space<vmem>>
    %dma_wait3A_258 = arith.constant 0 : i32
    %dma_wait3A_259 = tpu.memref_slice %arg10[%dma_wait3A_254, %dma_wait3A_258] : memref<20x128xi32, #tpu.memory_space<vmem>> -> memref<1x128xi32, #tpu.memory_space<vmem>>
    %dma_wait3A_260 = tpu.memref_squeeze %dma_wait3A_259 : memref<1x128xi32, #tpu.memory_space<vmem>> -> memref<128xi32, #tpu.memory_space<vmem>>
    %dma_wait3A_261 = arith.constant 0 : i32
    %dma_wait3A_262 = arith.constant 0 : i32
    %dma_wait3A_263 = tpu.memref_slice %arg5[%dma_wait3A_261, %dma_wait3A_262] : memref<10240x16xf32, #tpu.memory_space<vmem_shared>> -> memref<10240x16xf32, #tpu.memory_space<vmem_shared>>
    tpu.wait_indirect_dma semaphore(%arg11 : memref<!tpu.dma_semaphore, #tpu.memory_space<semaphore_mem>>) src(%dma_wait3A_263 : memref<10240x16xf32, #tpu.memory_space<vmem_shared>>) dst(%dma_wait3A_257 : memref<128x16xf32, #tpu.memory_space<vmem>>)
    %dma_wait3A_264 = arith.constant 0 : i32
    %dma_wait3A_265 = arith.constant 0 : i32
    %dma_wait3A_266 = arith.constant 0 : i32
    %dma_wait3A_267 = tpu.memref_slice %arg9[%dma_wait3A_265, %dma_wait3A_266] : memref<2560x16xf32, #tpu.memory_space<vmem>> -> memref<128x16xf32, #tpu.memory_space<vmem>>
    %dma_wait3A_268 = arith.constant 0 : i32
    %dma_wait3A_269 = tpu.memref_slice %arg10[%dma_wait3A_264, %dma_wait3A_268] : memref<20x128xi32, #tpu.memory_space<vmem>> -> memref<1x128xi32, #tpu.memory_space<vmem>>
    %dma_wait3A_270 = tpu.memref_squeeze %dma_wait3A_269 : memref<1x128xi32, #tpu.memory_space<vmem>> -> memref<128xi32, #tpu.memory_space<vmem>>
    %dma_wait3A_271 = arith.constant 0 : i32
    %dma_wait3A_272 = arith.constant 0 : i32
    %dma_wait3A_273 = tpu.memref_slice %arg5[%dma_wait3A_271, %dma_wait3A_272] : memref<10240x16xf32, #tpu.memory_space<vmem_shared>> -> memref<10240x16xf32, #tpu.memory_space<vmem_shared>>
    tpu.wait_indirect_dma semaphore(%arg11 : memref<!tpu.dma_semaphore, #tpu.memory_space<semaphore_mem>>) src(%dma_wait3A_273 : memref<10240x16xf32, #tpu.memory_space<vmem_shared>>) dst(%dma_wait3A_267 : memref<128x16xf32, #tpu.memory_space<vmem>>)
    %dma_wait3A_274 = arith.constant 0 : i32
    %dma_wait3A_275 = arith.constant 0 : i32
    %dma_wait3A_276 = arith.constant 0 : i32
    %dma_wait3A_277 = tpu.memref_slice %arg9[%dma_wait3A_275, %dma_wait3A_276] : memref<2560x16xf32, #tpu.memory_space<vmem>> -> memref<128x16xf32, #tpu.memory_space<vmem>>
    %dma_wait3A_278 = arith.constant 0 : i32
    %dma_wait3A_279 = tpu.memref_slice %arg10[%dma_wait3A_274, %dma_wait3A_278] : memref<20x128xi32, #tpu.memory_space<vmem>> -> memref<1x128xi32, #tpu.memory_space<vmem>>
    %dma_wait3A_280 = tpu.memref_squeeze %dma_wait3A_279 : memref<1x128xi32, #tpu.memory_space<vmem>> -> memref<128xi32, #tpu.memory_space<vmem>>
    %dma_wait3A_281 = arith.constant 0 : i32
    %dma_wait3A_282 = arith.constant 0 : i32
    %dma_wait3A_283 = tpu.memref_slice %arg5[%dma_wait3A_281, %dma_wait3A_282] : memref<10240x16xf32, #tpu.memory_space<vmem_shared>> -> memref<10240x16xf32, #tpu.memory_space<vmem_shared>>
    tpu.wait_indirect_dma semaphore(%arg11 : memref<!tpu.dma_semaphore, #tpu.memory_space<semaphore_mem>>) src(%dma_wait3A_283 : memref<10240x16xf32, #tpu.memory_space<vmem_shared>>) dst(%dma_wait3A_277 : memref<128x16xf32, #tpu.memory_space<vmem>>)
    %dma_wait3A_284 = arith.constant 0 : i32
    %dma_wait3A_285 = arith.constant 0 : i32
    %dma_wait3A_286 = arith.constant 0 : i32
    %dma_wait3A_287 = tpu.memref_slice %arg9[%dma_wait3A_285, %dma_wait3A_286] : memref<2560x16xf32, #tpu.memory_space<vmem>> -> memref<128x16xf32, #tpu.memory_space<vmem>>
    %dma_wait3A_288 = arith.constant 0 : i32
    %dma_wait3A_289 = tpu.memref_slice %arg10[%dma_wait3A_284, %dma_wait3A_288] : memref<20x128xi32, #tpu.memory_space<vmem>> -> memref<1x128xi32, #tpu.memory_space<vmem>>
    %dma_wait3A_290 = tpu.memref_squeeze %dma_wait3A_289 : memref<1x128xi32, #tpu.memory_space<vmem>> -> memref<128xi32, #tpu.memory_space<vmem>>
    %dma_wait3A_291 = arith.constant 0 : i32
    %dma_wait3A_292 = arith.constant 0 : i32
    %dma_wait3A_293 = tpu.memref_slice %arg5[%dma_wait3A_291, %dma_wait3A_292] : memref<10240x16xf32, #tpu.memory_space<vmem_shared>> -> memref<10240x16xf32, #tpu.memory_space<vmem_shared>>
    tpu.wait_indirect_dma semaphore(%arg11 : memref<!tpu.dma_semaphore, #tpu.memory_space<semaphore_mem>>) src(%dma_wait3A_293 : memref<10240x16xf32, #tpu.memory_space<vmem_shared>>) dst(%dma_wait3A_287 : memref<128x16xf32, #tpu.memory_space<vmem>>)
    %dma_wait3A_294 = arith.constant 0 : i32
    %dma_wait3A_295 = arith.constant 0 : i32
    %dma_wait3A_296 = arith.constant 0 : i32
    %dma_wait3A_297 = tpu.memref_slice %arg9[%dma_wait3A_295, %dma_wait3A_296] : memref<2560x16xf32, #tpu.memory_space<vmem>> -> memref<128x16xf32, #tpu.memory_space<vmem>>
    %dma_wait3A_298 = arith.constant 0 : i32
    %dma_wait3A_299 = tpu.memref_slice %arg10[%dma_wait3A_294, %dma_wait3A_298] : memref<20x128xi32, #tpu.memory_space<vmem>> -> memref<1x128xi32, #tpu.memory_space<vmem>>
    %dma_wait3A_300 = tpu.memref_squeeze %dma_wait3A_299 : memref<1x128xi32, #tpu.memory_space<vmem>> -> memref<128xi32, #tpu.memory_space<vmem>>
    %dma_wait3A_301 = arith.constant 0 : i32
    %dma_wait3A_302 = arith.constant 0 : i32
    %dma_wait3A_303 = tpu.memref_slice %arg5[%dma_wait3A_301, %dma_wait3A_302] : memref<10240x16xf32, #tpu.memory_space<vmem_shared>> -> memref<10240x16xf32, #tpu.memory_space<vmem_shared>>
    tpu.wait_indirect_dma semaphore(%arg11 : memref<!tpu.dma_semaphore, #tpu.memory_space<semaphore_mem>>) src(%dma_wait3A_303 : memref<10240x16xf32, #tpu.memory_space<vmem_shared>>) dst(%dma_wait3A_297 : memref<128x16xf32, #tpu.memory_space<vmem>>)
    %dma_wait3A_304 = arith.constant 0 : i32
    %dma_wait3A_305 = arith.constant 0 : i32
    %dma_wait3A_306 = arith.constant 0 : i32
    %dma_wait3A_307 = tpu.memref_slice %arg9[%dma_wait3A_305, %dma_wait3A_306] : memref<2560x16xf32, #tpu.memory_space<vmem>> -> memref<128x16xf32, #tpu.memory_space<vmem>>
    %dma_wait3A_308 = arith.constant 0 : i32
    %dma_wait3A_309 = tpu.memref_slice %arg10[%dma_wait3A_304, %dma_wait3A_308] : memref<20x128xi32, #tpu.memory_space<vmem>> -> memref<1x128xi32, #tpu.memory_space<vmem>>
    %dma_wait3A_310 = tpu.memref_squeeze %dma_wait3A_309 : memref<1x128xi32, #tpu.memory_space<vmem>> -> memref<128xi32, #tpu.memory_space<vmem>>
    %dma_wait3A_311 = arith.constant 0 : i32
    %dma_wait3A_312 = arith.constant 0 : i32
    %dma_wait3A_313 = tpu.memref_slice %arg5[%dma_wait3A_311, %dma_wait3A_312] : memref<10240x16xf32, #tpu.memory_space<vmem_shared>> -> memref<10240x16xf32, #tpu.memory_space<vmem_shared>>
    tpu.wait_indirect_dma semaphore(%arg11 : memref<!tpu.dma_semaphore, #tpu.memory_space<semaphore_mem>>) src(%dma_wait3A_313 : memref<10240x16xf32, #tpu.memory_space<vmem_shared>>) dst(%dma_wait3A_307 : memref<128x16xf32, #tpu.memory_space<vmem>>)
    %dma_wait3A_314 = arith.constant 0 : i32
    %dma_wait3A_315 = arith.constant 0 : i32
    %dma_wait3A_316 = arith.constant 0 : i32
    %dma_wait3A_317 = tpu.memref_slice %arg9[%dma_wait3A_315, %dma_wait3A_316] : memref<2560x16xf32, #tpu.memory_space<vmem>> -> memref<128x16xf32, #tpu.memory_space<vmem>>
    %dma_wait3A_318 = arith.constant 0 : i32
    %dma_wait3A_319 = tpu.memref_slice %arg10[%dma_wait3A_314, %dma_wait3A_318] : memref<20x128xi32, #tpu.memory_space<vmem>> -> memref<1x128xi32, #tpu.memory_space<vmem>>
    %dma_wait3A_320 = tpu.memref_squeeze %dma_wait3A_319 : memref<1x128xi32, #tpu.memory_space<vmem>> -> memref<128xi32, #tpu.memory_space<vmem>>
    %dma_wait3A_321 = arith.constant 0 : i32
    %dma_wait3A_322 = arith.constant 0 : i32
    %dma_wait3A_323 = tpu.memref_slice %arg5[%dma_wait3A_321, %dma_wait3A_322] : memref<10240x16xf32, #tpu.memory_space<vmem_shared>> -> memref<10240x16xf32, #tpu.memory_space<vmem_shared>>
    tpu.wait_indirect_dma semaphore(%arg11 : memref<!tpu.dma_semaphore, #tpu.memory_space<semaphore_mem>>) src(%dma_wait3A_323 : memref<10240x16xf32, #tpu.memory_space<vmem_shared>>) dst(%dma_wait3A_317 : memref<128x16xf32, #tpu.memory_space<vmem>>)
    %dma_wait3A_324 = arith.constant 0 : i32
    %dma_wait3A_325 = arith.constant 0 : i32
    %dma_wait3A_326 = arith.constant 0 : i32
    %dma_wait3A_327 = tpu.memref_slice %arg9[%dma_wait3A_325, %dma_wait3A_326] : memref<2560x16xf32, #tpu.memory_space<vmem>> -> memref<128x16xf32, #tpu.memory_space<vmem>>
    %dma_wait3A_328 = arith.constant 0 : i32
    %dma_wait3A_329 = tpu.memref_slice %arg10[%dma_wait3A_324, %dma_wait3A_328] : memref<20x128xi32, #tpu.memory_space<vmem>> -> memref<1x128xi32, #tpu.memory_space<vmem>>
    %dma_wait3A_330 = tpu.memref_squeeze %dma_wait3A_329 : memref<1x128xi32, #tpu.memory_space<vmem>> -> memref<128xi32, #tpu.memory_space<vmem>>
    %dma_wait3A_331 = arith.constant 0 : i32
    %dma_wait3A_332 = arith.constant 0 : i32
    %dma_wait3A_333 = tpu.memref_slice %arg5[%dma_wait3A_331, %dma_wait3A_332] : memref<10240x16xf32, #tpu.memory_space<vmem_shared>> -> memref<10240x16xf32, #tpu.memory_space<vmem_shared>>
    tpu.wait_indirect_dma semaphore(%arg11 : memref<!tpu.dma_semaphore, #tpu.memory_space<semaphore_mem>>) src(%dma_wait3A_333 : memref<10240x16xf32, #tpu.memory_space<vmem_shared>>) dst(%dma_wait3A_327 : memref<128x16xf32, #tpu.memory_space<vmem>>)
    %dma_wait3A_334 = arith.constant 0 : i32
    %dma_wait3A_335 = arith.constant 0 : i32
    %dma_wait3A_336 = arith.constant 0 : i32
    %dma_wait3A_337 = tpu.memref_slice %arg9[%dma_wait3A_335, %dma_wait3A_336] : memref<2560x16xf32, #tpu.memory_space<vmem>> -> memref<128x16xf32, #tpu.memory_space<vmem>>
    %dma_wait3A_338 = arith.constant 0 : i32
    %dma_wait3A_339 = tpu.memref_slice %arg10[%dma_wait3A_334, %dma_wait3A_338] : memref<20x128xi32, #tpu.memory_space<vmem>> -> memref<1x128xi32, #tpu.memory_space<vmem>>
    %dma_wait3A_340 = tpu.memref_squeeze %dma_wait3A_339 : memref<1x128xi32, #tpu.memory_space<vmem>> -> memref<128xi32, #tpu.memory_space<vmem>>
    %dma_wait3A_341 = arith.constant 0 : i32
    %dma_wait3A_342 = arith.constant 0 : i32
    %dma_wait3A_343 = tpu.memref_slice %arg5[%dma_wait3A_341, %dma_wait3A_342] : memref<10240x16xf32, #tpu.memory_space<vmem_shared>> -> memref<10240x16xf32, #tpu.memory_space<vmem_shared>>
    tpu.wait_indirect_dma semaphore(%arg11 : memref<!tpu.dma_semaphore, #tpu.memory_space<semaphore_mem>>) src(%dma_wait3A_343 : memref<10240x16xf32, #tpu.memory_space<vmem_shared>>) dst(%dma_wait3A_337 : memref<128x16xf32, #tpu.memory_space<vmem>>)
    %dma_wait3A_344 = arith.constant 0 : i32
    %dma_wait3A_345 = arith.constant 0 : i32
    %dma_wait3A_346 = arith.constant 0 : i32
    %dma_wait3A_347 = tpu.memref_slice %arg9[%dma_wait3A_345, %dma_wait3A_346] : memref<2560x16xf32, #tpu.memory_space<vmem>> -> memref<128x16xf32, #tpu.memory_space<vmem>>
    %dma_wait3A_348 = arith.constant 0 : i32
    %dma_wait3A_349 = tpu.memref_slice %arg10[%dma_wait3A_344, %dma_wait3A_348] : memref<20x128xi32, #tpu.memory_space<vmem>> -> memref<1x128xi32, #tpu.memory_space<vmem>>
    %dma_wait3A_350 = tpu.memref_squeeze %dma_wait3A_349 : memref<1x128xi32, #tpu.memory_space<vmem>> -> memref<128xi32, #tpu.memory_space<vmem>>
    %dma_wait3A_351 = arith.constant 0 : i32
    %dma_wait3A_352 = arith.constant 0 : i32
    %dma_wait3A_353 = tpu.memref_slice %arg5[%dma_wait3A_351, %dma_wait3A_352] : memref<10240x16xf32, #tpu.memory_space<vmem_shared>> -> memref<10240x16xf32, #tpu.memory_space<vmem_shared>>
    tpu.wait_indirect_dma semaphore(%arg11 : memref<!tpu.dma_semaphore, #tpu.memory_space<semaphore_mem>>) src(%dma_wait3A_353 : memref<10240x16xf32, #tpu.memory_space<vmem_shared>>) dst(%dma_wait3A_347 : memref<128x16xf32, #tpu.memory_space<vmem>>)
    %dma_wait3A_354 = arith.constant 0 : i32
    %dma_wait3A_355 = arith.constant 0 : i32
    %dma_wait3A_356 = arith.constant 0 : i32
    %dma_wait3A_357 = tpu.memref_slice %arg9[%dma_wait3A_355, %dma_wait3A_356] : memref<2560x16xf32, #tpu.memory_space<vmem>> -> memref<128x16xf32, #tpu.memory_space<vmem>>
    %dma_wait3A_358 = arith.constant 0 : i32
    %dma_wait3A_359 = tpu.memref_slice %arg10[%dma_wait3A_354, %dma_wait3A_358] : memref<20x128xi32, #tpu.memory_space<vmem>> -> memref<1x128xi32, #tpu.memory_space<vmem>>
    %dma_wait3A_360 = tpu.memref_squeeze %dma_wait3A_359 : memref<1x128xi32, #tpu.memory_space<vmem>> -> memref<128xi32, #tpu.memory_space<vmem>>
    %dma_wait3A_361 = arith.constant 0 : i32
    %dma_wait3A_362 = arith.constant 0 : i32
    %dma_wait3A_363 = tpu.memref_slice %arg5[%dma_wait3A_361, %dma_wait3A_362] : memref<10240x16xf32, #tpu.memory_space<vmem_shared>> -> memref<10240x16xf32, #tpu.memory_space<vmem_shared>>
    tpu.wait_indirect_dma semaphore(%arg11 : memref<!tpu.dma_semaphore, #tpu.memory_space<semaphore_mem>>) src(%dma_wait3A_363 : memref<10240x16xf32, #tpu.memory_space<vmem_shared>>) dst(%dma_wait3A_357 : memref<128x16xf32, #tpu.memory_space<vmem>>)
    %dma_wait3A_364 = arith.constant 0 : i32
    %dma_wait3A_365 = arith.constant 0 : i32
    %dma_wait3A_366 = arith.constant 0 : i32
    %dma_wait3A_367 = tpu.memref_slice %arg9[%dma_wait3A_365, %dma_wait3A_366] : memref<2560x16xf32, #tpu.memory_space<vmem>> -> memref<128x16xf32, #tpu.memory_space<vmem>>
    %dma_wait3A_368 = arith.constant 0 : i32
    %dma_wait3A_369 = tpu.memref_slice %arg10[%dma_wait3A_364, %dma_wait3A_368] : memref<20x128xi32, #tpu.memory_space<vmem>> -> memref<1x128xi32, #tpu.memory_space<vmem>>
    %dma_wait3A_370 = tpu.memref_squeeze %dma_wait3A_369 : memref<1x128xi32, #tpu.memory_space<vmem>> -> memref<128xi32, #tpu.memory_space<vmem>>
    %dma_wait3A_371 = arith.constant 0 : i32
    %dma_wait3A_372 = arith.constant 0 : i32
    %dma_wait3A_373 = tpu.memref_slice %arg5[%dma_wait3A_371, %dma_wait3A_372] : memref<10240x16xf32, #tpu.memory_space<vmem_shared>> -> memref<10240x16xf32, #tpu.memory_space<vmem_shared>>
    tpu.wait_indirect_dma semaphore(%arg11 : memref<!tpu.dma_semaphore, #tpu.memory_space<semaphore_mem>>) src(%dma_wait3A_373 : memref<10240x16xf32, #tpu.memory_space<vmem_shared>>) dst(%dma_wait3A_367 : memref<128x16xf32, #tpu.memory_space<vmem>>)
    %dma_wait3A_374 = arith.constant 0 : i32
    %dma_wait3A_375 = arith.constant 0 : i32
    %dma_wait3A_376 = arith.constant 0 : i32
    %dma_wait3A_377 = tpu.memref_slice %arg9[%dma_wait3A_375, %dma_wait3A_376] : memref<2560x16xf32, #tpu.memory_space<vmem>> -> memref<128x16xf32, #tpu.memory_space<vmem>>
    %dma_wait3A_378 = arith.constant 0 : i32
    %dma_wait3A_379 = tpu.memref_slice %arg10[%dma_wait3A_374, %dma_wait3A_378] : memref<20x128xi32, #tpu.memory_space<vmem>> -> memref<1x128xi32, #tpu.memory_space<vmem>>
    %dma_wait3A_380 = tpu.memref_squeeze %dma_wait3A_379 : memref<1x128xi32, #tpu.memory_space<vmem>> -> memref<128xi32, #tpu.memory_space<vmem>>
    %dma_wait3A_381 = arith.constant 0 : i32
    %dma_wait3A_382 = arith.constant 0 : i32
    %dma_wait3A_383 = tpu.memref_slice %arg5[%dma_wait3A_381, %dma_wait3A_382] : memref<10240x16xf32, #tpu.memory_space<vmem_shared>> -> memref<10240x16xf32, #tpu.memory_space<vmem_shared>>
    tpu.wait_indirect_dma semaphore(%arg11 : memref<!tpu.dma_semaphore, #tpu.memory_space<semaphore_mem>>) src(%dma_wait3A_383 : memref<10240x16xf32, #tpu.memory_space<vmem_shared>>) dst(%dma_wait3A_377 : memref<128x16xf32, #tpu.memory_space<vmem>>)
    %dma_wait3A_384 = arith.constant 0 : i32
    %dma_wait3A_385 = arith.constant 0 : i32
    %dma_wait3A_386 = arith.constant 0 : i32
    %dma_wait3A_387 = tpu.memref_slice %arg9[%dma_wait3A_385, %dma_wait3A_386] : memref<2560x16xf32, #tpu.memory_space<vmem>> -> memref<128x16xf32, #tpu.memory_space<vmem>>
    %dma_wait3A_388 = arith.constant 0 : i32
    %dma_wait3A_389 = tpu.memref_slice %arg10[%dma_wait3A_384, %dma_wait3A_388] : memref<20x128xi32, #tpu.memory_space<vmem>> -> memref<1x128xi32, #tpu.memory_space<vmem>>
    %dma_wait3A_390 = tpu.memref_squeeze %dma_wait3A_389 : memref<1x128xi32, #tpu.memory_space<vmem>> -> memref<128xi32, #tpu.memory_space<vmem>>
    %dma_wait3A_391 = arith.constant 0 : i32
    %dma_wait3A_392 = arith.constant 0 : i32
    %dma_wait3A_393 = tpu.memref_slice %arg5[%dma_wait3A_391, %dma_wait3A_392] : memref<10240x16xf32, #tpu.memory_space<vmem_shared>> -> memref<10240x16xf32, #tpu.memory_space<vmem_shared>>
    tpu.wait_indirect_dma semaphore(%arg11 : memref<!tpu.dma_semaphore, #tpu.memory_space<semaphore_mem>>) src(%dma_wait3A_393 : memref<10240x16xf32, #tpu.memory_space<vmem_shared>>) dst(%dma_wait3A_387 : memref<128x16xf32, #tpu.memory_space<vmem>>)
    %dma_wait3A_394 = arith.constant 0 : i32
    %dma_wait3A_395 = arith.constant 0 : i32
    %dma_wait3A_396 = arith.constant 0 : i32
    %dma_wait3A_397 = tpu.memref_slice %arg9[%dma_wait3A_395, %dma_wait3A_396] : memref<2560x16xf32, #tpu.memory_space<vmem>> -> memref<128x16xf32, #tpu.memory_space<vmem>>
    %dma_wait3A_398 = arith.constant 0 : i32
    %dma_wait3A_399 = tpu.memref_slice %arg10[%dma_wait3A_394, %dma_wait3A_398] : memref<20x128xi32, #tpu.memory_space<vmem>> -> memref<1x128xi32, #tpu.memory_space<vmem>>
    %dma_wait3A_400 = tpu.memref_squeeze %dma_wait3A_399 : memref<1x128xi32, #tpu.memory_space<vmem>> -> memref<128xi32, #tpu.memory_space<vmem>>
    %dma_wait3A_401 = arith.constant 0 : i32
    %dma_wait3A_402 = arith.constant 0 : i32
    %dma_wait3A_403 = tpu.memref_slice %arg5[%dma_wait3A_401, %dma_wait3A_402] : memref<10240x16xf32, #tpu.memory_space<vmem_shared>> -> memref<10240x16xf32, #tpu.memory_space<vmem_shared>>
    tpu.wait_indirect_dma semaphore(%arg11 : memref<!tpu.dma_semaphore, #tpu.memory_space<semaphore_mem>>) src(%dma_wait3A_403 : memref<10240x16xf32, #tpu.memory_space<vmem_shared>>) dst(%dma_wait3A_397 : memref<128x16xf32, #tpu.memory_space<vmem>>)
    %dma_wait3A_404 = arith.constant 0 : i32
    %dma_wait3A_405 = arith.constant 0 : i32
    %dma_wait3A_406 = arith.constant 0 : i32
    %dma_wait3A_407 = tpu.memref_slice %arg9[%dma_wait3A_405, %dma_wait3A_406] : memref<2560x16xf32, #tpu.memory_space<vmem>> -> memref<128x16xf32, #tpu.memory_space<vmem>>
    %dma_wait3A_408 = arith.constant 0 : i32
    %dma_wait3A_409 = tpu.memref_slice %arg10[%dma_wait3A_404, %dma_wait3A_408] : memref<20x128xi32, #tpu.memory_space<vmem>> -> memref<1x128xi32, #tpu.memory_space<vmem>>
    %dma_wait3A_410 = tpu.memref_squeeze %dma_wait3A_409 : memref<1x128xi32, #tpu.memory_space<vmem>> -> memref<128xi32, #tpu.memory_space<vmem>>
    %dma_wait3A_411 = arith.constant 0 : i32
    %dma_wait3A_412 = arith.constant 0 : i32
    %dma_wait3A_413 = tpu.memref_slice %arg5[%dma_wait3A_411, %dma_wait3A_412] : memref<10240x16xf32, #tpu.memory_space<vmem_shared>> -> memref<10240x16xf32, #tpu.memory_space<vmem_shared>>
    tpu.wait_indirect_dma semaphore(%arg11 : memref<!tpu.dma_semaphore, #tpu.memory_space<semaphore_mem>>) src(%dma_wait3A_413 : memref<10240x16xf32, #tpu.memory_space<vmem_shared>>) dst(%dma_wait3A_407 : memref<128x16xf32, #tpu.memory_space<vmem>>)
    %dma_wait3A_414 = arith.constant 0 : i32
    %dma_wait3A_415 = arith.constant 0 : i32
    %dma_wait3A_416 = arith.constant 0 : i32
    %dma_wait3A_417 = tpu.memref_slice %arg9[%dma_wait3A_415, %dma_wait3A_416] : memref<2560x16xf32, #tpu.memory_space<vmem>> -> memref<128x16xf32, #tpu.memory_space<vmem>>
    %dma_wait3A_418 = arith.constant 0 : i32
    %dma_wait3A_419 = tpu.memref_slice %arg10[%dma_wait3A_414, %dma_wait3A_418] : memref<20x128xi32, #tpu.memory_space<vmem>> -> memref<1x128xi32, #tpu.memory_space<vmem>>
    %dma_wait3A_420 = tpu.memref_squeeze %dma_wait3A_419 : memref<1x128xi32, #tpu.memory_space<vmem>> -> memref<128xi32, #tpu.memory_space<vmem>>
    %dma_wait3A_421 = arith.constant 0 : i32
    %dma_wait3A_422 = arith.constant 0 : i32
    %dma_wait3A_423 = tpu.memref_slice %arg5[%dma_wait3A_421, %dma_wait3A_422] : memref<10240x16xf32, #tpu.memory_space<vmem_shared>> -> memref<10240x16xf32, #tpu.memory_space<vmem_shared>>
    tpu.wait_indirect_dma semaphore(%arg11 : memref<!tpu.dma_semaphore, #tpu.memory_space<semaphore_mem>>) src(%dma_wait3A_423 : memref<10240x16xf32, #tpu.memory_space<vmem_shared>>) dst(%dma_wait3A_417 : memref<128x16xf32, #tpu.memory_space<vmem>>)
    %dma_wait3A_424 = arith.constant 0 : i32
    %dma_wait3A_425 = arith.constant 0 : i32
    %dma_wait3A_426 = arith.constant 0 : i32
    %dma_wait3A_427 = tpu.memref_slice %arg9[%dma_wait3A_425, %dma_wait3A_426] : memref<2560x16xf32, #tpu.memory_space<vmem>> -> memref<128x16xf32, #tpu.memory_space<vmem>>
    %dma_wait3A_428 = arith.constant 0 : i32
    %dma_wait3A_429 = tpu.memref_slice %arg10[%dma_wait3A_424, %dma_wait3A_428] : memref<20x128xi32, #tpu.memory_space<vmem>> -> memref<1x128xi32, #tpu.memory_space<vmem>>
    %dma_wait3A_430 = tpu.memref_squeeze %dma_wait3A_429 : memref<1x128xi32, #tpu.memory_space<vmem>> -> memref<128xi32, #tpu.memory_space<vmem>>
    %dma_wait3A_431 = arith.constant 0 : i32
    %dma_wait3A_432 = arith.constant 0 : i32
    %dma_wait3A_433 = tpu.memref_slice %arg5[%dma_wait3A_431, %dma_wait3A_432] : memref<10240x16xf32, #tpu.memory_space<vmem_shared>> -> memref<10240x16xf32, #tpu.memory_space<vmem_shared>>
    tpu.wait_indirect_dma semaphore(%arg11 : memref<!tpu.dma_semaphore, #tpu.memory_space<semaphore_mem>>) src(%dma_wait3A_433 : memref<10240x16xf32, #tpu.memory_space<vmem_shared>>) dst(%dma_wait3A_427 : memref<128x16xf32, #tpu.memory_space<vmem>>)
    "tpu.region"() ({
      %run_scoped3A = tpu.sem_alloc : memref<!tpu.dma_semaphore, #tpu.memory_space<semaphore_mem>>
      %dma_start3A_434 = arith.constant 0 : i32
      %dma_start3A_435 = arith.constant 0 : i32
      %dma_start3A_436 = tpu.memref_slice %arg4[%arg0, %arg1, %dma_start3A_434, %dma_start3A_435] : memref<2x16x2560x16xf32, #tpu.memory_space<hbm>> -> memref<1x1x2560x16xf32, #tpu.memory_space<hbm>>
      %dma_start3A_437 = tpu.memref_squeeze %dma_start3A_436 : memref<1x1x2560x16xf32, #tpu.memory_space<hbm>> -> memref<2560x16xf32, #tpu.memory_space<hbm>>
      %dma_start3A_438 = arith.constant 0 : i32
      %dma_start3A_439 = arith.constant 0 : i32
      %dma_start3A_440 = tpu.memref_slice %arg4[%arg0, %arg1, %dma_start3A_438, %dma_start3A_439] : memref<2x16x2560x16xf32, #tpu.memory_space<hbm>> -> memref<1x1x2560x16xf32, #tpu.memory_space<hbm>>
      %dma_start3A_441 = tpu.memref_squeeze %dma_start3A_440 : memref<1x1x2560x16xf32, #tpu.memory_space<hbm>> -> memref<2560x16xf32, #tpu.memory_space<hbm>>
      tpu.enqueue_dma source(%arg9 : memref<2560x16xf32, #tpu.memory_space<vmem>>) target(%dma_start3A_441 : memref<2560x16xf32, #tpu.memory_space<hbm>>) target_semaphore(%run_scoped3A : memref<!tpu.dma_semaphore, #tpu.memory_space<semaphore_mem>>)
      %dma_wait3A_442 = arith.constant 0 : i32
      %dma_wait3A_443 = arith.constant 0 : i32
      %dma_wait3A_444 = tpu.memref_slice %arg4[%arg0, %arg1, %dma_wait3A_442, %dma_wait3A_443] : memref<2x16x2560x16xf32, #tpu.memory_space<hbm>> -> memref<1x1x2560x16xf32, #tpu.memory_space<hbm>>
      %dma_wait3A_445 = tpu.memref_squeeze %dma_wait3A_444 : memref<1x1x2560x16xf32, #tpu.memory_space<hbm>> -> memref<2560x16xf32, #tpu.memory_space<hbm>>
      %dma_wait3A_446 = arith.constant 0 : i32
      %dma_wait3A_447 = arith.constant 0 : i32
      %dma_wait3A_448 = tpu.memref_slice %arg4[%arg0, %arg1, %dma_wait3A_446, %dma_wait3A_447] : memref<2x16x2560x16xf32, #tpu.memory_space<hbm>> -> memref<1x1x2560x16xf32, #tpu.memory_space<hbm>>
      %dma_wait3A_449 = tpu.memref_squeeze %dma_wait3A_448 : memref<1x1x2560x16xf32, #tpu.memory_space<hbm>> -> memref<2560x16xf32, #tpu.memory_space<hbm>>
      tpu.wait_dma2 semaphore(%run_scoped3A : memref<!tpu.dma_semaphore, #tpu.memory_space<semaphore_mem>>) src(%arg9 : memref<2560x16xf32, #tpu.memory_space<vmem>>) dst(%dma_wait3A_449 : memref<2560x16xf32, #tpu.memory_space<hbm>>)
      tpu.yield
    }) : () -> ()
    return
  }
}

#map = affine_map<(d0, d1) -> (0, 0, 0, 0)>
#map1 = affine_map<(d0, d1) -> (0, 0)>
#map2 = affine_map<(d0, d1) -> (0, 0, 0)>
module attributes {stable_mosaic.version = 14 : i64} {
  func.func @_agg_body(%arg0: i32, %arg1: i32, %arg2: memref<2x16x80x128xi32, #tpu.memory_space<hbm>>, %arg3: memref<2x16x80x128xi32, #tpu.memory_space<hbm>>, %arg4: memref<10240x64xf32, #tpu.memory_space<hbm>>, %arg5: memref<2x10240x64xf32, #tpu.memory_space<hbm>>, %arg6: memref<10240x64xf32, #tpu.memory_space<vmem_shared>>, %arg7: memref<10240x64xf32, #tpu.memory_space<vmem_shared>>, %arg8: memref<80x128xi32, #tpu.memory_space<vmem>>, %arg9: memref<80x128xi32, #tpu.memory_space<vmem>>, %arg10: memref<128x64xf32, #tpu.memory_space<vmem>>, %arg11: memref<128x64xf32, #tpu.memory_space<vmem>>, %arg12: memref<!tpu.dma_semaphore, #tpu.memory_space<semaphore_mem>>, %arg13: memref<!tpu.dma_semaphore, #tpu.memory_space<semaphore_mem>>, %arg14: memref<!tpu.dma_semaphore, #tpu.memory_space<semaphore_mem>>, %arg15: memref<!tpu.dma_semaphore, #tpu.memory_space<semaphore_mem>>, %arg16: memref<!tpu.dma_semaphore, #tpu.memory_space<semaphore_mem>>) attributes {dimension_semantics = [#tpu.dimension_semantics<core_parallel>, #tpu.dimension_semantics<subcore_parallel>], iteration_bounds = array<i64: 2, 16>, scalar_prefetch = 0 : i64, scratch_operands = 11 : i64, tpu.core_type = #tpu.core_type<sc_vector_subcore>, window_params = [{transform_indices = #map}, {transform_indices = #map}, {transform_indices = #map1}, {transform_indices = #map2}]} {
    %mul3A = arith.constant 640 : i32
    %mul3A_0 = arith.muli %arg1, %mul3A : i32
    %mul3A_1 = arith.constant 640 : i32
    %mul3A_2 = arith.muli %arg1, %mul3A_1 : i32
    %dma_start3A = arith.constant 0 : i32
    %dma_start3A_3 = tpu.memref_slice %arg7[%mul3A_2, %dma_start3A] : memref<10240x64xf32, #tpu.memory_space<vmem_shared>> -> memref<640x64xf32, #tpu.memory_space<vmem_shared>>
    %dma_start3A_4 = arith.constant 0 : i32
    %dma_start3A_5 = tpu.memref_slice %arg4[%mul3A_0, %dma_start3A_4] : memref<10240x64xf32, #tpu.memory_space<hbm>> -> memref<640x64xf32, #tpu.memory_space<hbm>>
    tpu.enqueue_dma source(%dma_start3A_5 : memref<640x64xf32, #tpu.memory_space<hbm>>) target(%dma_start3A_3 : memref<640x64xf32, #tpu.memory_space<vmem_shared>>) target_semaphore(%arg16 : memref<!tpu.dma_semaphore, #tpu.memory_space<semaphore_mem>>)
    %scan3A = arith.constant 0 : i32
    %scan3A_6 = arith.constant 0 : i32
    %scan3A_7 = arith.constant 128 : i32
    %scan3A_8 = arith.addi %scan3A_6, %scan3A_7 : i32
    %scan3A_9 = arith.constant 1 : i32
    scf.for %scan3A_108 = %scan3A_6 to %scan3A_8 step %scan3A_9  : i32 {
      %broadcast_in_dim3A = arith.constant 0.000000e+00 : f32
      %broadcast_in_dim3A_109 = vector.broadcast %broadcast_in_dim3A : f32 to vector<16xf32>
      %swap3A = arith.index_cast %scan3A_108 : i32 to index
      %swap3A_110 = arith.constant 0 : index
      %swap3A_111 = tpu.vector_load %arg10[%swap3A, %swap3A_110] {strides = array<i32>} : memref<128x64xf32, #tpu.memory_space<vmem>>, vector<1x16xf32>,
      %swap3A_112 = vector.shape_cast %swap3A_111 : vector<1x16xf32> to vector<16xf32>
      %swap3A_113 = vector.shape_cast %broadcast_in_dim3A_109 : vector<16xf32> to vector<1x16xf32>
      tpu.vector_store %arg10[%swap3A, %swap3A_110], %swap3A_113 {strides = array<i32>} : memref<128x64xf32, #tpu.memory_space<vmem>>, vector<1x16xf32>,
      %broadcast_in_dim3A_114 = arith.constant 0.000000e+00 : f32
      %broadcast_in_dim3A_115 = vector.broadcast %broadcast_in_dim3A_114 : f32 to vector<16xf32>
      %swap3A_116 = arith.index_cast %scan3A_108 : i32 to index
      %swap3A_117 = arith.constant 16 : index
      %swap3A_118 = tpu.vector_load %arg10[%swap3A_116, %swap3A_117] {strides = array<i32>} : memref<128x64xf32, #tpu.memory_space<vmem>>, vector<1x16xf32>,
      %swap3A_119 = vector.shape_cast %swap3A_118 : vector<1x16xf32> to vector<16xf32>
      %swap3A_120 = vector.shape_cast %broadcast_in_dim3A_115 : vector<16xf32> to vector<1x16xf32>
      tpu.vector_store %arg10[%swap3A_116, %swap3A_117], %swap3A_120 {strides = array<i32>} : memref<128x64xf32, #tpu.memory_space<vmem>>, vector<1x16xf32>,
      %broadcast_in_dim3A_121 = arith.constant 0.000000e+00 : f32
      %broadcast_in_dim3A_122 = vector.broadcast %broadcast_in_dim3A_121 : f32 to vector<16xf32>
      %swap3A_123 = arith.index_cast %scan3A_108 : i32 to index
      %swap3A_124 = arith.constant 32 : index
      %swap3A_125 = tpu.vector_load %arg10[%swap3A_123, %swap3A_124] {strides = array<i32>} : memref<128x64xf32, #tpu.memory_space<vmem>>, vector<1x16xf32>,
      %swap3A_126 = vector.shape_cast %swap3A_125 : vector<1x16xf32> to vector<16xf32>
      %swap3A_127 = vector.shape_cast %broadcast_in_dim3A_122 : vector<16xf32> to vector<1x16xf32>
      tpu.vector_store %arg10[%swap3A_123, %swap3A_124], %swap3A_127 {strides = array<i32>} : memref<128x64xf32, #tpu.memory_space<vmem>>, vector<1x16xf32>,
      %broadcast_in_dim3A_128 = arith.constant 0.000000e+00 : f32
      %broadcast_in_dim3A_129 = vector.broadcast %broadcast_in_dim3A_128 : f32 to vector<16xf32>
      %swap3A_130 = arith.index_cast %scan3A_108 : i32 to index
      %swap3A_131 = arith.constant 48 : index
      %swap3A_132 = tpu.vector_load %arg10[%swap3A_130, %swap3A_131] {strides = array<i32>} : memref<128x64xf32, #tpu.memory_space<vmem>>, vector<1x16xf32>,
      %swap3A_133 = vector.shape_cast %swap3A_132 : vector<1x16xf32> to vector<16xf32>
      %swap3A_134 = vector.shape_cast %broadcast_in_dim3A_129 : vector<16xf32> to vector<1x16xf32>
      tpu.vector_store %arg10[%swap3A_130, %swap3A_131], %swap3A_134 {strides = array<i32>} : memref<128x64xf32, #tpu.memory_space<vmem>>, vector<1x16xf32>,
    }
    %scan3A_10 = arith.constant 128 : i32
    %mul3A_11 = arith.constant 640 : i32
    %mul3A_12 = arith.muli %arg1, %mul3A_11 : i32
    %add3A = arith.constant 0 : i32
    %add3A_13 = arith.addi %mul3A_12, %add3A : i32
    "tpu.region"() ({
      %run_scoped3A = tpu.sem_alloc : memref<!tpu.dma_semaphore, #tpu.memory_space<semaphore_mem>>
      %dma_start3A_108 = arith.constant 0 : i32
      %dma_start3A_109 = arith.constant 0 : i32
      %dma_start3A_110 = tpu.memref_slice %arg10[%dma_start3A_108, %dma_start3A_109] : memref<128x64xf32, #tpu.memory_space<vmem>> -> memref<128x64xf32, #tpu.memory_space<vmem>>
      %dma_start3A_111 = arith.constant 0 : i32
      %dma_start3A_112 = tpu.memref_slice %arg6[%add3A_13, %dma_start3A_111] : memref<10240x64xf32, #tpu.memory_space<vmem_shared>> -> memref<128x64xf32, #tpu.memory_space<vmem_shared>>
      %dma_start3A_113 = arith.constant 0 : i32
      %dma_start3A_114 = tpu.memref_slice %arg6[%add3A_13, %dma_start3A_113] : memref<10240x64xf32, #tpu.memory_space<vmem_shared>> -> memref<128x64xf32, #tpu.memory_space<vmem_shared>>
      %dma_start3A_115 = arith.constant 0 : i32
      %dma_start3A_116 = arith.constant 0 : i32
      %dma_start3A_117 = tpu.memref_slice %arg10[%dma_start3A_115, %dma_start3A_116] : memref<128x64xf32, #tpu.memory_space<vmem>> -> memref<128x64xf32, #tpu.memory_space<vmem>>
      tpu.enqueue_dma source(%dma_start3A_117 : memref<128x64xf32, #tpu.memory_space<vmem>>) target(%dma_start3A_114 : memref<128x64xf32, #tpu.memory_space<vmem_shared>>) target_semaphore(%run_scoped3A : memref<!tpu.dma_semaphore, #tpu.memory_space<semaphore_mem>>)
      %dma_wait3A_118 = arith.constant 0 : i32
      %dma_wait3A_119 = arith.constant 0 : i32
      %dma_wait3A_120 = tpu.memref_slice %arg10[%dma_wait3A_118, %dma_wait3A_119] : memref<128x64xf32, #tpu.memory_space<vmem>> -> memref<128x64xf32, #tpu.memory_space<vmem>>
      %dma_wait3A_121 = arith.constant 0 : i32
      %dma_wait3A_122 = tpu.memref_slice %arg6[%add3A_13, %dma_wait3A_121] : memref<10240x64xf32, #tpu.memory_space<vmem_shared>> -> memref<128x64xf32, #tpu.memory_space<vmem_shared>>
      %dma_wait3A_123 = arith.constant 0 : i32
      %dma_wait3A_124 = tpu.memref_slice %arg6[%add3A_13, %dma_wait3A_123] : memref<10240x64xf32, #tpu.memory_space<vmem_shared>> -> memref<128x64xf32, #tpu.memory_space<vmem_shared>>
      %dma_wait3A_125 = arith.constant 0 : i32
      %dma_wait3A_126 = arith.constant 0 : i32
      %dma_wait3A_127 = tpu.memref_slice %arg10[%dma_wait3A_125, %dma_wait3A_126] : memref<128x64xf32, #tpu.memory_space<vmem>> -> memref<128x64xf32, #tpu.memory_space<vmem>>
      tpu.wait_dma2 semaphore(%run_scoped3A : memref<!tpu.dma_semaphore, #tpu.memory_space<semaphore_mem>>) src(%dma_wait3A_127 : memref<128x64xf32, #tpu.memory_space<vmem>>) dst(%dma_wait3A_124 : memref<128x64xf32, #tpu.memory_space<vmem_shared>>)
      tpu.yield
    }) : () -> ()
    %mul3A_14 = arith.constant 640 : i32
    %mul3A_15 = arith.muli %arg1, %mul3A_14 : i32
    %add3A_16 = arith.constant 128 : i32
    %add3A_17 = arith.addi %mul3A_15, %add3A_16 : i32
    "tpu.region"() ({
      %run_scoped3A = tpu.sem_alloc : memref<!tpu.dma_semaphore, #tpu.memory_space<semaphore_mem>>
      %dma_start3A_108 = arith.constant 0 : i32
      %dma_start3A_109 = arith.constant 0 : i32
      %dma_start3A_110 = tpu.memref_slice %arg10[%dma_start3A_108, %dma_start3A_109] : memref<128x64xf32, #tpu.memory_space<vmem>> -> memref<128x64xf32, #tpu.memory_space<vmem>>
      %dma_start3A_111 = arith.constant 0 : i32
      %dma_start3A_112 = tpu.memref_slice %arg6[%add3A_17, %dma_start3A_111] : memref<10240x64xf32, #tpu.memory_space<vmem_shared>> -> memref<128x64xf32, #tpu.memory_space<vmem_shared>>
      %dma_start3A_113 = arith.constant 0 : i32
      %dma_start3A_114 = tpu.memref_slice %arg6[%add3A_17, %dma_start3A_113] : memref<10240x64xf32, #tpu.memory_space<vmem_shared>> -> memref<128x64xf32, #tpu.memory_space<vmem_shared>>
      %dma_start3A_115 = arith.constant 0 : i32
      %dma_start3A_116 = arith.constant 0 : i32
      %dma_start3A_117 = tpu.memref_slice %arg10[%dma_start3A_115, %dma_start3A_116] : memref<128x64xf32, #tpu.memory_space<vmem>> -> memref<128x64xf32, #tpu.memory_space<vmem>>
      tpu.enqueue_dma source(%dma_start3A_117 : memref<128x64xf32, #tpu.memory_space<vmem>>) target(%dma_start3A_114 : memref<128x64xf32, #tpu.memory_space<vmem_shared>>) target_semaphore(%run_scoped3A : memref<!tpu.dma_semaphore, #tpu.memory_space<semaphore_mem>>)
      %dma_wait3A_118 = arith.constant 0 : i32
      %dma_wait3A_119 = arith.constant 0 : i32
      %dma_wait3A_120 = tpu.memref_slice %arg10[%dma_wait3A_118, %dma_wait3A_119] : memref<128x64xf32, #tpu.memory_space<vmem>> -> memref<128x64xf32, #tpu.memory_space<vmem>>
      %dma_wait3A_121 = arith.constant 0 : i32
      %dma_wait3A_122 = tpu.memref_slice %arg6[%add3A_17, %dma_wait3A_121] : memref<10240x64xf32, #tpu.memory_space<vmem_shared>> -> memref<128x64xf32, #tpu.memory_space<vmem_shared>>
      %dma_wait3A_123 = arith.constant 0 : i32
      %dma_wait3A_124 = tpu.memref_slice %arg6[%add3A_17, %dma_wait3A_123] : memref<10240x64xf32, #tpu.memory_space<vmem_shared>> -> memref<128x64xf32, #tpu.memory_space<vmem_shared>>
      %dma_wait3A_125 = arith.constant 0 : i32
      %dma_wait3A_126 = arith.constant 0 : i32
      %dma_wait3A_127 = tpu.memref_slice %arg10[%dma_wait3A_125, %dma_wait3A_126] : memref<128x64xf32, #tpu.memory_space<vmem>> -> memref<128x64xf32, #tpu.memory_space<vmem>>
      tpu.wait_dma2 semaphore(%run_scoped3A : memref<!tpu.dma_semaphore, #tpu.memory_space<semaphore_mem>>) src(%dma_wait3A_127 : memref<128x64xf32, #tpu.memory_space<vmem>>) dst(%dma_wait3A_124 : memref<128x64xf32, #tpu.memory_space<vmem_shared>>)
      tpu.yield
    }) : () -> ()
    %mul3A_18 = arith.constant 640 : i32
    %mul3A_19 = arith.muli %arg1, %mul3A_18 : i32
    %add3A_20 = arith.constant 256 : i32
    %add3A_21 = arith.addi %mul3A_19, %add3A_20 : i32
    "tpu.region"() ({
      %run_scoped3A = tpu.sem_alloc : memref<!tpu.dma_semaphore, #tpu.memory_space<semaphore_mem>>
      %dma_start3A_108 = arith.constant 0 : i32
      %dma_start3A_109 = arith.constant 0 : i32
      %dma_start3A_110 = tpu.memref_slice %arg10[%dma_start3A_108, %dma_start3A_109] : memref<128x64xf32, #tpu.memory_space<vmem>> -> memref<128x64xf32, #tpu.memory_space<vmem>>
      %dma_start3A_111 = arith.constant 0 : i32
      %dma_start3A_112 = tpu.memref_slice %arg6[%add3A_21, %dma_start3A_111] : memref<10240x64xf32, #tpu.memory_space<vmem_shared>> -> memref<128x64xf32, #tpu.memory_space<vmem_shared>>
      %dma_start3A_113 = arith.constant 0 : i32
      %dma_start3A_114 = tpu.memref_slice %arg6[%add3A_21, %dma_start3A_113] : memref<10240x64xf32, #tpu.memory_space<vmem_shared>> -> memref<128x64xf32, #tpu.memory_space<vmem_shared>>
      %dma_start3A_115 = arith.constant 0 : i32
      %dma_start3A_116 = arith.constant 0 : i32
      %dma_start3A_117 = tpu.memref_slice %arg10[%dma_start3A_115, %dma_start3A_116] : memref<128x64xf32, #tpu.memory_space<vmem>> -> memref<128x64xf32, #tpu.memory_space<vmem>>
      tpu.enqueue_dma source(%dma_start3A_117 : memref<128x64xf32, #tpu.memory_space<vmem>>) target(%dma_start3A_114 : memref<128x64xf32, #tpu.memory_space<vmem_shared>>) target_semaphore(%run_scoped3A : memref<!tpu.dma_semaphore, #tpu.memory_space<semaphore_mem>>)
      %dma_wait3A_118 = arith.constant 0 : i32
      %dma_wait3A_119 = arith.constant 0 : i32
      %dma_wait3A_120 = tpu.memref_slice %arg10[%dma_wait3A_118, %dma_wait3A_119] : memref<128x64xf32, #tpu.memory_space<vmem>> -> memref<128x64xf32, #tpu.memory_space<vmem>>
      %dma_wait3A_121 = arith.constant 0 : i32
      %dma_wait3A_122 = tpu.memref_slice %arg6[%add3A_21, %dma_wait3A_121] : memref<10240x64xf32, #tpu.memory_space<vmem_shared>> -> memref<128x64xf32, #tpu.memory_space<vmem_shared>>
      %dma_wait3A_123 = arith.constant 0 : i32
      %dma_wait3A_124 = tpu.memref_slice %arg6[%add3A_21, %dma_wait3A_123] : memref<10240x64xf32, #tpu.memory_space<vmem_shared>> -> memref<128x64xf32, #tpu.memory_space<vmem_shared>>
      %dma_wait3A_125 = arith.constant 0 : i32
      %dma_wait3A_126 = arith.constant 0 : i32
      %dma_wait3A_127 = tpu.memref_slice %arg10[%dma_wait3A_125, %dma_wait3A_126] : memref<128x64xf32, #tpu.memory_space<vmem>> -> memref<128x64xf32, #tpu.memory_space<vmem>>
      tpu.wait_dma2 semaphore(%run_scoped3A : memref<!tpu.dma_semaphore, #tpu.memory_space<semaphore_mem>>) src(%dma_wait3A_127 : memref<128x64xf32, #tpu.memory_space<vmem>>) dst(%dma_wait3A_124 : memref<128x64xf32, #tpu.memory_space<vmem_shared>>)
      tpu.yield
    }) : () -> ()
    %mul3A_22 = arith.constant 640 : i32
    %mul3A_23 = arith.muli %arg1, %mul3A_22 : i32
    %add3A_24 = arith.constant 384 : i32
    %add3A_25 = arith.addi %mul3A_23, %add3A_24 : i32
    "tpu.region"() ({
      %run_scoped3A = tpu.sem_alloc : memref<!tpu.dma_semaphore, #tpu.memory_space<semaphore_mem>>
      %dma_start3A_108 = arith.constant 0 : i32
      %dma_start3A_109 = arith.constant 0 : i32
      %dma_start3A_110 = tpu.memref_slice %arg10[%dma_start3A_108, %dma_start3A_109] : memref<128x64xf32, #tpu.memory_space<vmem>> -> memref<128x64xf32, #tpu.memory_space<vmem>>
      %dma_start3A_111 = arith.constant 0 : i32
      %dma_start3A_112 = tpu.memref_slice %arg6[%add3A_25, %dma_start3A_111] : memref<10240x64xf32, #tpu.memory_space<vmem_shared>> -> memref<128x64xf32, #tpu.memory_space<vmem_shared>>
      %dma_start3A_113 = arith.constant 0 : i32
      %dma_start3A_114 = tpu.memref_slice %arg6[%add3A_25, %dma_start3A_113] : memref<10240x64xf32, #tpu.memory_space<vmem_shared>> -> memref<128x64xf32, #tpu.memory_space<vmem_shared>>
      %dma_start3A_115 = arith.constant 0 : i32
      %dma_start3A_116 = arith.constant 0 : i32
      %dma_start3A_117 = tpu.memref_slice %arg10[%dma_start3A_115, %dma_start3A_116] : memref<128x64xf32, #tpu.memory_space<vmem>> -> memref<128x64xf32, #tpu.memory_space<vmem>>
      tpu.enqueue_dma source(%dma_start3A_117 : memref<128x64xf32, #tpu.memory_space<vmem>>) target(%dma_start3A_114 : memref<128x64xf32, #tpu.memory_space<vmem_shared>>) target_semaphore(%run_scoped3A : memref<!tpu.dma_semaphore, #tpu.memory_space<semaphore_mem>>)
      %dma_wait3A_118 = arith.constant 0 : i32
      %dma_wait3A_119 = arith.constant 0 : i32
      %dma_wait3A_120 = tpu.memref_slice %arg10[%dma_wait3A_118, %dma_wait3A_119] : memref<128x64xf32, #tpu.memory_space<vmem>> -> memref<128x64xf32, #tpu.memory_space<vmem>>
      %dma_wait3A_121 = arith.constant 0 : i32
      %dma_wait3A_122 = tpu.memref_slice %arg6[%add3A_25, %dma_wait3A_121] : memref<10240x64xf32, #tpu.memory_space<vmem_shared>> -> memref<128x64xf32, #tpu.memory_space<vmem_shared>>
      %dma_wait3A_123 = arith.constant 0 : i32
      %dma_wait3A_124 = tpu.memref_slice %arg6[%add3A_25, %dma_wait3A_123] : memref<10240x64xf32, #tpu.memory_space<vmem_shared>> -> memref<128x64xf32, #tpu.memory_space<vmem_shared>>
      %dma_wait3A_125 = arith.constant 0 : i32
      %dma_wait3A_126 = arith.constant 0 : i32
      %dma_wait3A_127 = tpu.memref_slice %arg10[%dma_wait3A_125, %dma_wait3A_126] : memref<128x64xf32, #tpu.memory_space<vmem>> -> memref<128x64xf32, #tpu.memory_space<vmem>>
      tpu.wait_dma2 semaphore(%run_scoped3A : memref<!tpu.dma_semaphore, #tpu.memory_space<semaphore_mem>>) src(%dma_wait3A_127 : memref<128x64xf32, #tpu.memory_space<vmem>>) dst(%dma_wait3A_124 : memref<128x64xf32, #tpu.memory_space<vmem_shared>>)
      tpu.yield
    }) : () -> ()
    %mul3A_26 = arith.constant 640 : i32
    %mul3A_27 = arith.muli %arg1, %mul3A_26 : i32
    %add3A_28 = arith.constant 512 : i32
    %add3A_29 = arith.addi %mul3A_27, %add3A_28 : i32
    "tpu.region"() ({
      %run_scoped3A = tpu.sem_alloc : memref<!tpu.dma_semaphore, #tpu.memory_space<semaphore_mem>>
      %dma_start3A_108 = arith.constant 0 : i32
      %dma_start3A_109 = arith.constant 0 : i32
      %dma_start3A_110 = tpu.memref_slice %arg10[%dma_start3A_108, %dma_start3A_109] : memref<128x64xf32, #tpu.memory_space<vmem>> -> memref<128x64xf32, #tpu.memory_space<vmem>>
      %dma_start3A_111 = arith.constant 0 : i32
      %dma_start3A_112 = tpu.memref_slice %arg6[%add3A_29, %dma_start3A_111] : memref<10240x64xf32, #tpu.memory_space<vmem_shared>> -> memref<128x64xf32, #tpu.memory_space<vmem_shared>>
      %dma_start3A_113 = arith.constant 0 : i32
      %dma_start3A_114 = tpu.memref_slice %arg6[%add3A_29, %dma_start3A_113] : memref<10240x64xf32, #tpu.memory_space<vmem_shared>> -> memref<128x64xf32, #tpu.memory_space<vmem_shared>>
      %dma_start3A_115 = arith.constant 0 : i32
      %dma_start3A_116 = arith.constant 0 : i32
      %dma_start3A_117 = tpu.memref_slice %arg10[%dma_start3A_115, %dma_start3A_116] : memref<128x64xf32, #tpu.memory_space<vmem>> -> memref<128x64xf32, #tpu.memory_space<vmem>>
      tpu.enqueue_dma source(%dma_start3A_117 : memref<128x64xf32, #tpu.memory_space<vmem>>) target(%dma_start3A_114 : memref<128x64xf32, #tpu.memory_space<vmem_shared>>) target_semaphore(%run_scoped3A : memref<!tpu.dma_semaphore, #tpu.memory_space<semaphore_mem>>)
      %dma_wait3A_118 = arith.constant 0 : i32
      %dma_wait3A_119 = arith.constant 0 : i32
      %dma_wait3A_120 = tpu.memref_slice %arg10[%dma_wait3A_118, %dma_wait3A_119] : memref<128x64xf32, #tpu.memory_space<vmem>> -> memref<128x64xf32, #tpu.memory_space<vmem>>
      %dma_wait3A_121 = arith.constant 0 : i32
      %dma_wait3A_122 = tpu.memref_slice %arg6[%add3A_29, %dma_wait3A_121] : memref<10240x64xf32, #tpu.memory_space<vmem_shared>> -> memref<128x64xf32, #tpu.memory_space<vmem_shared>>
      %dma_wait3A_123 = arith.constant 0 : i32
      %dma_wait3A_124 = tpu.memref_slice %arg6[%add3A_29, %dma_wait3A_123] : memref<10240x64xf32, #tpu.memory_space<vmem_shared>> -> memref<128x64xf32, #tpu.memory_space<vmem_shared>>
      %dma_wait3A_125 = arith.constant 0 : i32
      %dma_wait3A_126 = arith.constant 0 : i32
      %dma_wait3A_127 = tpu.memref_slice %arg10[%dma_wait3A_125, %dma_wait3A_126] : memref<128x64xf32, #tpu.memory_space<vmem>> -> memref<128x64xf32, #tpu.memory_space<vmem>>
      tpu.wait_dma2 semaphore(%run_scoped3A : memref<!tpu.dma_semaphore, #tpu.memory_space<semaphore_mem>>) src(%dma_wait3A_127 : memref<128x64xf32, #tpu.memory_space<vmem>>) dst(%dma_wait3A_124 : memref<128x64xf32, #tpu.memory_space<vmem_shared>>)
      tpu.yield
    }) : () -> ()
    %dma_wait3A = arith.constant 0 : i32
    %dma_wait3A_30 = tpu.memref_slice %arg7[%mul3A_2, %dma_wait3A] : memref<10240x64xf32, #tpu.memory_space<vmem_shared>> -> memref<640x64xf32, #tpu.memory_space<vmem_shared>>
    %dma_wait3A_31 = arith.constant 0 : i32
    %dma_wait3A_32 = tpu.memref_slice %arg4[%mul3A_0, %dma_wait3A_31] : memref<10240x64xf32, #tpu.memory_space<hbm>> -> memref<640x64xf32, #tpu.memory_space<hbm>>
    tpu.wait_dma2 semaphore(%arg16 : memref<!tpu.dma_semaphore, #tpu.memory_space<semaphore_mem>>) src(%dma_wait3A_32 : memref<640x64xf32, #tpu.memory_space<hbm>>) dst(%dma_wait3A_30 : memref<640x64xf32, #tpu.memory_space<vmem_shared>>)
    %barrier3A = arith.constant 0 : index
    tpu.barrier barrier_id(%barrier3A)
    "tpu.region"() ({
      %run_scoped3A = tpu.sem_alloc : memref<!tpu.dma_semaphore, #tpu.memory_space<semaphore_mem>>
      %dma_start3A_108 = arith.constant 0 : i32
      %dma_start3A_109 = arith.constant 0 : i32
      %dma_start3A_110 = tpu.memref_slice %arg2[%arg0, %arg1, %dma_start3A_108, %dma_start3A_109] : memref<2x16x80x128xi32, #tpu.memory_space<hbm>> -> memref<1x1x80x128xi32, #tpu.memory_space<hbm>>
      %dma_start3A_111 = tpu.memref_squeeze %dma_start3A_110 : memref<1x1x80x128xi32, #tpu.memory_space<hbm>> -> memref<80x128xi32, #tpu.memory_space<hbm>>
      %dma_start3A_112 = arith.constant 0 : i32
      %dma_start3A_113 = arith.constant 0 : i32
      %dma_start3A_114 = tpu.memref_slice %arg2[%arg0, %arg1, %dma_start3A_112, %dma_start3A_113] : memref<2x16x80x128xi32, #tpu.memory_space<hbm>> -> memref<1x1x80x128xi32, #tpu.memory_space<hbm>>
      %dma_start3A_115 = tpu.memref_squeeze %dma_start3A_114 : memref<1x1x80x128xi32, #tpu.memory_space<hbm>> -> memref<80x128xi32, #tpu.memory_space<hbm>>
      tpu.enqueue_dma source(%dma_start3A_115 : memref<80x128xi32, #tpu.memory_space<hbm>>) target(%arg8 : memref<80x128xi32, #tpu.memory_space<vmem>>) target_semaphore(%run_scoped3A : memref<!tpu.dma_semaphore, #tpu.memory_space<semaphore_mem>>)
      %dma_wait3A_116 = arith.constant 0 : i32
      %dma_wait3A_117 = arith.constant 0 : i32
      %dma_wait3A_118 = tpu.memref_slice %arg2[%arg0, %arg1, %dma_wait3A_116, %dma_wait3A_117] : memref<2x16x80x128xi32, #tpu.memory_space<hbm>> -> memref<1x1x80x128xi32, #tpu.memory_space<hbm>>
      %dma_wait3A_119 = tpu.memref_squeeze %dma_wait3A_118 : memref<1x1x80x128xi32, #tpu.memory_space<hbm>> -> memref<80x128xi32, #tpu.memory_space<hbm>>
      %dma_wait3A_120 = arith.constant 0 : i32
      %dma_wait3A_121 = arith.constant 0 : i32
      %dma_wait3A_122 = tpu.memref_slice %arg2[%arg0, %arg1, %dma_wait3A_120, %dma_wait3A_121] : memref<2x16x80x128xi32, #tpu.memory_space<hbm>> -> memref<1x1x80x128xi32, #tpu.memory_space<hbm>>
      %dma_wait3A_123 = tpu.memref_squeeze %dma_wait3A_122 : memref<1x1x80x128xi32, #tpu.memory_space<hbm>> -> memref<80x128xi32, #tpu.memory_space<hbm>>
      tpu.wait_dma2 semaphore(%run_scoped3A : memref<!tpu.dma_semaphore, #tpu.memory_space<semaphore_mem>>) src(%dma_wait3A_123 : memref<80x128xi32, #tpu.memory_space<hbm>>) dst(%arg8 : memref<80x128xi32, #tpu.memory_space<vmem>>)
      tpu.yield
    }) : () -> ()
    "tpu.region"() ({
      %run_scoped3A = tpu.sem_alloc : memref<!tpu.dma_semaphore, #tpu.memory_space<semaphore_mem>>
      %dma_start3A_108 = arith.constant 0 : i32
      %dma_start3A_109 = arith.constant 0 : i32
      %dma_start3A_110 = tpu.memref_slice %arg3[%arg0, %arg1, %dma_start3A_108, %dma_start3A_109] : memref<2x16x80x128xi32, #tpu.memory_space<hbm>> -> memref<1x1x80x128xi32, #tpu.memory_space<hbm>>
      %dma_start3A_111 = tpu.memref_squeeze %dma_start3A_110 : memref<1x1x80x128xi32, #tpu.memory_space<hbm>> -> memref<80x128xi32, #tpu.memory_space<hbm>>
      %dma_start3A_112 = arith.constant 0 : i32
      %dma_start3A_113 = arith.constant 0 : i32
      %dma_start3A_114 = tpu.memref_slice %arg3[%arg0, %arg1, %dma_start3A_112, %dma_start3A_113] : memref<2x16x80x128xi32, #tpu.memory_space<hbm>> -> memref<1x1x80x128xi32, #tpu.memory_space<hbm>>
      %dma_start3A_115 = tpu.memref_squeeze %dma_start3A_114 : memref<1x1x80x128xi32, #tpu.memory_space<hbm>> -> memref<80x128xi32, #tpu.memory_space<hbm>>
      tpu.enqueue_dma source(%dma_start3A_115 : memref<80x128xi32, #tpu.memory_space<hbm>>) target(%arg9 : memref<80x128xi32, #tpu.memory_space<vmem>>) target_semaphore(%run_scoped3A : memref<!tpu.dma_semaphore, #tpu.memory_space<semaphore_mem>>)
      %dma_wait3A_116 = arith.constant 0 : i32
      %dma_wait3A_117 = arith.constant 0 : i32
      %dma_wait3A_118 = tpu.memref_slice %arg3[%arg0, %arg1, %dma_wait3A_116, %dma_wait3A_117] : memref<2x16x80x128xi32, #tpu.memory_space<hbm>> -> memref<1x1x80x128xi32, #tpu.memory_space<hbm>>
      %dma_wait3A_119 = tpu.memref_squeeze %dma_wait3A_118 : memref<1x1x80x128xi32, #tpu.memory_space<hbm>> -> memref<80x128xi32, #tpu.memory_space<hbm>>
      %dma_wait3A_120 = arith.constant 0 : i32
      %dma_wait3A_121 = arith.constant 0 : i32
      %dma_wait3A_122 = tpu.memref_slice %arg3[%arg0, %arg1, %dma_wait3A_120, %dma_wait3A_121] : memref<2x16x80x128xi32, #tpu.memory_space<hbm>> -> memref<1x1x80x128xi32, #tpu.memory_space<hbm>>
      %dma_wait3A_123 = tpu.memref_squeeze %dma_wait3A_122 : memref<1x1x80x128xi32, #tpu.memory_space<hbm>> -> memref<80x128xi32, #tpu.memory_space<hbm>>
      tpu.wait_dma2 semaphore(%run_scoped3A : memref<!tpu.dma_semaphore, #tpu.memory_space<semaphore_mem>>) src(%dma_wait3A_123 : memref<80x128xi32, #tpu.memory_space<hbm>>) dst(%arg9 : memref<80x128xi32, #tpu.memory_space<vmem>>)
      tpu.yield
    }) : () -> ()
    %dma_start3A_33 = arith.constant 0 : i32
    %dma_start3A_34 = arith.constant 0 : i32
    %dma_start3A_35 = tpu.memref_slice %arg8[%dma_start3A_33, %dma_start3A_34] : memref<80x128xi32, #tpu.memory_space<vmem>> -> memref<1x128xi32, #tpu.memory_space<vmem>>
    %dma_start3A_36 = tpu.memref_squeeze %dma_start3A_35 : memref<1x128xi32, #tpu.memory_space<vmem>> -> memref<128xi32, #tpu.memory_space<vmem>>
    %dma_start3A_37 = arith.constant 0 : i32
    %dma_start3A_38 = arith.constant 0 : i32
    %dma_start3A_39 = tpu.memref_slice %arg7[%dma_start3A_37, %dma_start3A_38] : memref<10240x64xf32, #tpu.memory_space<vmem_shared>> -> memref<10240x64xf32, #tpu.memory_space<vmem_shared>>
    tpu.enqueue_indirect_dma source(%dma_start3A_39 : memref<10240x64xf32, #tpu.memory_space<vmem_shared>>) target(%arg10 : memref<128x64xf32, #tpu.memory_space<vmem>>) offsets(%dma_start3A_36 : memref<128xi32, #tpu.memory_space<vmem>>) semaphore(%arg12 : memref<!tpu.dma_semaphore, #tpu.memory_space<semaphore_mem>>)
    %dma_start3A_40 = arith.constant 1 : i32
    %dma_start3A_41 = arith.constant 0 : i32
    %dma_start3A_42 = tpu.memref_slice %arg8[%dma_start3A_40, %dma_start3A_41] : memref<80x128xi32, #tpu.memory_space<vmem>> -> memref<1x128xi32, #tpu.memory_space<vmem>>
    %dma_start3A_43 = tpu.memref_squeeze %dma_start3A_42 : memref<1x128xi32, #tpu.memory_space<vmem>> -> memref<128xi32, #tpu.memory_space<vmem>>
    %dma_start3A_44 = arith.constant 0 : i32
    %dma_start3A_45 = arith.constant 0 : i32
    %dma_start3A_46 = tpu.memref_slice %arg7[%dma_start3A_44, %dma_start3A_45] : memref<10240x64xf32, #tpu.memory_space<vmem_shared>> -> memref<10240x64xf32, #tpu.memory_space<vmem_shared>>
    tpu.enqueue_indirect_dma source(%dma_start3A_46 : memref<10240x64xf32, #tpu.memory_space<vmem_shared>>) target(%arg11 : memref<128x64xf32, #tpu.memory_space<vmem>>) offsets(%dma_start3A_43 : memref<128xi32, #tpu.memory_space<vmem>>) semaphore(%arg13 : memref<!tpu.dma_semaphore, #tpu.memory_space<semaphore_mem>>)
    %scan3A_47 = arith.constant 0 : i32
    %scan3A_48 = arith.constant 0 : i32
    %scan3A_49 = arith.constant 40 : i32
    %scan3A_50 = arith.addi %scan3A_48, %scan3A_49 : i32
    %scan3A_51 = arith.constant 1 : i32
    scf.for %scan3A_108 = %scan3A_48 to %scan3A_50 step %scan3A_51  : i32 {
      %mul3A_109 = arith.constant 2 : i32
      %mul3A_110 = arith.muli %mul3A_109, %scan3A_108 : i32
      %add3A_111 = arith.constant 0 : i32
      %add3A_112 = arith.addi %mul3A_110, %add3A_111 : i32
      %dma_wait3A_113 = arith.constant 0 : i32
      %dma_wait3A_114 = arith.constant 0 : i32
      %dma_wait3A_115 = tpu.memref_slice %arg8[%dma_wait3A_113, %dma_wait3A_114] : memref<80x128xi32, #tpu.memory_space<vmem>> -> memref<1x128xi32, #tpu.memory_space<vmem>>
      %dma_wait3A_116 = tpu.memref_squeeze %dma_wait3A_115 : memref<1x128xi32, #tpu.memory_space<vmem>> -> memref<128xi32, #tpu.memory_space<vmem>>
      %dma_wait3A_117 = arith.constant 0 : i32
      %dma_wait3A_118 = arith.constant 0 : i32
      %dma_wait3A_119 = tpu.memref_slice %arg7[%dma_wait3A_117, %dma_wait3A_118] : memref<10240x64xf32, #tpu.memory_space<vmem_shared>> -> memref<10240x64xf32, #tpu.memory_space<vmem_shared>>
      tpu.wait_indirect_dma semaphore(%arg12 : memref<!tpu.dma_semaphore, #tpu.memory_space<semaphore_mem>>) src(%dma_wait3A_119 : memref<10240x64xf32, #tpu.memory_space<vmem_shared>>) dst(%arg10 : memref<128x64xf32, #tpu.memory_space<vmem>>)
      %dma_start3A_120 = arith.constant 0 : i32
      %dma_start3A_121 = tpu.memref_slice %arg9[%add3A_112, %dma_start3A_120] : memref<80x128xi32, #tpu.memory_space<vmem>> -> memref<1x128xi32, #tpu.memory_space<vmem>>
      %dma_start3A_122 = tpu.memref_squeeze %dma_start3A_121 : memref<1x128xi32, #tpu.memory_space<vmem>> -> memref<128xi32, #tpu.memory_space<vmem>>
      %dma_start3A_123 = arith.constant 0 : i32
      %dma_start3A_124 = arith.constant 0 : i32
      %dma_start3A_125 = tpu.memref_slice %arg6[%dma_start3A_123, %dma_start3A_124] : memref<10240x64xf32, #tpu.memory_space<vmem_shared>> -> memref<10240x64xf32, #tpu.memory_space<vmem_shared>>
      tpu.enqueue_indirect_dma source(%arg10 : memref<128x64xf32, #tpu.memory_space<vmem>>) target(%dma_start3A_125 : memref<10240x64xf32, #tpu.memory_space<vmem_shared>>) offsets(%dma_start3A_122 : memref<128xi32, #tpu.memory_space<vmem>>) semaphore(%arg14 : memref<!tpu.dma_semaphore, #tpu.memory_space<semaphore_mem>>) {add = true}
      %add3A_126 = arith.constant 2 : i32
      %add3A_127 = arith.addi %add3A_112, %add3A_126 : i32
      %lt3A = arith.constant 80 : i32
      %lt3A_128 = arith.cmpi slt, %add3A_127, %lt3A : i32
      %convert_element_type3A = arith.extui %lt3A_128 : i1 to i32
      %cond3A = arith.constant 0 : i32
      %cond3A_129 = arith.cmpi ne, %convert_element_type3A, %cond3A : i32
      scf.if %cond3A_129 {
        %dma_wait3A_152 = arith.constant 0 : i32
        %dma_wait3A_153 = arith.constant 0 : i32
        %dma_wait3A_154 = tpu.memref_slice %arg9[%dma_wait3A_152, %dma_wait3A_153] : memref<80x128xi32, #tpu.memory_space<vmem>> -> memref<1x128xi32, #tpu.memory_space<vmem>>
        %dma_wait3A_155 = tpu.memref_squeeze %dma_wait3A_154 : memref<1x128xi32, #tpu.memory_space<vmem>> -> memref<128xi32, #tpu.memory_space<vmem>>
        %dma_wait3A_156 = arith.constant 0 : i32
        %dma_wait3A_157 = arith.constant 0 : i32
        %dma_wait3A_158 = tpu.memref_slice %arg6[%dma_wait3A_156, %dma_wait3A_157] : memref<10240x64xf32, #tpu.memory_space<vmem_shared>> -> memref<10240x64xf32, #tpu.memory_space<vmem_shared>>
        tpu.wait_indirect_dma semaphore(%arg14 : memref<!tpu.dma_semaphore, #tpu.memory_space<semaphore_mem>>) src(%arg10 : memref<128x64xf32, #tpu.memory_space<vmem>>) dst(%dma_wait3A_158 : memref<10240x64xf32, #tpu.memory_space<vmem_shared>>)
        %add3A_159 = arith.constant 2 : i32
        %add3A_160 = arith.addi %add3A_112, %add3A_159 : i32
        %dma_start3A_161 = arith.constant 0 : i32
        %dma_start3A_162 = tpu.memref_slice %arg8[%add3A_160, %dma_start3A_161] : memref<80x128xi32, #tpu.memory_space<vmem>> -> memref<1x128xi32, #tpu.memory_space<vmem>>
        %dma_start3A_163 = tpu.memref_squeeze %dma_start3A_162 : memref<1x128xi32, #tpu.memory_space<vmem>> -> memref<128xi32, #tpu.memory_space<vmem>>
        %dma_start3A_164 = arith.constant 0 : i32
        %dma_start3A_165 = arith.constant 0 : i32
        %dma_start3A_166 = tpu.memref_slice %arg7[%dma_start3A_164, %dma_start3A_165] : memref<10240x64xf32, #tpu.memory_space<vmem_shared>> -> memref<10240x64xf32, #tpu.memory_space<vmem_shared>>
        tpu.enqueue_indirect_dma source(%dma_start3A_166 : memref<10240x64xf32, #tpu.memory_space<vmem_shared>>) target(%arg10 : memref<128x64xf32, #tpu.memory_space<vmem>>) offsets(%dma_start3A_163 : memref<128xi32, #tpu.memory_space<vmem>>) semaphore(%arg12 : memref<!tpu.dma_semaphore, #tpu.memory_space<semaphore_mem>>)
      } else {
      }
      %add3A_130 = arith.constant 1 : i32
      %add3A_131 = arith.addi %mul3A_110, %add3A_130 : i32
      %dma_wait3A_132 = arith.constant 0 : i32
      %dma_wait3A_133 = arith.constant 0 : i32
      %dma_wait3A_134 = tpu.memref_slice %arg8[%dma_wait3A_132, %dma_wait3A_133] : memref<80x128xi32, #tpu.memory_space<vmem>> -> memref<1x128xi32, #tpu.memory_space<vmem>>
      %dma_wait3A_135 = tpu.memref_squeeze %dma_wait3A_134 : memref<1x128xi32, #tpu.memory_space<vmem>> -> memref<128xi32, #tpu.memory_space<vmem>>
      %dma_wait3A_136 = arith.constant 0 : i32
      %dma_wait3A_137 = arith.constant 0 : i32
      %dma_wait3A_138 = tpu.memref_slice %arg7[%dma_wait3A_136, %dma_wait3A_137] : memref<10240x64xf32, #tpu.memory_space<vmem_shared>> -> memref<10240x64xf32, #tpu.memory_space<vmem_shared>>
      tpu.wait_indirect_dma semaphore(%arg13 : memref<!tpu.dma_semaphore, #tpu.memory_space<semaphore_mem>>) src(%dma_wait3A_138 : memref<10240x64xf32, #tpu.memory_space<vmem_shared>>) dst(%arg11 : memref<128x64xf32, #tpu.memory_space<vmem>>)
      %dma_start3A_139 = arith.constant 0 : i32
      %dma_start3A_140 = tpu.memref_slice %arg9[%add3A_131, %dma_start3A_139] : memref<80x128xi32, #tpu.memory_space<vmem>> -> memref<1x128xi32, #tpu.memory_space<vmem>>
      %dma_start3A_141 = tpu.memref_squeeze %dma_start3A_140 : memref<1x128xi32, #tpu.memory_space<vmem>> -> memref<128xi32, #tpu.memory_space<vmem>>
      %dma_start3A_142 = arith.constant 0 : i32
      %dma_start3A_143 = arith.constant 0 : i32
      %dma_start3A_144 = tpu.memref_slice %arg6[%dma_start3A_142, %dma_start3A_143] : memref<10240x64xf32, #tpu.memory_space<vmem_shared>> -> memref<10240x64xf32, #tpu.memory_space<vmem_shared>>
      tpu.enqueue_indirect_dma source(%arg11 : memref<128x64xf32, #tpu.memory_space<vmem>>) target(%dma_start3A_144 : memref<10240x64xf32, #tpu.memory_space<vmem_shared>>) offsets(%dma_start3A_141 : memref<128xi32, #tpu.memory_space<vmem>>) semaphore(%arg15 : memref<!tpu.dma_semaphore, #tpu.memory_space<semaphore_mem>>) {add = true}
      %add3A_145 = arith.constant 2 : i32
      %add3A_146 = arith.addi %add3A_131, %add3A_145 : i32
      %lt3A_147 = arith.constant 80 : i32
      %lt3A_148 = arith.cmpi slt, %add3A_146, %lt3A_147 : i32
      %convert_element_type3A_149 = arith.extui %lt3A_148 : i1 to i32
      %cond3A_150 = arith.constant 0 : i32
      %cond3A_151 = arith.cmpi ne, %convert_element_type3A_149, %cond3A_150 : i32
      scf.if %cond3A_151 {
        %dma_wait3A_152 = arith.constant 0 : i32
        %dma_wait3A_153 = arith.constant 0 : i32
        %dma_wait3A_154 = tpu.memref_slice %arg9[%dma_wait3A_152, %dma_wait3A_153] : memref<80x128xi32, #tpu.memory_space<vmem>> -> memref<1x128xi32, #tpu.memory_space<vmem>>
        %dma_wait3A_155 = tpu.memref_squeeze %dma_wait3A_154 : memref<1x128xi32, #tpu.memory_space<vmem>> -> memref<128xi32, #tpu.memory_space<vmem>>
        %dma_wait3A_156 = arith.constant 0 : i32
        %dma_wait3A_157 = arith.constant 0 : i32
        %dma_wait3A_158 = tpu.memref_slice %arg6[%dma_wait3A_156, %dma_wait3A_157] : memref<10240x64xf32, #tpu.memory_space<vmem_shared>> -> memref<10240x64xf32, #tpu.memory_space<vmem_shared>>
        tpu.wait_indirect_dma semaphore(%arg15 : memref<!tpu.dma_semaphore, #tpu.memory_space<semaphore_mem>>) src(%arg11 : memref<128x64xf32, #tpu.memory_space<vmem>>) dst(%dma_wait3A_158 : memref<10240x64xf32, #tpu.memory_space<vmem_shared>>)
        %add3A_159 = arith.constant 2 : i32
        %add3A_160 = arith.addi %add3A_131, %add3A_159 : i32
        %dma_start3A_161 = arith.constant 0 : i32
        %dma_start3A_162 = tpu.memref_slice %arg8[%add3A_160, %dma_start3A_161] : memref<80x128xi32, #tpu.memory_space<vmem>> -> memref<1x128xi32, #tpu.memory_space<vmem>>
        %dma_start3A_163 = tpu.memref_squeeze %dma_start3A_162 : memref<1x128xi32, #tpu.memory_space<vmem>> -> memref<128xi32, #tpu.memory_space<vmem>>
        %dma_start3A_164 = arith.constant 0 : i32
        %dma_start3A_165 = arith.constant 0 : i32
        %dma_start3A_166 = tpu.memref_slice %arg7[%dma_start3A_164, %dma_start3A_165] : memref<10240x64xf32, #tpu.memory_space<vmem_shared>> -> memref<10240x64xf32, #tpu.memory_space<vmem_shared>>
        tpu.enqueue_indirect_dma source(%dma_start3A_166 : memref<10240x64xf32, #tpu.memory_space<vmem_shared>>) target(%arg11 : memref<128x64xf32, #tpu.memory_space<vmem>>) offsets(%dma_start3A_163 : memref<128xi32, #tpu.memory_space<vmem>>) semaphore(%arg13 : memref<!tpu.dma_semaphore, #tpu.memory_space<semaphore_mem>>)
      } else {
      }
    }
    %scan3A_52 = arith.constant 40 : i32
    %dma_wait3A_53 = arith.constant 0 : i32
    %dma_wait3A_54 = arith.constant 0 : i32
    %dma_wait3A_55 = tpu.memref_slice %arg9[%dma_wait3A_53, %dma_wait3A_54] : memref<80x128xi32, #tpu.memory_space<vmem>> -> memref<1x128xi32, #tpu.memory_space<vmem>>
    %dma_wait3A_56 = tpu.memref_squeeze %dma_wait3A_55 : memref<1x128xi32, #tpu.memory_space<vmem>> -> memref<128xi32, #tpu.memory_space<vmem>>
    %dma_wait3A_57 = arith.constant 0 : i32
    %dma_wait3A_58 = arith.constant 0 : i32
    %dma_wait3A_59 = tpu.memref_slice %arg6[%dma_wait3A_57, %dma_wait3A_58] : memref<10240x64xf32, #tpu.memory_space<vmem_shared>> -> memref<10240x64xf32, #tpu.memory_space<vmem_shared>>
    tpu.wait_indirect_dma semaphore(%arg14 : memref<!tpu.dma_semaphore, #tpu.memory_space<semaphore_mem>>) src(%arg10 : memref<128x64xf32, #tpu.memory_space<vmem>>) dst(%dma_wait3A_59 : memref<10240x64xf32, #tpu.memory_space<vmem_shared>>)
    %dma_wait3A_60 = arith.constant 0 : i32
    %dma_wait3A_61 = arith.constant 0 : i32
    %dma_wait3A_62 = tpu.memref_slice %arg9[%dma_wait3A_60, %dma_wait3A_61] : memref<80x128xi32, #tpu.memory_space<vmem>> -> memref<1x128xi32, #tpu.memory_space<vmem>>
    %dma_wait3A_63 = tpu.memref_squeeze %dma_wait3A_62 : memref<1x128xi32, #tpu.memory_space<vmem>> -> memref<128xi32, #tpu.memory_space<vmem>>
    %dma_wait3A_64 = arith.constant 0 : i32
    %dma_wait3A_65 = arith.constant 0 : i32
    %dma_wait3A_66 = tpu.memref_slice %arg6[%dma_wait3A_64, %dma_wait3A_65] : memref<10240x64xf32, #tpu.memory_space<vmem_shared>> -> memref<10240x64xf32, #tpu.memory_space<vmem_shared>>
    tpu.wait_indirect_dma semaphore(%arg15 : memref<!tpu.dma_semaphore, #tpu.memory_space<semaphore_mem>>) src(%arg11 : memref<128x64xf32, #tpu.memory_space<vmem>>) dst(%dma_wait3A_66 : memref<10240x64xf32, #tpu.memory_space<vmem_shared>>)
    %barrier3A_67 = arith.constant 0 : index
    tpu.barrier barrier_id(%barrier3A_67)
    %mul3A_68 = arith.constant 640 : i32
    %mul3A_69 = arith.muli %arg1, %mul3A_68 : i32
    %add3A_70 = arith.constant 0 : i32
    %add3A_71 = arith.addi %mul3A_69, %add3A_70 : i32
    "tpu.region"() ({
      %run_scoped3A = tpu.sem_alloc : memref<!tpu.dma_semaphore, #tpu.memory_space<semaphore_mem>>
      %dma_start3A_108 = arith.constant 0 : i32
      %dma_start3A_109 = arith.constant 0 : i32
      %dma_start3A_110 = tpu.memref_slice %arg10[%dma_start3A_108, %dma_start3A_109] : memref<128x64xf32, #tpu.memory_space<vmem>> -> memref<128x64xf32, #tpu.memory_space<vmem>>
      %dma_start3A_111 = arith.constant 0 : i32
      %dma_start3A_112 = tpu.memref_slice %arg6[%add3A_71, %dma_start3A_111] : memref<10240x64xf32, #tpu.memory_space<vmem_shared>> -> memref<128x64xf32, #tpu.memory_space<vmem_shared>>
      %dma_start3A_113 = arith.constant 0 : i32
      %dma_start3A_114 = arith.constant 0 : i32
      %dma_start3A_115 = tpu.memref_slice %arg10[%dma_start3A_113, %dma_start3A_114] : memref<128x64xf32, #tpu.memory_space<vmem>> -> memref<128x64xf32, #tpu.memory_space<vmem>>
      %dma_start3A_116 = arith.constant 0 : i32
      %dma_start3A_117 = tpu.memref_slice %arg6[%add3A_71, %dma_start3A_116] : memref<10240x64xf32, #tpu.memory_space<vmem_shared>> -> memref<128x64xf32, #tpu.memory_space<vmem_shared>>
      tpu.enqueue_dma source(%dma_start3A_117 : memref<128x64xf32, #tpu.memory_space<vmem_shared>>) target(%dma_start3A_115 : memref<128x64xf32, #tpu.memory_space<vmem>>) target_semaphore(%run_scoped3A : memref<!tpu.dma_semaphore, #tpu.memory_space<semaphore_mem>>)
      %dma_wait3A_118 = arith.constant 0 : i32
      %dma_wait3A_119 = arith.constant 0 : i32
      %dma_wait3A_120 = tpu.memref_slice %arg10[%dma_wait3A_118, %dma_wait3A_119] : memref<128x64xf32, #tpu.memory_space<vmem>> -> memref<128x64xf32, #tpu.memory_space<vmem>>
      %dma_wait3A_121 = arith.constant 0 : i32
      %dma_wait3A_122 = tpu.memref_slice %arg6[%add3A_71, %dma_wait3A_121] : memref<10240x64xf32, #tpu.memory_space<vmem_shared>> -> memref<128x64xf32, #tpu.memory_space<vmem_shared>>
      %dma_wait3A_123 = arith.constant 0 : i32
      %dma_wait3A_124 = arith.constant 0 : i32
      %dma_wait3A_125 = tpu.memref_slice %arg10[%dma_wait3A_123, %dma_wait3A_124] : memref<128x64xf32, #tpu.memory_space<vmem>> -> memref<128x64xf32, #tpu.memory_space<vmem>>
      %dma_wait3A_126 = arith.constant 0 : i32
      %dma_wait3A_127 = tpu.memref_slice %arg6[%add3A_71, %dma_wait3A_126] : memref<10240x64xf32, #tpu.memory_space<vmem_shared>> -> memref<128x64xf32, #tpu.memory_space<vmem_shared>>
      tpu.wait_dma2 semaphore(%run_scoped3A : memref<!tpu.dma_semaphore, #tpu.memory_space<semaphore_mem>>) src(%dma_wait3A_127 : memref<128x64xf32, #tpu.memory_space<vmem_shared>>) dst(%dma_wait3A_125 : memref<128x64xf32, #tpu.memory_space<vmem>>)
      tpu.yield
    }) : () -> ()
    %mul3A_72 = arith.constant 640 : i32
    %mul3A_73 = arith.muli %arg1, %mul3A_72 : i32
    %add3A_74 = arith.constant 0 : i32
    %add3A_75 = arith.addi %mul3A_73, %add3A_74 : i32
    "tpu.region"() ({
      %run_scoped3A = tpu.sem_alloc : memref<!tpu.dma_semaphore, #tpu.memory_space<semaphore_mem>>
      %dma_start3A_108 = arith.constant 0 : i32
      %dma_start3A_109 = arith.constant 0 : i32
      %dma_start3A_110 = tpu.memref_slice %arg10[%dma_start3A_108, %dma_start3A_109] : memref<128x64xf32, #tpu.memory_space<vmem>> -> memref<128x64xf32, #tpu.memory_space<vmem>>
      %dma_start3A_111 = arith.constant 0 : i32
      %dma_start3A_112 = tpu.memref_slice %arg5[%arg0, %add3A_75, %dma_start3A_111] : memref<2x10240x64xf32, #tpu.memory_space<hbm>> -> memref<1x128x64xf32, #tpu.memory_space<hbm>>
      %dma_start3A_113 = tpu.memref_squeeze %dma_start3A_112 : memref<1x128x64xf32, #tpu.memory_space<hbm>> -> memref<128x64xf32, #tpu.memory_space<hbm>>
      %dma_start3A_114 = arith.constant 0 : i32
      %dma_start3A_115 = tpu.memref_slice %arg5[%arg0, %add3A_75, %dma_start3A_114] : memref<2x10240x64xf32, #tpu.memory_space<hbm>> -> memref<1x128x64xf32, #tpu.memory_space<hbm>>
      %dma_start3A_116 = tpu.memref_squeeze %dma_start3A_115 : memref<1x128x64xf32, #tpu.memory_space<hbm>> -> memref<128x64xf32, #tpu.memory_space<hbm>>
      %dma_start3A_117 = arith.constant 0 : i32
      %dma_start3A_118 = arith.constant 0 : i32
      %dma_start3A_119 = tpu.memref_slice %arg10[%dma_start3A_117, %dma_start3A_118] : memref<128x64xf32, #tpu.memory_space<vmem>> -> memref<128x64xf32, #tpu.memory_space<vmem>>
      tpu.enqueue_dma source(%dma_start3A_119 : memref<128x64xf32, #tpu.memory_space<vmem>>) target(%dma_start3A_116 : memref<128x64xf32, #tpu.memory_space<hbm>>) target_semaphore(%run_scoped3A : memref<!tpu.dma_semaphore, #tpu.memory_space<semaphore_mem>>)
      %dma_wait3A_120 = arith.constant 0 : i32
      %dma_wait3A_121 = arith.constant 0 : i32
      %dma_wait3A_122 = tpu.memref_slice %arg10[%dma_wait3A_120, %dma_wait3A_121] : memref<128x64xf32, #tpu.memory_space<vmem>> -> memref<128x64xf32, #tpu.memory_space<vmem>>
      %dma_wait3A_123 = arith.constant 0 : i32
      %dma_wait3A_124 = tpu.memref_slice %arg5[%arg0, %add3A_75, %dma_wait3A_123] : memref<2x10240x64xf32, #tpu.memory_space<hbm>> -> memref<1x128x64xf32, #tpu.memory_space<hbm>>
      %dma_wait3A_125 = tpu.memref_squeeze %dma_wait3A_124 : memref<1x128x64xf32, #tpu.memory_space<hbm>> -> memref<128x64xf32, #tpu.memory_space<hbm>>
      %dma_wait3A_126 = arith.constant 0 : i32
      %dma_wait3A_127 = tpu.memref_slice %arg5[%arg0, %add3A_75, %dma_wait3A_126] : memref<2x10240x64xf32, #tpu.memory_space<hbm>> -> memref<1x128x64xf32, #tpu.memory_space<hbm>>
      %dma_wait3A_128 = tpu.memref_squeeze %dma_wait3A_127 : memref<1x128x64xf32, #tpu.memory_space<hbm>> -> memref<128x64xf32, #tpu.memory_space<hbm>>
      %dma_wait3A_129 = arith.constant 0 : i32
      %dma_wait3A_130 = arith.constant 0 : i32
      %dma_wait3A_131 = tpu.memref_slice %arg10[%dma_wait3A_129, %dma_wait3A_130] : memref<128x64xf32, #tpu.memory_space<vmem>> -> memref<128x64xf32, #tpu.memory_space<vmem>>
      tpu.wait_dma2 semaphore(%run_scoped3A : memref<!tpu.dma_semaphore, #tpu.memory_space<semaphore_mem>>) src(%dma_wait3A_131 : memref<128x64xf32, #tpu.memory_space<vmem>>) dst(%dma_wait3A_128 : memref<128x64xf32, #tpu.memory_space<hbm>>)
      tpu.yield
    }) : () -> ()
    %mul3A_76 = arith.constant 640 : i32
    %mul3A_77 = arith.muli %arg1, %mul3A_76 : i32
    %add3A_78 = arith.constant 128 : i32
    %add3A_79 = arith.addi %mul3A_77, %add3A_78 : i32
    "tpu.region"() ({
      %run_scoped3A = tpu.sem_alloc : memref<!tpu.dma_semaphore, #tpu.memory_space<semaphore_mem>>
      %dma_start3A_108 = arith.constant 0 : i32
      %dma_start3A_109 = arith.constant 0 : i32
      %dma_start3A_110 = tpu.memref_slice %arg10[%dma_start3A_108, %dma_start3A_109] : memref<128x64xf32, #tpu.memory_space<vmem>> -> memref<128x64xf32, #tpu.memory_space<vmem>>
      %dma_start3A_111 = arith.constant 0 : i32
      %dma_start3A_112 = tpu.memref_slice %arg6[%add3A_79, %dma_start3A_111] : memref<10240x64xf32, #tpu.memory_space<vmem_shared>> -> memref<128x64xf32, #tpu.memory_space<vmem_shared>>
      %dma_start3A_113 = arith.constant 0 : i32
      %dma_start3A_114 = arith.constant 0 : i32
      %dma_start3A_115 = tpu.memref_slice %arg10[%dma_start3A_113, %dma_start3A_114] : memref<128x64xf32, #tpu.memory_space<vmem>> -> memref<128x64xf32, #tpu.memory_space<vmem>>
      %dma_start3A_116 = arith.constant 0 : i32
      %dma_start3A_117 = tpu.memref_slice %arg6[%add3A_79, %dma_start3A_116] : memref<10240x64xf32, #tpu.memory_space<vmem_shared>> -> memref<128x64xf32, #tpu.memory_space<vmem_shared>>
      tpu.enqueue_dma source(%dma_start3A_117 : memref<128x64xf32, #tpu.memory_space<vmem_shared>>) target(%dma_start3A_115 : memref<128x64xf32, #tpu.memory_space<vmem>>) target_semaphore(%run_scoped3A : memref<!tpu.dma_semaphore, #tpu.memory_space<semaphore_mem>>)
      %dma_wait3A_118 = arith.constant 0 : i32
      %dma_wait3A_119 = arith.constant 0 : i32
      %dma_wait3A_120 = tpu.memref_slice %arg10[%dma_wait3A_118, %dma_wait3A_119] : memref<128x64xf32, #tpu.memory_space<vmem>> -> memref<128x64xf32, #tpu.memory_space<vmem>>
      %dma_wait3A_121 = arith.constant 0 : i32
      %dma_wait3A_122 = tpu.memref_slice %arg6[%add3A_79, %dma_wait3A_121] : memref<10240x64xf32, #tpu.memory_space<vmem_shared>> -> memref<128x64xf32, #tpu.memory_space<vmem_shared>>
      %dma_wait3A_123 = arith.constant 0 : i32
      %dma_wait3A_124 = arith.constant 0 : i32
      %dma_wait3A_125 = tpu.memref_slice %arg10[%dma_wait3A_123, %dma_wait3A_124] : memref<128x64xf32, #tpu.memory_space<vmem>> -> memref<128x64xf32, #tpu.memory_space<vmem>>
      %dma_wait3A_126 = arith.constant 0 : i32
      %dma_wait3A_127 = tpu.memref_slice %arg6[%add3A_79, %dma_wait3A_126] : memref<10240x64xf32, #tpu.memory_space<vmem_shared>> -> memref<128x64xf32, #tpu.memory_space<vmem_shared>>
      tpu.wait_dma2 semaphore(%run_scoped3A : memref<!tpu.dma_semaphore, #tpu.memory_space<semaphore_mem>>) src(%dma_wait3A_127 : memref<128x64xf32, #tpu.memory_space<vmem_shared>>) dst(%dma_wait3A_125 : memref<128x64xf32, #tpu.memory_space<vmem>>)
      tpu.yield
    }) : () -> ()
    %mul3A_80 = arith.constant 640 : i32
    %mul3A_81 = arith.muli %arg1, %mul3A_80 : i32
    %add3A_82 = arith.constant 128 : i32
    %add3A_83 = arith.addi %mul3A_81, %add3A_82 : i32
    "tpu.region"() ({
      %run_scoped3A = tpu.sem_alloc : memref<!tpu.dma_semaphore, #tpu.memory_space<semaphore_mem>>
      %dma_start3A_108 = arith.constant 0 : i32
      %dma_start3A_109 = arith.constant 0 : i32
      %dma_start3A_110 = tpu.memref_slice %arg10[%dma_start3A_108, %dma_start3A_109] : memref<128x64xf32, #tpu.memory_space<vmem>> -> memref<128x64xf32, #tpu.memory_space<vmem>>
      %dma_start3A_111 = arith.constant 0 : i32
      %dma_start3A_112 = tpu.memref_slice %arg5[%arg0, %add3A_83, %dma_start3A_111] : memref<2x10240x64xf32, #tpu.memory_space<hbm>> -> memref<1x128x64xf32, #tpu.memory_space<hbm>>
      %dma_start3A_113 = tpu.memref_squeeze %dma_start3A_112 : memref<1x128x64xf32, #tpu.memory_space<hbm>> -> memref<128x64xf32, #tpu.memory_space<hbm>>
      %dma_start3A_114 = arith.constant 0 : i32
      %dma_start3A_115 = tpu.memref_slice %arg5[%arg0, %add3A_83, %dma_start3A_114] : memref<2x10240x64xf32, #tpu.memory_space<hbm>> -> memref<1x128x64xf32, #tpu.memory_space<hbm>>
      %dma_start3A_116 = tpu.memref_squeeze %dma_start3A_115 : memref<1x128x64xf32, #tpu.memory_space<hbm>> -> memref<128x64xf32, #tpu.memory_space<hbm>>
      %dma_start3A_117 = arith.constant 0 : i32
      %dma_start3A_118 = arith.constant 0 : i32
      %dma_start3A_119 = tpu.memref_slice %arg10[%dma_start3A_117, %dma_start3A_118] : memref<128x64xf32, #tpu.memory_space<vmem>> -> memref<128x64xf32, #tpu.memory_space<vmem>>
      tpu.enqueue_dma source(%dma_start3A_119 : memref<128x64xf32, #tpu.memory_space<vmem>>) target(%dma_start3A_116 : memref<128x64xf32, #tpu.memory_space<hbm>>) target_semaphore(%run_scoped3A : memref<!tpu.dma_semaphore, #tpu.memory_space<semaphore_mem>>)
      %dma_wait3A_120 = arith.constant 0 : i32
      %dma_wait3A_121 = arith.constant 0 : i32
      %dma_wait3A_122 = tpu.memref_slice %arg10[%dma_wait3A_120, %dma_wait3A_121] : memref<128x64xf32, #tpu.memory_space<vmem>> -> memref<128x64xf32, #tpu.memory_space<vmem>>
      %dma_wait3A_123 = arith.constant 0 : i32
      %dma_wait3A_124 = tpu.memref_slice %arg5[%arg0, %add3A_83, %dma_wait3A_123] : memref<2x10240x64xf32, #tpu.memory_space<hbm>> -> memref<1x128x64xf32, #tpu.memory_space<hbm>>
      %dma_wait3A_125 = tpu.memref_squeeze %dma_wait3A_124 : memref<1x128x64xf32, #tpu.memory_space<hbm>> -> memref<128x64xf32, #tpu.memory_space<hbm>>
      %dma_wait3A_126 = arith.constant 0 : i32
      %dma_wait3A_127 = tpu.memref_slice %arg5[%arg0, %add3A_83, %dma_wait3A_126] : memref<2x10240x64xf32, #tpu.memory_space<hbm>> -> memref<1x128x64xf32, #tpu.memory_space<hbm>>
      %dma_wait3A_128 = tpu.memref_squeeze %dma_wait3A_127 : memref<1x128x64xf32, #tpu.memory_space<hbm>> -> memref<128x64xf32, #tpu.memory_space<hbm>>
      %dma_wait3A_129 = arith.constant 0 : i32
      %dma_wait3A_130 = arith.constant 0 : i32
      %dma_wait3A_131 = tpu.memref_slice %arg10[%dma_wait3A_129, %dma_wait3A_130] : memref<128x64xf32, #tpu.memory_space<vmem>> -> memref<128x64xf32, #tpu.memory_space<vmem>>
      tpu.wait_dma2 semaphore(%run_scoped3A : memref<!tpu.dma_semaphore, #tpu.memory_space<semaphore_mem>>) src(%dma_wait3A_131 : memref<128x64xf32, #tpu.memory_space<vmem>>) dst(%dma_wait3A_128 : memref<128x64xf32, #tpu.memory_space<hbm>>)
      tpu.yield
    }) : () -> ()
    %mul3A_84 = arith.constant 640 : i32
    %mul3A_85 = arith.muli %arg1, %mul3A_84 : i32
    %add3A_86 = arith.constant 256 : i32
    %add3A_87 = arith.addi %mul3A_85, %add3A_86 : i32
    "tpu.region"() ({
      %run_scoped3A = tpu.sem_alloc : memref<!tpu.dma_semaphore, #tpu.memory_space<semaphore_mem>>
      %dma_start3A_108 = arith.constant 0 : i32
      %dma_start3A_109 = arith.constant 0 : i32
      %dma_start3A_110 = tpu.memref_slice %arg10[%dma_start3A_108, %dma_start3A_109] : memref<128x64xf32, #tpu.memory_space<vmem>> -> memref<128x64xf32, #tpu.memory_space<vmem>>
      %dma_start3A_111 = arith.constant 0 : i32
      %dma_start3A_112 = tpu.memref_slice %arg6[%add3A_87, %dma_start3A_111] : memref<10240x64xf32, #tpu.memory_space<vmem_shared>> -> memref<128x64xf32, #tpu.memory_space<vmem_shared>>
      %dma_start3A_113 = arith.constant 0 : i32
      %dma_start3A_114 = arith.constant 0 : i32
      %dma_start3A_115 = tpu.memref_slice %arg10[%dma_start3A_113, %dma_start3A_114] : memref<128x64xf32, #tpu.memory_space<vmem>> -> memref<128x64xf32, #tpu.memory_space<vmem>>
      %dma_start3A_116 = arith.constant 0 : i32
      %dma_start3A_117 = tpu.memref_slice %arg6[%add3A_87, %dma_start3A_116] : memref<10240x64xf32, #tpu.memory_space<vmem_shared>> -> memref<128x64xf32, #tpu.memory_space<vmem_shared>>
      tpu.enqueue_dma source(%dma_start3A_117 : memref<128x64xf32, #tpu.memory_space<vmem_shared>>) target(%dma_start3A_115 : memref<128x64xf32, #tpu.memory_space<vmem>>) target_semaphore(%run_scoped3A : memref<!tpu.dma_semaphore, #tpu.memory_space<semaphore_mem>>)
      %dma_wait3A_118 = arith.constant 0 : i32
      %dma_wait3A_119 = arith.constant 0 : i32
      %dma_wait3A_120 = tpu.memref_slice %arg10[%dma_wait3A_118, %dma_wait3A_119] : memref<128x64xf32, #tpu.memory_space<vmem>> -> memref<128x64xf32, #tpu.memory_space<vmem>>
      %dma_wait3A_121 = arith.constant 0 : i32
      %dma_wait3A_122 = tpu.memref_slice %arg6[%add3A_87, %dma_wait3A_121] : memref<10240x64xf32, #tpu.memory_space<vmem_shared>> -> memref<128x64xf32, #tpu.memory_space<vmem_shared>>
      %dma_wait3A_123 = arith.constant 0 : i32
      %dma_wait3A_124 = arith.constant 0 : i32
      %dma_wait3A_125 = tpu.memref_slice %arg10[%dma_wait3A_123, %dma_wait3A_124] : memref<128x64xf32, #tpu.memory_space<vmem>> -> memref<128x64xf32, #tpu.memory_space<vmem>>
      %dma_wait3A_126 = arith.constant 0 : i32
      %dma_wait3A_127 = tpu.memref_slice %arg6[%add3A_87, %dma_wait3A_126] : memref<10240x64xf32, #tpu.memory_space<vmem_shared>> -> memref<128x64xf32, #tpu.memory_space<vmem_shared>>
      tpu.wait_dma2 semaphore(%run_scoped3A : memref<!tpu.dma_semaphore, #tpu.memory_space<semaphore_mem>>) src(%dma_wait3A_127 : memref<128x64xf32, #tpu.memory_space<vmem_shared>>) dst(%dma_wait3A_125 : memref<128x64xf32, #tpu.memory_space<vmem>>)
      tpu.yield
    }) : () -> ()
    %mul3A_88 = arith.constant 640 : i32
    %mul3A_89 = arith.muli %arg1, %mul3A_88 : i32
    %add3A_90 = arith.constant 256 : i32
    %add3A_91 = arith.addi %mul3A_89, %add3A_90 : i32
    "tpu.region"() ({
      %run_scoped3A = tpu.sem_alloc : memref<!tpu.dma_semaphore, #tpu.memory_space<semaphore_mem>>
      %dma_start3A_108 = arith.constant 0 : i32
      %dma_start3A_109 = arith.constant 0 : i32
      %dma_start3A_110 = tpu.memref_slice %arg10[%dma_start3A_108, %dma_start3A_109] : memref<128x64xf32, #tpu.memory_space<vmem>> -> memref<128x64xf32, #tpu.memory_space<vmem>>
      %dma_start3A_111 = arith.constant 0 : i32
      %dma_start3A_112 = tpu.memref_slice %arg5[%arg0, %add3A_91, %dma_start3A_111] : memref<2x10240x64xf32, #tpu.memory_space<hbm>> -> memref<1x128x64xf32, #tpu.memory_space<hbm>>
      %dma_start3A_113 = tpu.memref_squeeze %dma_start3A_112 : memref<1x128x64xf32, #tpu.memory_space<hbm>> -> memref<128x64xf32, #tpu.memory_space<hbm>>
      %dma_start3A_114 = arith.constant 0 : i32
      %dma_start3A_115 = tpu.memref_slice %arg5[%arg0, %add3A_91, %dma_start3A_114] : memref<2x10240x64xf32, #tpu.memory_space<hbm>> -> memref<1x128x64xf32, #tpu.memory_space<hbm>>
      %dma_start3A_116 = tpu.memref_squeeze %dma_start3A_115 : memref<1x128x64xf32, #tpu.memory_space<hbm>> -> memref<128x64xf32, #tpu.memory_space<hbm>>
      %dma_start3A_117 = arith.constant 0 : i32
      %dma_start3A_118 = arith.constant 0 : i32
      %dma_start3A_119 = tpu.memref_slice %arg10[%dma_start3A_117, %dma_start3A_118] : memref<128x64xf32, #tpu.memory_space<vmem>> -> memref<128x64xf32, #tpu.memory_space<vmem>>
      tpu.enqueue_dma source(%dma_start3A_119 : memref<128x64xf32, #tpu.memory_space<vmem>>) target(%dma_start3A_116 : memref<128x64xf32, #tpu.memory_space<hbm>>) target_semaphore(%run_scoped3A : memref<!tpu.dma_semaphore, #tpu.memory_space<semaphore_mem>>)
      %dma_wait3A_120 = arith.constant 0 : i32
      %dma_wait3A_121 = arith.constant 0 : i32
      %dma_wait3A_122 = tpu.memref_slice %arg10[%dma_wait3A_120, %dma_wait3A_121] : memref<128x64xf32, #tpu.memory_space<vmem>> -> memref<128x64xf32, #tpu.memory_space<vmem>>
      %dma_wait3A_123 = arith.constant 0 : i32
      %dma_wait3A_124 = tpu.memref_slice %arg5[%arg0, %add3A_91, %dma_wait3A_123] : memref<2x10240x64xf32, #tpu.memory_space<hbm>> -> memref<1x128x64xf32, #tpu.memory_space<hbm>>
      %dma_wait3A_125 = tpu.memref_squeeze %dma_wait3A_124 : memref<1x128x64xf32, #tpu.memory_space<hbm>> -> memref<128x64xf32, #tpu.memory_space<hbm>>
      %dma_wait3A_126 = arith.constant 0 : i32
      %dma_wait3A_127 = tpu.memref_slice %arg5[%arg0, %add3A_91, %dma_wait3A_126] : memref<2x10240x64xf32, #tpu.memory_space<hbm>> -> memref<1x128x64xf32, #tpu.memory_space<hbm>>
      %dma_wait3A_128 = tpu.memref_squeeze %dma_wait3A_127 : memref<1x128x64xf32, #tpu.memory_space<hbm>> -> memref<128x64xf32, #tpu.memory_space<hbm>>
      %dma_wait3A_129 = arith.constant 0 : i32
      %dma_wait3A_130 = arith.constant 0 : i32
      %dma_wait3A_131 = tpu.memref_slice %arg10[%dma_wait3A_129, %dma_wait3A_130] : memref<128x64xf32, #tpu.memory_space<vmem>> -> memref<128x64xf32, #tpu.memory_space<vmem>>
      tpu.wait_dma2 semaphore(%run_scoped3A : memref<!tpu.dma_semaphore, #tpu.memory_space<semaphore_mem>>) src(%dma_wait3A_131 : memref<128x64xf32, #tpu.memory_space<vmem>>) dst(%dma_wait3A_128 : memref<128x64xf32, #tpu.memory_space<hbm>>)
      tpu.yield
    }) : () -> ()
    %mul3A_92 = arith.constant 640 : i32
    %mul3A_93 = arith.muli %arg1, %mul3A_92 : i32
    %add3A_94 = arith.constant 384 : i32
    %add3A_95 = arith.addi %mul3A_93, %add3A_94 : i32
    "tpu.region"() ({
      %run_scoped3A = tpu.sem_alloc : memref<!tpu.dma_semaphore, #tpu.memory_space<semaphore_mem>>
      %dma_start3A_108 = arith.constant 0 : i32
      %dma_start3A_109 = arith.constant 0 : i32
      %dma_start3A_110 = tpu.memref_slice %arg10[%dma_start3A_108, %dma_start3A_109] : memref<128x64xf32, #tpu.memory_space<vmem>> -> memref<128x64xf32, #tpu.memory_space<vmem>>
      %dma_start3A_111 = arith.constant 0 : i32
      %dma_start3A_112 = tpu.memref_slice %arg6[%add3A_95, %dma_start3A_111] : memref<10240x64xf32, #tpu.memory_space<vmem_shared>> -> memref<128x64xf32, #tpu.memory_space<vmem_shared>>
      %dma_start3A_113 = arith.constant 0 : i32
      %dma_start3A_114 = arith.constant 0 : i32
      %dma_start3A_115 = tpu.memref_slice %arg10[%dma_start3A_113, %dma_start3A_114] : memref<128x64xf32, #tpu.memory_space<vmem>> -> memref<128x64xf32, #tpu.memory_space<vmem>>
      %dma_start3A_116 = arith.constant 0 : i32
      %dma_start3A_117 = tpu.memref_slice %arg6[%add3A_95, %dma_start3A_116] : memref<10240x64xf32, #tpu.memory_space<vmem_shared>> -> memref<128x64xf32, #tpu.memory_space<vmem_shared>>
      tpu.enqueue_dma source(%dma_start3A_117 : memref<128x64xf32, #tpu.memory_space<vmem_shared>>) target(%dma_start3A_115 : memref<128x64xf32, #tpu.memory_space<vmem>>) target_semaphore(%run_scoped3A : memref<!tpu.dma_semaphore, #tpu.memory_space<semaphore_mem>>)
      %dma_wait3A_118 = arith.constant 0 : i32
      %dma_wait3A_119 = arith.constant 0 : i32
      %dma_wait3A_120 = tpu.memref_slice %arg10[%dma_wait3A_118, %dma_wait3A_119] : memref<128x64xf32, #tpu.memory_space<vmem>> -> memref<128x64xf32, #tpu.memory_space<vmem>>
      %dma_wait3A_121 = arith.constant 0 : i32
      %dma_wait3A_122 = tpu.memref_slice %arg6[%add3A_95, %dma_wait3A_121] : memref<10240x64xf32, #tpu.memory_space<vmem_shared>> -> memref<128x64xf32, #tpu.memory_space<vmem_shared>>
      %dma_wait3A_123 = arith.constant 0 : i32
      %dma_wait3A_124 = arith.constant 0 : i32
      %dma_wait3A_125 = tpu.memref_slice %arg10[%dma_wait3A_123, %dma_wait3A_124] : memref<128x64xf32, #tpu.memory_space<vmem>> -> memref<128x64xf32, #tpu.memory_space<vmem>>
      %dma_wait3A_126 = arith.constant 0 : i32
      %dma_wait3A_127 = tpu.memref_slice %arg6[%add3A_95, %dma_wait3A_126] : memref<10240x64xf32, #tpu.memory_space<vmem_shared>> -> memref<128x64xf32, #tpu.memory_space<vmem_shared>>
      tpu.wait_dma2 semaphore(%run_scoped3A : memref<!tpu.dma_semaphore, #tpu.memory_space<semaphore_mem>>) src(%dma_wait3A_127 : memref<128x64xf32, #tpu.memory_space<vmem_shared>>) dst(%dma_wait3A_125 : memref<128x64xf32, #tpu.memory_space<vmem>>)
      tpu.yield
    }) : () -> ()
    %mul3A_96 = arith.constant 640 : i32
    %mul3A_97 = arith.muli %arg1, %mul3A_96 : i32
    %add3A_98 = arith.constant 384 : i32
    %add3A_99 = arith.addi %mul3A_97, %add3A_98 : i32
    "tpu.region"() ({
      %run_scoped3A = tpu.sem_alloc : memref<!tpu.dma_semaphore, #tpu.memory_space<semaphore_mem>>
      %dma_start3A_108 = arith.constant 0 : i32
      %dma_start3A_109 = arith.constant 0 : i32
      %dma_start3A_110 = tpu.memref_slice %arg10[%dma_start3A_108, %dma_start3A_109] : memref<128x64xf32, #tpu.memory_space<vmem>> -> memref<128x64xf32, #tpu.memory_space<vmem>>
      %dma_start3A_111 = arith.constant 0 : i32
      %dma_start3A_112 = tpu.memref_slice %arg5[%arg0, %add3A_99, %dma_start3A_111] : memref<2x10240x64xf32, #tpu.memory_space<hbm>> -> memref<1x128x64xf32, #tpu.memory_space<hbm>>
      %dma_start3A_113 = tpu.memref_squeeze %dma_start3A_112 : memref<1x128x64xf32, #tpu.memory_space<hbm>> -> memref<128x64xf32, #tpu.memory_space<hbm>>
      %dma_start3A_114 = arith.constant 0 : i32
      %dma_start3A_115 = tpu.memref_slice %arg5[%arg0, %add3A_99, %dma_start3A_114] : memref<2x10240x64xf32, #tpu.memory_space<hbm>> -> memref<1x128x64xf32, #tpu.memory_space<hbm>>
      %dma_start3A_116 = tpu.memref_squeeze %dma_start3A_115 : memref<1x128x64xf32, #tpu.memory_space<hbm>> -> memref<128x64xf32, #tpu.memory_space<hbm>>
      %dma_start3A_117 = arith.constant 0 : i32
      %dma_start3A_118 = arith.constant 0 : i32
      %dma_start3A_119 = tpu.memref_slice %arg10[%dma_start3A_117, %dma_start3A_118] : memref<128x64xf32, #tpu.memory_space<vmem>> -> memref<128x64xf32, #tpu.memory_space<vmem>>
      tpu.enqueue_dma source(%dma_start3A_119 : memref<128x64xf32, #tpu.memory_space<vmem>>) target(%dma_start3A_116 : memref<128x64xf32, #tpu.memory_space<hbm>>) target_semaphore(%run_scoped3A : memref<!tpu.dma_semaphore, #tpu.memory_space<semaphore_mem>>)
      %dma_wait3A_120 = arith.constant 0 : i32
      %dma_wait3A_121 = arith.constant 0 : i32
      %dma_wait3A_122 = tpu.memref_slice %arg10[%dma_wait3A_120, %dma_wait3A_121] : memref<128x64xf32, #tpu.memory_space<vmem>> -> memref<128x64xf32, #tpu.memory_space<vmem>>
      %dma_wait3A_123 = arith.constant 0 : i32
      %dma_wait3A_124 = tpu.memref_slice %arg5[%arg0, %add3A_99, %dma_wait3A_123] : memref<2x10240x64xf32, #tpu.memory_space<hbm>> -> memref<1x128x64xf32, #tpu.memory_space<hbm>>
      %dma_wait3A_125 = tpu.memref_squeeze %dma_wait3A_124 : memref<1x128x64xf32, #tpu.memory_space<hbm>> -> memref<128x64xf32, #tpu.memory_space<hbm>>
      %dma_wait3A_126 = arith.constant 0 : i32
      %dma_wait3A_127 = tpu.memref_slice %arg5[%arg0, %add3A_99, %dma_wait3A_126] : memref<2x10240x64xf32, #tpu.memory_space<hbm>> -> memref<1x128x64xf32, #tpu.memory_space<hbm>>
      %dma_wait3A_128 = tpu.memref_squeeze %dma_wait3A_127 : memref<1x128x64xf32, #tpu.memory_space<hbm>> -> memref<128x64xf32, #tpu.memory_space<hbm>>
      %dma_wait3A_129 = arith.constant 0 : i32
      %dma_wait3A_130 = arith.constant 0 : i32
      %dma_wait3A_131 = tpu.memref_slice %arg10[%dma_wait3A_129, %dma_wait3A_130] : memref<128x64xf32, #tpu.memory_space<vmem>> -> memref<128x64xf32, #tpu.memory_space<vmem>>
      tpu.wait_dma2 semaphore(%run_scoped3A : memref<!tpu.dma_semaphore, #tpu.memory_space<semaphore_mem>>) src(%dma_wait3A_131 : memref<128x64xf32, #tpu.memory_space<vmem>>) dst(%dma_wait3A_128 : memref<128x64xf32, #tpu.memory_space<hbm>>)
      tpu.yield
    }) : () -> ()
    %mul3A_100 = arith.constant 640 : i32
    %mul3A_101 = arith.muli %arg1, %mul3A_100 : i32
    %add3A_102 = arith.constant 512 : i32
    %add3A_103 = arith.addi %mul3A_101, %add3A_102 : i32
    "tpu.region"() ({
      %run_scoped3A = tpu.sem_alloc : memref<!tpu.dma_semaphore, #tpu.memory_space<semaphore_mem>>
      %dma_start3A_108 = arith.constant 0 : i32
      %dma_start3A_109 = arith.constant 0 : i32
      %dma_start3A_110 = tpu.memref_slice %arg10[%dma_start3A_108, %dma_start3A_109] : memref<128x64xf32, #tpu.memory_space<vmem>> -> memref<128x64xf32, #tpu.memory_space<vmem>>
      %dma_start3A_111 = arith.constant 0 : i32
      %dma_start3A_112 = tpu.memref_slice %arg6[%add3A_103, %dma_start3A_111] : memref<10240x64xf32, #tpu.memory_space<vmem_shared>> -> memref<128x64xf32, #tpu.memory_space<vmem_shared>>
      %dma_start3A_113 = arith.constant 0 : i32
      %dma_start3A_114 = arith.constant 0 : i32
      %dma_start3A_115 = tpu.memref_slice %arg10[%dma_start3A_113, %dma_start3A_114] : memref<128x64xf32, #tpu.memory_space<vmem>> -> memref<128x64xf32, #tpu.memory_space<vmem>>
      %dma_start3A_116 = arith.constant 0 : i32
      %dma_start3A_117 = tpu.memref_slice %arg6[%add3A_103, %dma_start3A_116] : memref<10240x64xf32, #tpu.memory_space<vmem_shared>> -> memref<128x64xf32, #tpu.memory_space<vmem_shared>>
      tpu.enqueue_dma source(%dma_start3A_117 : memref<128x64xf32, #tpu.memory_space<vmem_shared>>) target(%dma_start3A_115 : memref<128x64xf32, #tpu.memory_space<vmem>>) target_semaphore(%run_scoped3A : memref<!tpu.dma_semaphore, #tpu.memory_space<semaphore_mem>>)
      %dma_wait3A_118 = arith.constant 0 : i32
      %dma_wait3A_119 = arith.constant 0 : i32
      %dma_wait3A_120 = tpu.memref_slice %arg10[%dma_wait3A_118, %dma_wait3A_119] : memref<128x64xf32, #tpu.memory_space<vmem>> -> memref<128x64xf32, #tpu.memory_space<vmem>>
      %dma_wait3A_121 = arith.constant 0 : i32
      %dma_wait3A_122 = tpu.memref_slice %arg6[%add3A_103, %dma_wait3A_121] : memref<10240x64xf32, #tpu.memory_space<vmem_shared>> -> memref<128x64xf32, #tpu.memory_space<vmem_shared>>
      %dma_wait3A_123 = arith.constant 0 : i32
      %dma_wait3A_124 = arith.constant 0 : i32
      %dma_wait3A_125 = tpu.memref_slice %arg10[%dma_wait3A_123, %dma_wait3A_124] : memref<128x64xf32, #tpu.memory_space<vmem>> -> memref<128x64xf32, #tpu.memory_space<vmem>>
      %dma_wait3A_126 = arith.constant 0 : i32
      %dma_wait3A_127 = tpu.memref_slice %arg6[%add3A_103, %dma_wait3A_126] : memref<10240x64xf32, #tpu.memory_space<vmem_shared>> -> memref<128x64xf32, #tpu.memory_space<vmem_shared>>
      tpu.wait_dma2 semaphore(%run_scoped3A : memref<!tpu.dma_semaphore, #tpu.memory_space<semaphore_mem>>) src(%dma_wait3A_127 : memref<128x64xf32, #tpu.memory_space<vmem_shared>>) dst(%dma_wait3A_125 : memref<128x64xf32, #tpu.memory_space<vmem>>)
      tpu.yield
    }) : () -> ()
    %mul3A_104 = arith.constant 640 : i32
    %mul3A_105 = arith.muli %arg1, %mul3A_104 : i32
    %add3A_106 = arith.constant 512 : i32
    %add3A_107 = arith.addi %mul3A_105, %add3A_106 : i32
    "tpu.region"() ({
      %run_scoped3A = tpu.sem_alloc : memref<!tpu.dma_semaphore, #tpu.memory_space<semaphore_mem>>
      %dma_start3A_108 = arith.constant 0 : i32
      %dma_start3A_109 = arith.constant 0 : i32
      %dma_start3A_110 = tpu.memref_slice %arg10[%dma_start3A_108, %dma_start3A_109] : memref<128x64xf32, #tpu.memory_space<vmem>> -> memref<128x64xf32, #tpu.memory_space<vmem>>
      %dma_start3A_111 = arith.constant 0 : i32
      %dma_start3A_112 = tpu.memref_slice %arg5[%arg0, %add3A_107, %dma_start3A_111] : memref<2x10240x64xf32, #tpu.memory_space<hbm>> -> memref<1x128x64xf32, #tpu.memory_space<hbm>>
      %dma_start3A_113 = tpu.memref_squeeze %dma_start3A_112 : memref<1x128x64xf32, #tpu.memory_space<hbm>> -> memref<128x64xf32, #tpu.memory_space<hbm>>
      %dma_start3A_114 = arith.constant 0 : i32
      %dma_start3A_115 = tpu.memref_slice %arg5[%arg0, %add3A_107, %dma_start3A_114] : memref<2x10240x64xf32, #tpu.memory_space<hbm>> -> memref<1x128x64xf32, #tpu.memory_space<hbm>>
      %dma_start3A_116 = tpu.memref_squeeze %dma_start3A_115 : memref<1x128x64xf32, #tpu.memory_space<hbm>> -> memref<128x64xf32, #tpu.memory_space<hbm>>
      %dma_start3A_117 = arith.constant 0 : i32
      %dma_start3A_118 = arith.constant 0 : i32
      %dma_start3A_119 = tpu.memref_slice %arg10[%dma_start3A_117, %dma_start3A_118] : memref<128x64xf32, #tpu.memory_space<vmem>> -> memref<128x64xf32, #tpu.memory_space<vmem>>
      tpu.enqueue_dma source(%dma_start3A_119 : memref<128x64xf32, #tpu.memory_space<vmem>>) target(%dma_start3A_116 : memref<128x64xf32, #tpu.memory_space<hbm>>) target_semaphore(%run_scoped3A : memref<!tpu.dma_semaphore, #tpu.memory_space<semaphore_mem>>)
      %dma_wait3A_120 = arith.constant 0 : i32
      %dma_wait3A_121 = arith.constant 0 : i32
      %dma_wait3A_122 = tpu.memref_slice %arg10[%dma_wait3A_120, %dma_wait3A_121] : memref<128x64xf32, #tpu.memory_space<vmem>> -> memref<128x64xf32, #tpu.memory_space<vmem>>
      %dma_wait3A_123 = arith.constant 0 : i32
      %dma_wait3A_124 = tpu.memref_slice %arg5[%arg0, %add3A_107, %dma_wait3A_123] : memref<2x10240x64xf32, #tpu.memory_space<hbm>> -> memref<1x128x64xf32, #tpu.memory_space<hbm>>
      %dma_wait3A_125 = tpu.memref_squeeze %dma_wait3A_124 : memref<1x128x64xf32, #tpu.memory_space<hbm>> -> memref<128x64xf32, #tpu.memory_space<hbm>>
      %dma_wait3A_126 = arith.constant 0 : i32
      %dma_wait3A_127 = tpu.memref_slice %arg5[%arg0, %add3A_107, %dma_wait3A_126] : memref<2x10240x64xf32, #tpu.memory_space<hbm>> -> memref<1x128x64xf32, #tpu.memory_space<hbm>>
      %dma_wait3A_128 = tpu.memref_squeeze %dma_wait3A_127 : memref<1x128x64xf32, #tpu.memory_space<hbm>> -> memref<128x64xf32, #tpu.memory_space<hbm>>
      %dma_wait3A_129 = arith.constant 0 : i32
      %dma_wait3A_130 = arith.constant 0 : i32
      %dma_wait3A_131 = tpu.memref_slice %arg10[%dma_wait3A_129, %dma_wait3A_130] : memref<128x64xf32, #tpu.memory_space<vmem>> -> memref<128x64xf32, #tpu.memory_space<vmem>>
      tpu.wait_dma2 semaphore(%run_scoped3A : memref<!tpu.dma_semaphore, #tpu.memory_space<semaphore_mem>>) src(%dma_wait3A_131 : memref<128x64xf32, #tpu.memory_space<vmem>>) dst(%dma_wait3A_128 : memref<128x64xf32, #tpu.memory_space<hbm>>)
      tpu.yield
    }) : () -> ()
    return
  }
}

#map = affine_map<(d0, d1) -> (0, 0, 0, 0)>
#map1 = affine_map<(d0, d1) -> (0, 0)>
#map2 = affine_map<(d0, d1) -> (0, 0, 0)>
module attributes {stable_mosaic.version = 14 : i64} {
  func.func @_agg_body(%arg0: i32, %arg1: i32, %arg2: memref<2x16x80x128xi32, #tpu.memory_space<hbm>>, %arg3: memref<2x16x80x128xi32, #tpu.memory_space<hbm>>, %arg4: memref<10240x64xf32, #tpu.memory_space<hbm>>, %arg5: memref<2x10240x64xf32, #tpu.memory_space<hbm>>, %arg6: memref<10240x64xf32, #tpu.memory_space<vmem_shared>>, %arg7: memref<10240x64xf32, #tpu.memory_space<vmem_shared>>, %arg8: memref<80x128xi32, #tpu.memory_space<vmem>>, %arg9: memref<80x128xi32, #tpu.memory_space<vmem>>, %arg10: memref<128x64xf32, #tpu.memory_space<vmem>>, %arg11: memref<128x64xf32, #tpu.memory_space<vmem>>, %arg12: memref<!tpu.dma_semaphore, #tpu.memory_space<semaphore_mem>>, %arg13: memref<!tpu.dma_semaphore, #tpu.memory_space<semaphore_mem>>, %arg14: memref<!tpu.dma_semaphore, #tpu.memory_space<semaphore_mem>>, %arg15: memref<!tpu.dma_semaphore, #tpu.memory_space<semaphore_mem>>, %arg16: memref<!tpu.dma_semaphore, #tpu.memory_space<semaphore_mem>>) attributes {dimension_semantics = [#tpu.dimension_semantics<core_parallel>, #tpu.dimension_semantics<subcore_parallel>], iteration_bounds = array<i64: 2, 16>, scalar_prefetch = 0 : i64, scratch_operands = 11 : i64, tpu.core_type = #tpu.core_type<sc_vector_subcore>, window_params = [{transform_indices = #map}, {transform_indices = #map}, {transform_indices = #map1}, {transform_indices = #map2}]} {
    %mul3A = arith.constant 640 : i32
    %mul3A_0 = arith.muli %arg1, %mul3A : i32
    %mul3A_1 = arith.constant 640 : i32
    %mul3A_2 = arith.muli %arg1, %mul3A_1 : i32
    %dma_start3A = arith.constant 0 : i32
    %dma_start3A_3 = tpu.memref_slice %arg7[%mul3A_2, %dma_start3A] : memref<10240x64xf32, #tpu.memory_space<vmem_shared>> -> memref<640x64xf32, #tpu.memory_space<vmem_shared>>
    %dma_start3A_4 = arith.constant 0 : i32
    %dma_start3A_5 = tpu.memref_slice %arg4[%mul3A_0, %dma_start3A_4] : memref<10240x64xf32, #tpu.memory_space<hbm>> -> memref<640x64xf32, #tpu.memory_space<hbm>>
    tpu.enqueue_dma source(%dma_start3A_5 : memref<640x64xf32, #tpu.memory_space<hbm>>) target(%dma_start3A_3 : memref<640x64xf32, #tpu.memory_space<vmem_shared>>) target_semaphore(%arg16 : memref<!tpu.dma_semaphore, #tpu.memory_space<semaphore_mem>>)
    %scan3A = arith.constant 0 : i32
    %scan3A_6 = arith.constant 0 : i32
    %scan3A_7 = arith.constant 128 : i32
    %scan3A_8 = arith.addi %scan3A_6, %scan3A_7 : i32
    %scan3A_9 = arith.constant 1 : i32
    scf.for %scan3A_108 = %scan3A_6 to %scan3A_8 step %scan3A_9  : i32 {
      %broadcast_in_dim3A = arith.constant 0.000000e+00 : f32
      %broadcast_in_dim3A_109 = vector.broadcast %broadcast_in_dim3A : f32 to vector<16xf32>
      %swap3A = arith.index_cast %scan3A_108 : i32 to index
      %swap3A_110 = arith.constant 0 : index
      %swap3A_111 = tpu.vector_load %arg10[%swap3A, %swap3A_110] {strides = array<i32>} : memref<128x64xf32, #tpu.memory_space<vmem>>, vector<1x16xf32>,
      %swap3A_112 = vector.shape_cast %swap3A_111 : vector<1x16xf32> to vector<16xf32>
      %swap3A_113 = vector.shape_cast %broadcast_in_dim3A_109 : vector<16xf32> to vector<1x16xf32>
      tpu.vector_store %arg10[%swap3A, %swap3A_110], %swap3A_113 {strides = array<i32>} : memref<128x64xf32, #tpu.memory_space<vmem>>, vector<1x16xf32>,
      %broadcast_in_dim3A_114 = arith.constant 0.000000e+00 : f32
      %broadcast_in_dim3A_115 = vector.broadcast %broadcast_in_dim3A_114 : f32 to vector<16xf32>
      %swap3A_116 = arith.index_cast %scan3A_108 : i32 to index
      %swap3A_117 = arith.constant 16 : index
      %swap3A_118 = tpu.vector_load %arg10[%swap3A_116, %swap3A_117] {strides = array<i32>} : memref<128x64xf32, #tpu.memory_space<vmem>>, vector<1x16xf32>,
      %swap3A_119 = vector.shape_cast %swap3A_118 : vector<1x16xf32> to vector<16xf32>
      %swap3A_120 = vector.shape_cast %broadcast_in_dim3A_115 : vector<16xf32> to vector<1x16xf32>
      tpu.vector_store %arg10[%swap3A_116, %swap3A_117], %swap3A_120 {strides = array<i32>} : memref<128x64xf32, #tpu.memory_space<vmem>>, vector<1x16xf32>,
      %broadcast_in_dim3A_121 = arith.constant 0.000000e+00 : f32
      %broadcast_in_dim3A_122 = vector.broadcast %broadcast_in_dim3A_121 : f32 to vector<16xf32>
      %swap3A_123 = arith.index_cast %scan3A_108 : i32 to index
      %swap3A_124 = arith.constant 32 : index
      %swap3A_125 = tpu.vector_load %arg10[%swap3A_123, %swap3A_124] {strides = array<i32>} : memref<128x64xf32, #tpu.memory_space<vmem>>, vector<1x16xf32>,
      %swap3A_126 = vector.shape_cast %swap3A_125 : vector<1x16xf32> to vector<16xf32>
      %swap3A_127 = vector.shape_cast %broadcast_in_dim3A_122 : vector<16xf32> to vector<1x16xf32>
      tpu.vector_store %arg10[%swap3A_123, %swap3A_124], %swap3A_127 {strides = array<i32>} : memref<128x64xf32, #tpu.memory_space<vmem>>, vector<1x16xf32>,
      %broadcast_in_dim3A_128 = arith.constant 0.000000e+00 : f32
      %broadcast_in_dim3A_129 = vector.broadcast %broadcast_in_dim3A_128 : f32 to vector<16xf32>
      %swap3A_130 = arith.index_cast %scan3A_108 : i32 to index
      %swap3A_131 = arith.constant 48 : index
      %swap3A_132 = tpu.vector_load %arg10[%swap3A_130, %swap3A_131] {strides = array<i32>} : memref<128x64xf32, #tpu.memory_space<vmem>>, vector<1x16xf32>,
      %swap3A_133 = vector.shape_cast %swap3A_132 : vector<1x16xf32> to vector<16xf32>
      %swap3A_134 = vector.shape_cast %broadcast_in_dim3A_129 : vector<16xf32> to vector<1x16xf32>
      tpu.vector_store %arg10[%swap3A_130, %swap3A_131], %swap3A_134 {strides = array<i32>} : memref<128x64xf32, #tpu.memory_space<vmem>>, vector<1x16xf32>,
    }
    %scan3A_10 = arith.constant 128 : i32
    %mul3A_11 = arith.constant 640 : i32
    %mul3A_12 = arith.muli %arg1, %mul3A_11 : i32
    %add3A = arith.constant 0 : i32
    %add3A_13 = arith.addi %mul3A_12, %add3A : i32
    "tpu.region"() ({
      %run_scoped3A = tpu.sem_alloc : memref<!tpu.dma_semaphore, #tpu.memory_space<semaphore_mem>>
      %dma_start3A_108 = arith.constant 0 : i32
      %dma_start3A_109 = arith.constant 0 : i32
      %dma_start3A_110 = tpu.memref_slice %arg10[%dma_start3A_108, %dma_start3A_109] : memref<128x64xf32, #tpu.memory_space<vmem>> -> memref<128x64xf32, #tpu.memory_space<vmem>>
      %dma_start3A_111 = arith.constant 0 : i32
      %dma_start3A_112 = tpu.memref_slice %arg6[%add3A_13, %dma_start3A_111] : memref<10240x64xf32, #tpu.memory_space<vmem_shared>> -> memref<128x64xf32, #tpu.memory_space<vmem_shared>>
      %dma_start3A_113 = arith.constant 0 : i32
      %dma_start3A_114 = tpu.memref_slice %arg6[%add3A_13, %dma_start3A_113] : memref<10240x64xf32, #tpu.memory_space<vmem_shared>> -> memref<128x64xf32, #tpu.memory_space<vmem_shared>>
      %dma_start3A_115 = arith.constant 0 : i32
      %dma_start3A_116 = arith.constant 0 : i32
      %dma_start3A_117 = tpu.memref_slice %arg10[%dma_start3A_115, %dma_start3A_116] : memref<128x64xf32, #tpu.memory_space<vmem>> -> memref<128x64xf32, #tpu.memory_space<vmem>>
      tpu.enqueue_dma source(%dma_start3A_117 : memref<128x64xf32, #tpu.memory_space<vmem>>) target(%dma_start3A_114 : memref<128x64xf32, #tpu.memory_space<vmem_shared>>) target_semaphore(%run_scoped3A : memref<!tpu.dma_semaphore, #tpu.memory_space<semaphore_mem>>)
      %dma_wait3A_118 = arith.constant 0 : i32
      %dma_wait3A_119 = arith.constant 0 : i32
      %dma_wait3A_120 = tpu.memref_slice %arg10[%dma_wait3A_118, %dma_wait3A_119] : memref<128x64xf32, #tpu.memory_space<vmem>> -> memref<128x64xf32, #tpu.memory_space<vmem>>
      %dma_wait3A_121 = arith.constant 0 : i32
      %dma_wait3A_122 = tpu.memref_slice %arg6[%add3A_13, %dma_wait3A_121] : memref<10240x64xf32, #tpu.memory_space<vmem_shared>> -> memref<128x64xf32, #tpu.memory_space<vmem_shared>>
      %dma_wait3A_123 = arith.constant 0 : i32
      %dma_wait3A_124 = tpu.memref_slice %arg6[%add3A_13, %dma_wait3A_123] : memref<10240x64xf32, #tpu.memory_space<vmem_shared>> -> memref<128x64xf32, #tpu.memory_space<vmem_shared>>
      %dma_wait3A_125 = arith.constant 0 : i32
      %dma_wait3A_126 = arith.constant 0 : i32
      %dma_wait3A_127 = tpu.memref_slice %arg10[%dma_wait3A_125, %dma_wait3A_126] : memref<128x64xf32, #tpu.memory_space<vmem>> -> memref<128x64xf32, #tpu.memory_space<vmem>>
      tpu.wait_dma2 semaphore(%run_scoped3A : memref<!tpu.dma_semaphore, #tpu.memory_space<semaphore_mem>>) src(%dma_wait3A_127 : memref<128x64xf32, #tpu.memory_space<vmem>>) dst(%dma_wait3A_124 : memref<128x64xf32, #tpu.memory_space<vmem_shared>>)
      tpu.yield
    }) : () -> ()
    %mul3A_14 = arith.constant 640 : i32
    %mul3A_15 = arith.muli %arg1, %mul3A_14 : i32
    %add3A_16 = arith.constant 128 : i32
    %add3A_17 = arith.addi %mul3A_15, %add3A_16 : i32
    "tpu.region"() ({
      %run_scoped3A = tpu.sem_alloc : memref<!tpu.dma_semaphore, #tpu.memory_space<semaphore_mem>>
      %dma_start3A_108 = arith.constant 0 : i32
      %dma_start3A_109 = arith.constant 0 : i32
      %dma_start3A_110 = tpu.memref_slice %arg10[%dma_start3A_108, %dma_start3A_109] : memref<128x64xf32, #tpu.memory_space<vmem>> -> memref<128x64xf32, #tpu.memory_space<vmem>>
      %dma_start3A_111 = arith.constant 0 : i32
      %dma_start3A_112 = tpu.memref_slice %arg6[%add3A_17, %dma_start3A_111] : memref<10240x64xf32, #tpu.memory_space<vmem_shared>> -> memref<128x64xf32, #tpu.memory_space<vmem_shared>>
      %dma_start3A_113 = arith.constant 0 : i32
      %dma_start3A_114 = tpu.memref_slice %arg6[%add3A_17, %dma_start3A_113] : memref<10240x64xf32, #tpu.memory_space<vmem_shared>> -> memref<128x64xf32, #tpu.memory_space<vmem_shared>>
      %dma_start3A_115 = arith.constant 0 : i32
      %dma_start3A_116 = arith.constant 0 : i32
      %dma_start3A_117 = tpu.memref_slice %arg10[%dma_start3A_115, %dma_start3A_116] : memref<128x64xf32, #tpu.memory_space<vmem>> -> memref<128x64xf32, #tpu.memory_space<vmem>>
      tpu.enqueue_dma source(%dma_start3A_117 : memref<128x64xf32, #tpu.memory_space<vmem>>) target(%dma_start3A_114 : memref<128x64xf32, #tpu.memory_space<vmem_shared>>) target_semaphore(%run_scoped3A : memref<!tpu.dma_semaphore, #tpu.memory_space<semaphore_mem>>)
      %dma_wait3A_118 = arith.constant 0 : i32
      %dma_wait3A_119 = arith.constant 0 : i32
      %dma_wait3A_120 = tpu.memref_slice %arg10[%dma_wait3A_118, %dma_wait3A_119] : memref<128x64xf32, #tpu.memory_space<vmem>> -> memref<128x64xf32, #tpu.memory_space<vmem>>
      %dma_wait3A_121 = arith.constant 0 : i32
      %dma_wait3A_122 = tpu.memref_slice %arg6[%add3A_17, %dma_wait3A_121] : memref<10240x64xf32, #tpu.memory_space<vmem_shared>> -> memref<128x64xf32, #tpu.memory_space<vmem_shared>>
      %dma_wait3A_123 = arith.constant 0 : i32
      %dma_wait3A_124 = tpu.memref_slice %arg6[%add3A_17, %dma_wait3A_123] : memref<10240x64xf32, #tpu.memory_space<vmem_shared>> -> memref<128x64xf32, #tpu.memory_space<vmem_shared>>
      %dma_wait3A_125 = arith.constant 0 : i32
      %dma_wait3A_126 = arith.constant 0 : i32
      %dma_wait3A_127 = tpu.memref_slice %arg10[%dma_wait3A_125, %dma_wait3A_126] : memref<128x64xf32, #tpu.memory_space<vmem>> -> memref<128x64xf32, #tpu.memory_space<vmem>>
      tpu.wait_dma2 semaphore(%run_scoped3A : memref<!tpu.dma_semaphore, #tpu.memory_space<semaphore_mem>>) src(%dma_wait3A_127 : memref<128x64xf32, #tpu.memory_space<vmem>>) dst(%dma_wait3A_124 : memref<128x64xf32, #tpu.memory_space<vmem_shared>>)
      tpu.yield
    }) : () -> ()
    %mul3A_18 = arith.constant 640 : i32
    %mul3A_19 = arith.muli %arg1, %mul3A_18 : i32
    %add3A_20 = arith.constant 256 : i32
    %add3A_21 = arith.addi %mul3A_19, %add3A_20 : i32
    "tpu.region"() ({
      %run_scoped3A = tpu.sem_alloc : memref<!tpu.dma_semaphore, #tpu.memory_space<semaphore_mem>>
      %dma_start3A_108 = arith.constant 0 : i32
      %dma_start3A_109 = arith.constant 0 : i32
      %dma_start3A_110 = tpu.memref_slice %arg10[%dma_start3A_108, %dma_start3A_109] : memref<128x64xf32, #tpu.memory_space<vmem>> -> memref<128x64xf32, #tpu.memory_space<vmem>>
      %dma_start3A_111 = arith.constant 0 : i32
      %dma_start3A_112 = tpu.memref_slice %arg6[%add3A_21, %dma_start3A_111] : memref<10240x64xf32, #tpu.memory_space<vmem_shared>> -> memref<128x64xf32, #tpu.memory_space<vmem_shared>>
      %dma_start3A_113 = arith.constant 0 : i32
      %dma_start3A_114 = tpu.memref_slice %arg6[%add3A_21, %dma_start3A_113] : memref<10240x64xf32, #tpu.memory_space<vmem_shared>> -> memref<128x64xf32, #tpu.memory_space<vmem_shared>>
      %dma_start3A_115 = arith.constant 0 : i32
      %dma_start3A_116 = arith.constant 0 : i32
      %dma_start3A_117 = tpu.memref_slice %arg10[%dma_start3A_115, %dma_start3A_116] : memref<128x64xf32, #tpu.memory_space<vmem>> -> memref<128x64xf32, #tpu.memory_space<vmem>>
      tpu.enqueue_dma source(%dma_start3A_117 : memref<128x64xf32, #tpu.memory_space<vmem>>) target(%dma_start3A_114 : memref<128x64xf32, #tpu.memory_space<vmem_shared>>) target_semaphore(%run_scoped3A : memref<!tpu.dma_semaphore, #tpu.memory_space<semaphore_mem>>)
      %dma_wait3A_118 = arith.constant 0 : i32
      %dma_wait3A_119 = arith.constant 0 : i32
      %dma_wait3A_120 = tpu.memref_slice %arg10[%dma_wait3A_118, %dma_wait3A_119] : memref<128x64xf32, #tpu.memory_space<vmem>> -> memref<128x64xf32, #tpu.memory_space<vmem>>
      %dma_wait3A_121 = arith.constant 0 : i32
      %dma_wait3A_122 = tpu.memref_slice %arg6[%add3A_21, %dma_wait3A_121] : memref<10240x64xf32, #tpu.memory_space<vmem_shared>> -> memref<128x64xf32, #tpu.memory_space<vmem_shared>>
      %dma_wait3A_123 = arith.constant 0 : i32
      %dma_wait3A_124 = tpu.memref_slice %arg6[%add3A_21, %dma_wait3A_123] : memref<10240x64xf32, #tpu.memory_space<vmem_shared>> -> memref<128x64xf32, #tpu.memory_space<vmem_shared>>
      %dma_wait3A_125 = arith.constant 0 : i32
      %dma_wait3A_126 = arith.constant 0 : i32
      %dma_wait3A_127 = tpu.memref_slice %arg10[%dma_wait3A_125, %dma_wait3A_126] : memref<128x64xf32, #tpu.memory_space<vmem>> -> memref<128x64xf32, #tpu.memory_space<vmem>>
      tpu.wait_dma2 semaphore(%run_scoped3A : memref<!tpu.dma_semaphore, #tpu.memory_space<semaphore_mem>>) src(%dma_wait3A_127 : memref<128x64xf32, #tpu.memory_space<vmem>>) dst(%dma_wait3A_124 : memref<128x64xf32, #tpu.memory_space<vmem_shared>>)
      tpu.yield
    }) : () -> ()
    %mul3A_22 = arith.constant 640 : i32
    %mul3A_23 = arith.muli %arg1, %mul3A_22 : i32
    %add3A_24 = arith.constant 384 : i32
    %add3A_25 = arith.addi %mul3A_23, %add3A_24 : i32
    "tpu.region"() ({
      %run_scoped3A = tpu.sem_alloc : memref<!tpu.dma_semaphore, #tpu.memory_space<semaphore_mem>>
      %dma_start3A_108 = arith.constant 0 : i32
      %dma_start3A_109 = arith.constant 0 : i32
      %dma_start3A_110 = tpu.memref_slice %arg10[%dma_start3A_108, %dma_start3A_109] : memref<128x64xf32, #tpu.memory_space<vmem>> -> memref<128x64xf32, #tpu.memory_space<vmem>>
      %dma_start3A_111 = arith.constant 0 : i32
      %dma_start3A_112 = tpu.memref_slice %arg6[%add3A_25, %dma_start3A_111] : memref<10240x64xf32, #tpu.memory_space<vmem_shared>> -> memref<128x64xf32, #tpu.memory_space<vmem_shared>>
      %dma_start3A_113 = arith.constant 0 : i32
      %dma_start3A_114 = tpu.memref_slice %arg6[%add3A_25, %dma_start3A_113] : memref<10240x64xf32, #tpu.memory_space<vmem_shared>> -> memref<128x64xf32, #tpu.memory_space<vmem_shared>>
      %dma_start3A_115 = arith.constant 0 : i32
      %dma_start3A_116 = arith.constant 0 : i32
      %dma_start3A_117 = tpu.memref_slice %arg10[%dma_start3A_115, %dma_start3A_116] : memref<128x64xf32, #tpu.memory_space<vmem>> -> memref<128x64xf32, #tpu.memory_space<vmem>>
      tpu.enqueue_dma source(%dma_start3A_117 : memref<128x64xf32, #tpu.memory_space<vmem>>) target(%dma_start3A_114 : memref<128x64xf32, #tpu.memory_space<vmem_shared>>) target_semaphore(%run_scoped3A : memref<!tpu.dma_semaphore, #tpu.memory_space<semaphore_mem>>)
      %dma_wait3A_118 = arith.constant 0 : i32
      %dma_wait3A_119 = arith.constant 0 : i32
      %dma_wait3A_120 = tpu.memref_slice %arg10[%dma_wait3A_118, %dma_wait3A_119] : memref<128x64xf32, #tpu.memory_space<vmem>> -> memref<128x64xf32, #tpu.memory_space<vmem>>
      %dma_wait3A_121 = arith.constant 0 : i32
      %dma_wait3A_122 = tpu.memref_slice %arg6[%add3A_25, %dma_wait3A_121] : memref<10240x64xf32, #tpu.memory_space<vmem_shared>> -> memref<128x64xf32, #tpu.memory_space<vmem_shared>>
      %dma_wait3A_123 = arith.constant 0 : i32
      %dma_wait3A_124 = tpu.memref_slice %arg6[%add3A_25, %dma_wait3A_123] : memref<10240x64xf32, #tpu.memory_space<vmem_shared>> -> memref<128x64xf32, #tpu.memory_space<vmem_shared>>
      %dma_wait3A_125 = arith.constant 0 : i32
      %dma_wait3A_126 = arith.constant 0 : i32
      %dma_wait3A_127 = tpu.memref_slice %arg10[%dma_wait3A_125, %dma_wait3A_126] : memref<128x64xf32, #tpu.memory_space<vmem>> -> memref<128x64xf32, #tpu.memory_space<vmem>>
      tpu.wait_dma2 semaphore(%run_scoped3A : memref<!tpu.dma_semaphore, #tpu.memory_space<semaphore_mem>>) src(%dma_wait3A_127 : memref<128x64xf32, #tpu.memory_space<vmem>>) dst(%dma_wait3A_124 : memref<128x64xf32, #tpu.memory_space<vmem_shared>>)
      tpu.yield
    }) : () -> ()
    %mul3A_26 = arith.constant 640 : i32
    %mul3A_27 = arith.muli %arg1, %mul3A_26 : i32
    %add3A_28 = arith.constant 512 : i32
    %add3A_29 = arith.addi %mul3A_27, %add3A_28 : i32
    "tpu.region"() ({
      %run_scoped3A = tpu.sem_alloc : memref<!tpu.dma_semaphore, #tpu.memory_space<semaphore_mem>>
      %dma_start3A_108 = arith.constant 0 : i32
      %dma_start3A_109 = arith.constant 0 : i32
      %dma_start3A_110 = tpu.memref_slice %arg10[%dma_start3A_108, %dma_start3A_109] : memref<128x64xf32, #tpu.memory_space<vmem>> -> memref<128x64xf32, #tpu.memory_space<vmem>>
      %dma_start3A_111 = arith.constant 0 : i32
      %dma_start3A_112 = tpu.memref_slice %arg6[%add3A_29, %dma_start3A_111] : memref<10240x64xf32, #tpu.memory_space<vmem_shared>> -> memref<128x64xf32, #tpu.memory_space<vmem_shared>>
      %dma_start3A_113 = arith.constant 0 : i32
      %dma_start3A_114 = tpu.memref_slice %arg6[%add3A_29, %dma_start3A_113] : memref<10240x64xf32, #tpu.memory_space<vmem_shared>> -> memref<128x64xf32, #tpu.memory_space<vmem_shared>>
      %dma_start3A_115 = arith.constant 0 : i32
      %dma_start3A_116 = arith.constant 0 : i32
      %dma_start3A_117 = tpu.memref_slice %arg10[%dma_start3A_115, %dma_start3A_116] : memref<128x64xf32, #tpu.memory_space<vmem>> -> memref<128x64xf32, #tpu.memory_space<vmem>>
      tpu.enqueue_dma source(%dma_start3A_117 : memref<128x64xf32, #tpu.memory_space<vmem>>) target(%dma_start3A_114 : memref<128x64xf32, #tpu.memory_space<vmem_shared>>) target_semaphore(%run_scoped3A : memref<!tpu.dma_semaphore, #tpu.memory_space<semaphore_mem>>)
      %dma_wait3A_118 = arith.constant 0 : i32
      %dma_wait3A_119 = arith.constant 0 : i32
      %dma_wait3A_120 = tpu.memref_slice %arg10[%dma_wait3A_118, %dma_wait3A_119] : memref<128x64xf32, #tpu.memory_space<vmem>> -> memref<128x64xf32, #tpu.memory_space<vmem>>
      %dma_wait3A_121 = arith.constant 0 : i32
      %dma_wait3A_122 = tpu.memref_slice %arg6[%add3A_29, %dma_wait3A_121] : memref<10240x64xf32, #tpu.memory_space<vmem_shared>> -> memref<128x64xf32, #tpu.memory_space<vmem_shared>>
      %dma_wait3A_123 = arith.constant 0 : i32
      %dma_wait3A_124 = tpu.memref_slice %arg6[%add3A_29, %dma_wait3A_123] : memref<10240x64xf32, #tpu.memory_space<vmem_shared>> -> memref<128x64xf32, #tpu.memory_space<vmem_shared>>
      %dma_wait3A_125 = arith.constant 0 : i32
      %dma_wait3A_126 = arith.constant 0 : i32
      %dma_wait3A_127 = tpu.memref_slice %arg10[%dma_wait3A_125, %dma_wait3A_126] : memref<128x64xf32, #tpu.memory_space<vmem>> -> memref<128x64xf32, #tpu.memory_space<vmem>>
      tpu.wait_dma2 semaphore(%run_scoped3A : memref<!tpu.dma_semaphore, #tpu.memory_space<semaphore_mem>>) src(%dma_wait3A_127 : memref<128x64xf32, #tpu.memory_space<vmem>>) dst(%dma_wait3A_124 : memref<128x64xf32, #tpu.memory_space<vmem_shared>>)
      tpu.yield
    }) : () -> ()
    %dma_wait3A = arith.constant 0 : i32
    %dma_wait3A_30 = tpu.memref_slice %arg7[%mul3A_2, %dma_wait3A] : memref<10240x64xf32, #tpu.memory_space<vmem_shared>> -> memref<640x64xf32, #tpu.memory_space<vmem_shared>>
    %dma_wait3A_31 = arith.constant 0 : i32
    %dma_wait3A_32 = tpu.memref_slice %arg4[%mul3A_0, %dma_wait3A_31] : memref<10240x64xf32, #tpu.memory_space<hbm>> -> memref<640x64xf32, #tpu.memory_space<hbm>>
    tpu.wait_dma2 semaphore(%arg16 : memref<!tpu.dma_semaphore, #tpu.memory_space<semaphore_mem>>) src(%dma_wait3A_32 : memref<640x64xf32, #tpu.memory_space<hbm>>) dst(%dma_wait3A_30 : memref<640x64xf32, #tpu.memory_space<vmem_shared>>)
    %barrier3A = arith.constant 0 : index
    tpu.barrier barrier_id(%barrier3A)
    "tpu.region"() ({
      %run_scoped3A = tpu.sem_alloc : memref<!tpu.dma_semaphore, #tpu.memory_space<semaphore_mem>>
      %dma_start3A_108 = arith.constant 0 : i32
      %dma_start3A_109 = arith.constant 0 : i32
      %dma_start3A_110 = tpu.memref_slice %arg2[%arg0, %arg1, %dma_start3A_108, %dma_start3A_109] : memref<2x16x80x128xi32, #tpu.memory_space<hbm>> -> memref<1x1x80x128xi32, #tpu.memory_space<hbm>>
      %dma_start3A_111 = tpu.memref_squeeze %dma_start3A_110 : memref<1x1x80x128xi32, #tpu.memory_space<hbm>> -> memref<80x128xi32, #tpu.memory_space<hbm>>
      %dma_start3A_112 = arith.constant 0 : i32
      %dma_start3A_113 = arith.constant 0 : i32
      %dma_start3A_114 = tpu.memref_slice %arg2[%arg0, %arg1, %dma_start3A_112, %dma_start3A_113] : memref<2x16x80x128xi32, #tpu.memory_space<hbm>> -> memref<1x1x80x128xi32, #tpu.memory_space<hbm>>
      %dma_start3A_115 = tpu.memref_squeeze %dma_start3A_114 : memref<1x1x80x128xi32, #tpu.memory_space<hbm>> -> memref<80x128xi32, #tpu.memory_space<hbm>>
      tpu.enqueue_dma source(%dma_start3A_115 : memref<80x128xi32, #tpu.memory_space<hbm>>) target(%arg8 : memref<80x128xi32, #tpu.memory_space<vmem>>) target_semaphore(%run_scoped3A : memref<!tpu.dma_semaphore, #tpu.memory_space<semaphore_mem>>)
      %dma_wait3A_116 = arith.constant 0 : i32
      %dma_wait3A_117 = arith.constant 0 : i32
      %dma_wait3A_118 = tpu.memref_slice %arg2[%arg0, %arg1, %dma_wait3A_116, %dma_wait3A_117] : memref<2x16x80x128xi32, #tpu.memory_space<hbm>> -> memref<1x1x80x128xi32, #tpu.memory_space<hbm>>
      %dma_wait3A_119 = tpu.memref_squeeze %dma_wait3A_118 : memref<1x1x80x128xi32, #tpu.memory_space<hbm>> -> memref<80x128xi32, #tpu.memory_space<hbm>>
      %dma_wait3A_120 = arith.constant 0 : i32
      %dma_wait3A_121 = arith.constant 0 : i32
      %dma_wait3A_122 = tpu.memref_slice %arg2[%arg0, %arg1, %dma_wait3A_120, %dma_wait3A_121] : memref<2x16x80x128xi32, #tpu.memory_space<hbm>> -> memref<1x1x80x128xi32, #tpu.memory_space<hbm>>
      %dma_wait3A_123 = tpu.memref_squeeze %dma_wait3A_122 : memref<1x1x80x128xi32, #tpu.memory_space<hbm>> -> memref<80x128xi32, #tpu.memory_space<hbm>>
      tpu.wait_dma2 semaphore(%run_scoped3A : memref<!tpu.dma_semaphore, #tpu.memory_space<semaphore_mem>>) src(%dma_wait3A_123 : memref<80x128xi32, #tpu.memory_space<hbm>>) dst(%arg8 : memref<80x128xi32, #tpu.memory_space<vmem>>)
      tpu.yield
    }) : () -> ()
    "tpu.region"() ({
      %run_scoped3A = tpu.sem_alloc : memref<!tpu.dma_semaphore, #tpu.memory_space<semaphore_mem>>
      %dma_start3A_108 = arith.constant 0 : i32
      %dma_start3A_109 = arith.constant 0 : i32
      %dma_start3A_110 = tpu.memref_slice %arg3[%arg0, %arg1, %dma_start3A_108, %dma_start3A_109] : memref<2x16x80x128xi32, #tpu.memory_space<hbm>> -> memref<1x1x80x128xi32, #tpu.memory_space<hbm>>
      %dma_start3A_111 = tpu.memref_squeeze %dma_start3A_110 : memref<1x1x80x128xi32, #tpu.memory_space<hbm>> -> memref<80x128xi32, #tpu.memory_space<hbm>>
      %dma_start3A_112 = arith.constant 0 : i32
      %dma_start3A_113 = arith.constant 0 : i32
      %dma_start3A_114 = tpu.memref_slice %arg3[%arg0, %arg1, %dma_start3A_112, %dma_start3A_113] : memref<2x16x80x128xi32, #tpu.memory_space<hbm>> -> memref<1x1x80x128xi32, #tpu.memory_space<hbm>>
      %dma_start3A_115 = tpu.memref_squeeze %dma_start3A_114 : memref<1x1x80x128xi32, #tpu.memory_space<hbm>> -> memref<80x128xi32, #tpu.memory_space<hbm>>
      tpu.enqueue_dma source(%dma_start3A_115 : memref<80x128xi32, #tpu.memory_space<hbm>>) target(%arg9 : memref<80x128xi32, #tpu.memory_space<vmem>>) target_semaphore(%run_scoped3A : memref<!tpu.dma_semaphore, #tpu.memory_space<semaphore_mem>>)
      %dma_wait3A_116 = arith.constant 0 : i32
      %dma_wait3A_117 = arith.constant 0 : i32
      %dma_wait3A_118 = tpu.memref_slice %arg3[%arg0, %arg1, %dma_wait3A_116, %dma_wait3A_117] : memref<2x16x80x128xi32, #tpu.memory_space<hbm>> -> memref<1x1x80x128xi32, #tpu.memory_space<hbm>>
      %dma_wait3A_119 = tpu.memref_squeeze %dma_wait3A_118 : memref<1x1x80x128xi32, #tpu.memory_space<hbm>> -> memref<80x128xi32, #tpu.memory_space<hbm>>
      %dma_wait3A_120 = arith.constant 0 : i32
      %dma_wait3A_121 = arith.constant 0 : i32
      %dma_wait3A_122 = tpu.memref_slice %arg3[%arg0, %arg1, %dma_wait3A_120, %dma_wait3A_121] : memref<2x16x80x128xi32, #tpu.memory_space<hbm>> -> memref<1x1x80x128xi32, #tpu.memory_space<hbm>>
      %dma_wait3A_123 = tpu.memref_squeeze %dma_wait3A_122 : memref<1x1x80x128xi32, #tpu.memory_space<hbm>> -> memref<80x128xi32, #tpu.memory_space<hbm>>
      tpu.wait_dma2 semaphore(%run_scoped3A : memref<!tpu.dma_semaphore, #tpu.memory_space<semaphore_mem>>) src(%dma_wait3A_123 : memref<80x128xi32, #tpu.memory_space<hbm>>) dst(%arg9 : memref<80x128xi32, #tpu.memory_space<vmem>>)
      tpu.yield
    }) : () -> ()
    %dma_start3A_33 = arith.constant 0 : i32
    %dma_start3A_34 = arith.constant 0 : i32
    %dma_start3A_35 = tpu.memref_slice %arg8[%dma_start3A_33, %dma_start3A_34] : memref<80x128xi32, #tpu.memory_space<vmem>> -> memref<1x128xi32, #tpu.memory_space<vmem>>
    %dma_start3A_36 = tpu.memref_squeeze %dma_start3A_35 : memref<1x128xi32, #tpu.memory_space<vmem>> -> memref<128xi32, #tpu.memory_space<vmem>>
    %dma_start3A_37 = arith.constant 0 : i32
    %dma_start3A_38 = arith.constant 0 : i32
    %dma_start3A_39 = tpu.memref_slice %arg7[%dma_start3A_37, %dma_start3A_38] : memref<10240x64xf32, #tpu.memory_space<vmem_shared>> -> memref<10240x64xf32, #tpu.memory_space<vmem_shared>>
    tpu.enqueue_indirect_dma source(%dma_start3A_39 : memref<10240x64xf32, #tpu.memory_space<vmem_shared>>) target(%arg10 : memref<128x64xf32, #tpu.memory_space<vmem>>) offsets(%dma_start3A_36 : memref<128xi32, #tpu.memory_space<vmem>>) semaphore(%arg12 : memref<!tpu.dma_semaphore, #tpu.memory_space<semaphore_mem>>)
    %dma_start3A_40 = arith.constant 1 : i32
    %dma_start3A_41 = arith.constant 0 : i32
    %dma_start3A_42 = tpu.memref_slice %arg8[%dma_start3A_40, %dma_start3A_41] : memref<80x128xi32, #tpu.memory_space<vmem>> -> memref<1x128xi32, #tpu.memory_space<vmem>>
    %dma_start3A_43 = tpu.memref_squeeze %dma_start3A_42 : memref<1x128xi32, #tpu.memory_space<vmem>> -> memref<128xi32, #tpu.memory_space<vmem>>
    %dma_start3A_44 = arith.constant 0 : i32
    %dma_start3A_45 = arith.constant 0 : i32
    %dma_start3A_46 = tpu.memref_slice %arg7[%dma_start3A_44, %dma_start3A_45] : memref<10240x64xf32, #tpu.memory_space<vmem_shared>> -> memref<10240x64xf32, #tpu.memory_space<vmem_shared>>
    tpu.enqueue_indirect_dma source(%dma_start3A_46 : memref<10240x64xf32, #tpu.memory_space<vmem_shared>>) target(%arg11 : memref<128x64xf32, #tpu.memory_space<vmem>>) offsets(%dma_start3A_43 : memref<128xi32, #tpu.memory_space<vmem>>) semaphore(%arg13 : memref<!tpu.dma_semaphore, #tpu.memory_space<semaphore_mem>>)
    %scan3A_47 = arith.constant 0 : i32
    %scan3A_48 = arith.constant 0 : i32
    %scan3A_49 = arith.constant 40 : i32
    %scan3A_50 = arith.addi %scan3A_48, %scan3A_49 : i32
    %scan3A_51 = arith.constant 1 : i32
    scf.for %scan3A_108 = %scan3A_48 to %scan3A_50 step %scan3A_51  : i32 {
      %mul3A_109 = arith.constant 2 : i32
      %mul3A_110 = arith.muli %mul3A_109, %scan3A_108 : i32
      %add3A_111 = arith.constant 0 : i32
      %add3A_112 = arith.addi %mul3A_110, %add3A_111 : i32
      %dma_wait3A_113 = arith.constant 0 : i32
      %dma_wait3A_114 = arith.constant 0 : i32
      %dma_wait3A_115 = tpu.memref_slice %arg8[%dma_wait3A_113, %dma_wait3A_114] : memref<80x128xi32, #tpu.memory_space<vmem>> -> memref<1x128xi32, #tpu.memory_space<vmem>>
      %dma_wait3A_116 = tpu.memref_squeeze %dma_wait3A_115 : memref<1x128xi32, #tpu.memory_space<vmem>> -> memref<128xi32, #tpu.memory_space<vmem>>
      %dma_wait3A_117 = arith.constant 0 : i32
      %dma_wait3A_118 = arith.constant 0 : i32
      %dma_wait3A_119 = tpu.memref_slice %arg7[%dma_wait3A_117, %dma_wait3A_118] : memref<10240x64xf32, #tpu.memory_space<vmem_shared>> -> memref<10240x64xf32, #tpu.memory_space<vmem_shared>>
      tpu.wait_indirect_dma semaphore(%arg12 : memref<!tpu.dma_semaphore, #tpu.memory_space<semaphore_mem>>) src(%dma_wait3A_119 : memref<10240x64xf32, #tpu.memory_space<vmem_shared>>) dst(%arg10 : memref<128x64xf32, #tpu.memory_space<vmem>>)
      %dma_start3A_120 = arith.constant 0 : i32
      %dma_start3A_121 = tpu.memref_slice %arg9[%add3A_112, %dma_start3A_120] : memref<80x128xi32, #tpu.memory_space<vmem>> -> memref<1x128xi32, #tpu.memory_space<vmem>>
      %dma_start3A_122 = tpu.memref_squeeze %dma_start3A_121 : memref<1x128xi32, #tpu.memory_space<vmem>> -> memref<128xi32, #tpu.memory_space<vmem>>
      %dma_start3A_123 = arith.constant 0 : i32
      %dma_start3A_124 = arith.constant 0 : i32
      %dma_start3A_125 = tpu.memref_slice %arg6[%dma_start3A_123, %dma_start3A_124] : memref<10240x64xf32, #tpu.memory_space<vmem_shared>> -> memref<10240x64xf32, #tpu.memory_space<vmem_shared>>
      tpu.enqueue_indirect_dma source(%arg10 : memref<128x64xf32, #tpu.memory_space<vmem>>) target(%dma_start3A_125 : memref<10240x64xf32, #tpu.memory_space<vmem_shared>>) offsets(%dma_start3A_122 : memref<128xi32, #tpu.memory_space<vmem>>) semaphore(%arg14 : memref<!tpu.dma_semaphore, #tpu.memory_space<semaphore_mem>>) {add = true}
      %add3A_126 = arith.constant 2 : i32
      %add3A_127 = arith.addi %add3A_112, %add3A_126 : i32
      %lt3A = arith.constant 80 : i32
      %lt3A_128 = arith.cmpi slt, %add3A_127, %lt3A : i32
      %convert_element_type3A = arith.extui %lt3A_128 : i1 to i32
      %cond3A = arith.constant 0 : i32
      %cond3A_129 = arith.cmpi ne, %convert_element_type3A, %cond3A : i32
      scf.if %cond3A_129 {
        %dma_wait3A_152 = arith.constant 0 : i32
        %dma_wait3A_153 = arith.constant 0 : i32
        %dma_wait3A_154 = tpu.memref_slice %arg9[%dma_wait3A_152, %dma_wait3A_153] : memref<80x128xi32, #tpu.memory_space<vmem>> -> memref<1x128xi32, #tpu.memory_space<vmem>>
        %dma_wait3A_155 = tpu.memref_squeeze %dma_wait3A_154 : memref<1x128xi32, #tpu.memory_space<vmem>> -> memref<128xi32, #tpu.memory_space<vmem>>
        %dma_wait3A_156 = arith.constant 0 : i32
        %dma_wait3A_157 = arith.constant 0 : i32
        %dma_wait3A_158 = tpu.memref_slice %arg6[%dma_wait3A_156, %dma_wait3A_157] : memref<10240x64xf32, #tpu.memory_space<vmem_shared>> -> memref<10240x64xf32, #tpu.memory_space<vmem_shared>>
        tpu.wait_indirect_dma semaphore(%arg14 : memref<!tpu.dma_semaphore, #tpu.memory_space<semaphore_mem>>) src(%arg10 : memref<128x64xf32, #tpu.memory_space<vmem>>) dst(%dma_wait3A_158 : memref<10240x64xf32, #tpu.memory_space<vmem_shared>>)
        %add3A_159 = arith.constant 2 : i32
        %add3A_160 = arith.addi %add3A_112, %add3A_159 : i32
        %dma_start3A_161 = arith.constant 0 : i32
        %dma_start3A_162 = tpu.memref_slice %arg8[%add3A_160, %dma_start3A_161] : memref<80x128xi32, #tpu.memory_space<vmem>> -> memref<1x128xi32, #tpu.memory_space<vmem>>
        %dma_start3A_163 = tpu.memref_squeeze %dma_start3A_162 : memref<1x128xi32, #tpu.memory_space<vmem>> -> memref<128xi32, #tpu.memory_space<vmem>>
        %dma_start3A_164 = arith.constant 0 : i32
        %dma_start3A_165 = arith.constant 0 : i32
        %dma_start3A_166 = tpu.memref_slice %arg7[%dma_start3A_164, %dma_start3A_165] : memref<10240x64xf32, #tpu.memory_space<vmem_shared>> -> memref<10240x64xf32, #tpu.memory_space<vmem_shared>>
        tpu.enqueue_indirect_dma source(%dma_start3A_166 : memref<10240x64xf32, #tpu.memory_space<vmem_shared>>) target(%arg10 : memref<128x64xf32, #tpu.memory_space<vmem>>) offsets(%dma_start3A_163 : memref<128xi32, #tpu.memory_space<vmem>>) semaphore(%arg12 : memref<!tpu.dma_semaphore, #tpu.memory_space<semaphore_mem>>)
      } else {
      }
      %add3A_130 = arith.constant 1 : i32
      %add3A_131 = arith.addi %mul3A_110, %add3A_130 : i32
      %dma_wait3A_132 = arith.constant 0 : i32
      %dma_wait3A_133 = arith.constant 0 : i32
      %dma_wait3A_134 = tpu.memref_slice %arg8[%dma_wait3A_132, %dma_wait3A_133] : memref<80x128xi32, #tpu.memory_space<vmem>> -> memref<1x128xi32, #tpu.memory_space<vmem>>
      %dma_wait3A_135 = tpu.memref_squeeze %dma_wait3A_134 : memref<1x128xi32, #tpu.memory_space<vmem>> -> memref<128xi32, #tpu.memory_space<vmem>>
      %dma_wait3A_136 = arith.constant 0 : i32
      %dma_wait3A_137 = arith.constant 0 : i32
      %dma_wait3A_138 = tpu.memref_slice %arg7[%dma_wait3A_136, %dma_wait3A_137] : memref<10240x64xf32, #tpu.memory_space<vmem_shared>> -> memref<10240x64xf32, #tpu.memory_space<vmem_shared>>
      tpu.wait_indirect_dma semaphore(%arg13 : memref<!tpu.dma_semaphore, #tpu.memory_space<semaphore_mem>>) src(%dma_wait3A_138 : memref<10240x64xf32, #tpu.memory_space<vmem_shared>>) dst(%arg11 : memref<128x64xf32, #tpu.memory_space<vmem>>)
      %dma_start3A_139 = arith.constant 0 : i32
      %dma_start3A_140 = tpu.memref_slice %arg9[%add3A_131, %dma_start3A_139] : memref<80x128xi32, #tpu.memory_space<vmem>> -> memref<1x128xi32, #tpu.memory_space<vmem>>
      %dma_start3A_141 = tpu.memref_squeeze %dma_start3A_140 : memref<1x128xi32, #tpu.memory_space<vmem>> -> memref<128xi32, #tpu.memory_space<vmem>>
      %dma_start3A_142 = arith.constant 0 : i32
      %dma_start3A_143 = arith.constant 0 : i32
      %dma_start3A_144 = tpu.memref_slice %arg6[%dma_start3A_142, %dma_start3A_143] : memref<10240x64xf32, #tpu.memory_space<vmem_shared>> -> memref<10240x64xf32, #tpu.memory_space<vmem_shared>>
      tpu.enqueue_indirect_dma source(%arg11 : memref<128x64xf32, #tpu.memory_space<vmem>>) target(%dma_start3A_144 : memref<10240x64xf32, #tpu.memory_space<vmem_shared>>) offsets(%dma_start3A_141 : memref<128xi32, #tpu.memory_space<vmem>>) semaphore(%arg15 : memref<!tpu.dma_semaphore, #tpu.memory_space<semaphore_mem>>) {add = true}
      %add3A_145 = arith.constant 2 : i32
      %add3A_146 = arith.addi %add3A_131, %add3A_145 : i32
      %lt3A_147 = arith.constant 80 : i32
      %lt3A_148 = arith.cmpi slt, %add3A_146, %lt3A_147 : i32
      %convert_element_type3A_149 = arith.extui %lt3A_148 : i1 to i32
      %cond3A_150 = arith.constant 0 : i32
      %cond3A_151 = arith.cmpi ne, %convert_element_type3A_149, %cond3A_150 : i32
      scf.if %cond3A_151 {
        %dma_wait3A_152 = arith.constant 0 : i32
        %dma_wait3A_153 = arith.constant 0 : i32
        %dma_wait3A_154 = tpu.memref_slice %arg9[%dma_wait3A_152, %dma_wait3A_153] : memref<80x128xi32, #tpu.memory_space<vmem>> -> memref<1x128xi32, #tpu.memory_space<vmem>>
        %dma_wait3A_155 = tpu.memref_squeeze %dma_wait3A_154 : memref<1x128xi32, #tpu.memory_space<vmem>> -> memref<128xi32, #tpu.memory_space<vmem>>
        %dma_wait3A_156 = arith.constant 0 : i32
        %dma_wait3A_157 = arith.constant 0 : i32
        %dma_wait3A_158 = tpu.memref_slice %arg6[%dma_wait3A_156, %dma_wait3A_157] : memref<10240x64xf32, #tpu.memory_space<vmem_shared>> -> memref<10240x64xf32, #tpu.memory_space<vmem_shared>>
        tpu.wait_indirect_dma semaphore(%arg15 : memref<!tpu.dma_semaphore, #tpu.memory_space<semaphore_mem>>) src(%arg11 : memref<128x64xf32, #tpu.memory_space<vmem>>) dst(%dma_wait3A_158 : memref<10240x64xf32, #tpu.memory_space<vmem_shared>>)
        %add3A_159 = arith.constant 2 : i32
        %add3A_160 = arith.addi %add3A_131, %add3A_159 : i32
        %dma_start3A_161 = arith.constant 0 : i32
        %dma_start3A_162 = tpu.memref_slice %arg8[%add3A_160, %dma_start3A_161] : memref<80x128xi32, #tpu.memory_space<vmem>> -> memref<1x128xi32, #tpu.memory_space<vmem>>
        %dma_start3A_163 = tpu.memref_squeeze %dma_start3A_162 : memref<1x128xi32, #tpu.memory_space<vmem>> -> memref<128xi32, #tpu.memory_space<vmem>>
        %dma_start3A_164 = arith.constant 0 : i32
        %dma_start3A_165 = arith.constant 0 : i32
        %dma_start3A_166 = tpu.memref_slice %arg7[%dma_start3A_164, %dma_start3A_165] : memref<10240x64xf32, #tpu.memory_space<vmem_shared>> -> memref<10240x64xf32, #tpu.memory_space<vmem_shared>>
        tpu.enqueue_indirect_dma source(%dma_start3A_166 : memref<10240x64xf32, #tpu.memory_space<vmem_shared>>) target(%arg11 : memref<128x64xf32, #tpu.memory_space<vmem>>) offsets(%dma_start3A_163 : memref<128xi32, #tpu.memory_space<vmem>>) semaphore(%arg13 : memref<!tpu.dma_semaphore, #tpu.memory_space<semaphore_mem>>)
      } else {
      }
    }
    %scan3A_52 = arith.constant 40 : i32
    %dma_wait3A_53 = arith.constant 0 : i32
    %dma_wait3A_54 = arith.constant 0 : i32
    %dma_wait3A_55 = tpu.memref_slice %arg9[%dma_wait3A_53, %dma_wait3A_54] : memref<80x128xi32, #tpu.memory_space<vmem>> -> memref<1x128xi32, #tpu.memory_space<vmem>>
    %dma_wait3A_56 = tpu.memref_squeeze %dma_wait3A_55 : memref<1x128xi32, #tpu.memory_space<vmem>> -> memref<128xi32, #tpu.memory_space<vmem>>
    %dma_wait3A_57 = arith.constant 0 : i32
    %dma_wait3A_58 = arith.constant 0 : i32
    %dma_wait3A_59 = tpu.memref_slice %arg6[%dma_wait3A_57, %dma_wait3A_58] : memref<10240x64xf32, #tpu.memory_space<vmem_shared>> -> memref<10240x64xf32, #tpu.memory_space<vmem_shared>>
    tpu.wait_indirect_dma semaphore(%arg14 : memref<!tpu.dma_semaphore, #tpu.memory_space<semaphore_mem>>) src(%arg10 : memref<128x64xf32, #tpu.memory_space<vmem>>) dst(%dma_wait3A_59 : memref<10240x64xf32, #tpu.memory_space<vmem_shared>>)
    %dma_wait3A_60 = arith.constant 0 : i32
    %dma_wait3A_61 = arith.constant 0 : i32
    %dma_wait3A_62 = tpu.memref_slice %arg9[%dma_wait3A_60, %dma_wait3A_61] : memref<80x128xi32, #tpu.memory_space<vmem>> -> memref<1x128xi32, #tpu.memory_space<vmem>>
    %dma_wait3A_63 = tpu.memref_squeeze %dma_wait3A_62 : memref<1x128xi32, #tpu.memory_space<vmem>> -> memref<128xi32, #tpu.memory_space<vmem>>
    %dma_wait3A_64 = arith.constant 0 : i32
    %dma_wait3A_65 = arith.constant 0 : i32
    %dma_wait3A_66 = tpu.memref_slice %arg6[%dma_wait3A_64, %dma_wait3A_65] : memref<10240x64xf32, #tpu.memory_space<vmem_shared>> -> memref<10240x64xf32, #tpu.memory_space<vmem_shared>>
    tpu.wait_indirect_dma semaphore(%arg15 : memref<!tpu.dma_semaphore, #tpu.memory_space<semaphore_mem>>) src(%arg11 : memref<128x64xf32, #tpu.memory_space<vmem>>) dst(%dma_wait3A_66 : memref<10240x64xf32, #tpu.memory_space<vmem_shared>>)
    %barrier3A_67 = arith.constant 0 : index
    tpu.barrier barrier_id(%barrier3A_67)
    %mul3A_68 = arith.constant 640 : i32
    %mul3A_69 = arith.muli %arg1, %mul3A_68 : i32
    %add3A_70 = arith.constant 0 : i32
    %add3A_71 = arith.addi %mul3A_69, %add3A_70 : i32
    "tpu.region"() ({
      %run_scoped3A = tpu.sem_alloc : memref<!tpu.dma_semaphore, #tpu.memory_space<semaphore_mem>>
      %dma_start3A_108 = arith.constant 0 : i32
      %dma_start3A_109 = arith.constant 0 : i32
      %dma_start3A_110 = tpu.memref_slice %arg10[%dma_start3A_108, %dma_start3A_109] : memref<128x64xf32, #tpu.memory_space<vmem>> -> memref<128x64xf32, #tpu.memory_space<vmem>>
      %dma_start3A_111 = arith.constant 0 : i32
      %dma_start3A_112 = tpu.memref_slice %arg6[%add3A_71, %dma_start3A_111] : memref<10240x64xf32, #tpu.memory_space<vmem_shared>> -> memref<128x64xf32, #tpu.memory_space<vmem_shared>>
      %dma_start3A_113 = arith.constant 0 : i32
      %dma_start3A_114 = arith.constant 0 : i32
      %dma_start3A_115 = tpu.memref_slice %arg10[%dma_start3A_113, %dma_start3A_114] : memref<128x64xf32, #tpu.memory_space<vmem>> -> memref<128x64xf32, #tpu.memory_space<vmem>>
      %dma_start3A_116 = arith.constant 0 : i32
      %dma_start3A_117 = tpu.memref_slice %arg6[%add3A_71, %dma_start3A_116] : memref<10240x64xf32, #tpu.memory_space<vmem_shared>> -> memref<128x64xf32, #tpu.memory_space<vmem_shared>>
      tpu.enqueue_dma source(%dma_start3A_117 : memref<128x64xf32, #tpu.memory_space<vmem_shared>>) target(%dma_start3A_115 : memref<128x64xf32, #tpu.memory_space<vmem>>) target_semaphore(%run_scoped3A : memref<!tpu.dma_semaphore, #tpu.memory_space<semaphore_mem>>)
      %dma_wait3A_118 = arith.constant 0 : i32
      %dma_wait3A_119 = arith.constant 0 : i32
      %dma_wait3A_120 = tpu.memref_slice %arg10[%dma_wait3A_118, %dma_wait3A_119] : memref<128x64xf32, #tpu.memory_space<vmem>> -> memref<128x64xf32, #tpu.memory_space<vmem>>
      %dma_wait3A_121 = arith.constant 0 : i32
      %dma_wait3A_122 = tpu.memref_slice %arg6[%add3A_71, %dma_wait3A_121] : memref<10240x64xf32, #tpu.memory_space<vmem_shared>> -> memref<128x64xf32, #tpu.memory_space<vmem_shared>>
      %dma_wait3A_123 = arith.constant 0 : i32
      %dma_wait3A_124 = arith.constant 0 : i32
      %dma_wait3A_125 = tpu.memref_slice %arg10[%dma_wait3A_123, %dma_wait3A_124] : memref<128x64xf32, #tpu.memory_space<vmem>> -> memref<128x64xf32, #tpu.memory_space<vmem>>
      %dma_wait3A_126 = arith.constant 0 : i32
      %dma_wait3A_127 = tpu.memref_slice %arg6[%add3A_71, %dma_wait3A_126] : memref<10240x64xf32, #tpu.memory_space<vmem_shared>> -> memref<128x64xf32, #tpu.memory_space<vmem_shared>>
      tpu.wait_dma2 semaphore(%run_scoped3A : memref<!tpu.dma_semaphore, #tpu.memory_space<semaphore_mem>>) src(%dma_wait3A_127 : memref<128x64xf32, #tpu.memory_space<vmem_shared>>) dst(%dma_wait3A_125 : memref<128x64xf32, #tpu.memory_space<vmem>>)
      tpu.yield
    }) : () -> ()
    %mul3A_72 = arith.constant 640 : i32
    %mul3A_73 = arith.muli %arg1, %mul3A_72 : i32
    %add3A_74 = arith.constant 0 : i32
    %add3A_75 = arith.addi %mul3A_73, %add3A_74 : i32
    "tpu.region"() ({
      %run_scoped3A = tpu.sem_alloc : memref<!tpu.dma_semaphore, #tpu.memory_space<semaphore_mem>>
      %dma_start3A_108 = arith.constant 0 : i32
      %dma_start3A_109 = arith.constant 0 : i32
      %dma_start3A_110 = tpu.memref_slice %arg10[%dma_start3A_108, %dma_start3A_109] : memref<128x64xf32, #tpu.memory_space<vmem>> -> memref<128x64xf32, #tpu.memory_space<vmem>>
      %dma_start3A_111 = arith.constant 0 : i32
      %dma_start3A_112 = tpu.memref_slice %arg5[%arg0, %add3A_75, %dma_start3A_111] : memref<2x10240x64xf32, #tpu.memory_space<hbm>> -> memref<1x128x64xf32, #tpu.memory_space<hbm>>
      %dma_start3A_113 = tpu.memref_squeeze %dma_start3A_112 : memref<1x128x64xf32, #tpu.memory_space<hbm>> -> memref<128x64xf32, #tpu.memory_space<hbm>>
      %dma_start3A_114 = arith.constant 0 : i32
      %dma_start3A_115 = tpu.memref_slice %arg5[%arg0, %add3A_75, %dma_start3A_114] : memref<2x10240x64xf32, #tpu.memory_space<hbm>> -> memref<1x128x64xf32, #tpu.memory_space<hbm>>
      %dma_start3A_116 = tpu.memref_squeeze %dma_start3A_115 : memref<1x128x64xf32, #tpu.memory_space<hbm>> -> memref<128x64xf32, #tpu.memory_space<hbm>>
      %dma_start3A_117 = arith.constant 0 : i32
      %dma_start3A_118 = arith.constant 0 : i32
      %dma_start3A_119 = tpu.memref_slice %arg10[%dma_start3A_117, %dma_start3A_118] : memref<128x64xf32, #tpu.memory_space<vmem>> -> memref<128x64xf32, #tpu.memory_space<vmem>>
      tpu.enqueue_dma source(%dma_start3A_119 : memref<128x64xf32, #tpu.memory_space<vmem>>) target(%dma_start3A_116 : memref<128x64xf32, #tpu.memory_space<hbm>>) target_semaphore(%run_scoped3A : memref<!tpu.dma_semaphore, #tpu.memory_space<semaphore_mem>>)
      %dma_wait3A_120 = arith.constant 0 : i32
      %dma_wait3A_121 = arith.constant 0 : i32
      %dma_wait3A_122 = tpu.memref_slice %arg10[%dma_wait3A_120, %dma_wait3A_121] : memref<128x64xf32, #tpu.memory_space<vmem>> -> memref<128x64xf32, #tpu.memory_space<vmem>>
      %dma_wait3A_123 = arith.constant 0 : i32
      %dma_wait3A_124 = tpu.memref_slice %arg5[%arg0, %add3A_75, %dma_wait3A_123] : memref<2x10240x64xf32, #tpu.memory_space<hbm>> -> memref<1x128x64xf32, #tpu.memory_space<hbm>>
      %dma_wait3A_125 = tpu.memref_squeeze %dma_wait3A_124 : memref<1x128x64xf32, #tpu.memory_space<hbm>> -> memref<128x64xf32, #tpu.memory_space<hbm>>
      %dma_wait3A_126 = arith.constant 0 : i32
      %dma_wait3A_127 = tpu.memref_slice %arg5[%arg0, %add3A_75, %dma_wait3A_126] : memref<2x10240x64xf32, #tpu.memory_space<hbm>> -> memref<1x128x64xf32, #tpu.memory_space<hbm>>
      %dma_wait3A_128 = tpu.memref_squeeze %dma_wait3A_127 : memref<1x128x64xf32, #tpu.memory_space<hbm>> -> memref<128x64xf32, #tpu.memory_space<hbm>>
      %dma_wait3A_129 = arith.constant 0 : i32
      %dma_wait3A_130 = arith.constant 0 : i32
      %dma_wait3A_131 = tpu.memref_slice %arg10[%dma_wait3A_129, %dma_wait3A_130] : memref<128x64xf32, #tpu.memory_space<vmem>> -> memref<128x64xf32, #tpu.memory_space<vmem>>
      tpu.wait_dma2 semaphore(%run_scoped3A : memref<!tpu.dma_semaphore, #tpu.memory_space<semaphore_mem>>) src(%dma_wait3A_131 : memref<128x64xf32, #tpu.memory_space<vmem>>) dst(%dma_wait3A_128 : memref<128x64xf32, #tpu.memory_space<hbm>>)
      tpu.yield
    }) : () -> ()
    %mul3A_76 = arith.constant 640 : i32
    %mul3A_77 = arith.muli %arg1, %mul3A_76 : i32
    %add3A_78 = arith.constant 128 : i32
    %add3A_79 = arith.addi %mul3A_77, %add3A_78 : i32
    "tpu.region"() ({
      %run_scoped3A = tpu.sem_alloc : memref<!tpu.dma_semaphore, #tpu.memory_space<semaphore_mem>>
      %dma_start3A_108 = arith.constant 0 : i32
      %dma_start3A_109 = arith.constant 0 : i32
      %dma_start3A_110 = tpu.memref_slice %arg10[%dma_start3A_108, %dma_start3A_109] : memref<128x64xf32, #tpu.memory_space<vmem>> -> memref<128x64xf32, #tpu.memory_space<vmem>>
      %dma_start3A_111 = arith.constant 0 : i32
      %dma_start3A_112 = tpu.memref_slice %arg6[%add3A_79, %dma_start3A_111] : memref<10240x64xf32, #tpu.memory_space<vmem_shared>> -> memref<128x64xf32, #tpu.memory_space<vmem_shared>>
      %dma_start3A_113 = arith.constant 0 : i32
      %dma_start3A_114 = arith.constant 0 : i32
      %dma_start3A_115 = tpu.memref_slice %arg10[%dma_start3A_113, %dma_start3A_114] : memref<128x64xf32, #tpu.memory_space<vmem>> -> memref<128x64xf32, #tpu.memory_space<vmem>>
      %dma_start3A_116 = arith.constant 0 : i32
      %dma_start3A_117 = tpu.memref_slice %arg6[%add3A_79, %dma_start3A_116] : memref<10240x64xf32, #tpu.memory_space<vmem_shared>> -> memref<128x64xf32, #tpu.memory_space<vmem_shared>>
      tpu.enqueue_dma source(%dma_start3A_117 : memref<128x64xf32, #tpu.memory_space<vmem_shared>>) target(%dma_start3A_115 : memref<128x64xf32, #tpu.memory_space<vmem>>) target_semaphore(%run_scoped3A : memref<!tpu.dma_semaphore, #tpu.memory_space<semaphore_mem>>)
      %dma_wait3A_118 = arith.constant 0 : i32
      %dma_wait3A_119 = arith.constant 0 : i32
      %dma_wait3A_120 = tpu.memref_slice %arg10[%dma_wait3A_118, %dma_wait3A_119] : memref<128x64xf32, #tpu.memory_space<vmem>> -> memref<128x64xf32, #tpu.memory_space<vmem>>
      %dma_wait3A_121 = arith.constant 0 : i32
      %dma_wait3A_122 = tpu.memref_slice %arg6[%add3A_79, %dma_wait3A_121] : memref<10240x64xf32, #tpu.memory_space<vmem_shared>> -> memref<128x64xf32, #tpu.memory_space<vmem_shared>>
      %dma_wait3A_123 = arith.constant 0 : i32
      %dma_wait3A_124 = arith.constant 0 : i32
      %dma_wait3A_125 = tpu.memref_slice %arg10[%dma_wait3A_123, %dma_wait3A_124] : memref<128x64xf32, #tpu.memory_space<vmem>> -> memref<128x64xf32, #tpu.memory_space<vmem>>
      %dma_wait3A_126 = arith.constant 0 : i32
      %dma_wait3A_127 = tpu.memref_slice %arg6[%add3A_79, %dma_wait3A_126] : memref<10240x64xf32, #tpu.memory_space<vmem_shared>> -> memref<128x64xf32, #tpu.memory_space<vmem_shared>>
      tpu.wait_dma2 semaphore(%run_scoped3A : memref<!tpu.dma_semaphore, #tpu.memory_space<semaphore_mem>>) src(%dma_wait3A_127 : memref<128x64xf32, #tpu.memory_space<vmem_shared>>) dst(%dma_wait3A_125 : memref<128x64xf32, #tpu.memory_space<vmem>>)
      tpu.yield
    }) : () -> ()
    %mul3A_80 = arith.constant 640 : i32
    %mul3A_81 = arith.muli %arg1, %mul3A_80 : i32
    %add3A_82 = arith.constant 128 : i32
    %add3A_83 = arith.addi %mul3A_81, %add3A_82 : i32
    "tpu.region"() ({
      %run_scoped3A = tpu.sem_alloc : memref<!tpu.dma_semaphore, #tpu.memory_space<semaphore_mem>>
      %dma_start3A_108 = arith.constant 0 : i32
      %dma_start3A_109 = arith.constant 0 : i32
      %dma_start3A_110 = tpu.memref_slice %arg10[%dma_start3A_108, %dma_start3A_109] : memref<128x64xf32, #tpu.memory_space<vmem>> -> memref<128x64xf32, #tpu.memory_space<vmem>>
      %dma_start3A_111 = arith.constant 0 : i32
      %dma_start3A_112 = tpu.memref_slice %arg5[%arg0, %add3A_83, %dma_start3A_111] : memref<2x10240x64xf32, #tpu.memory_space<hbm>> -> memref<1x128x64xf32, #tpu.memory_space<hbm>>
      %dma_start3A_113 = tpu.memref_squeeze %dma_start3A_112 : memref<1x128x64xf32, #tpu.memory_space<hbm>> -> memref<128x64xf32, #tpu.memory_space<hbm>>
      %dma_start3A_114 = arith.constant 0 : i32
      %dma_start3A_115 = tpu.memref_slice %arg5[%arg0, %add3A_83, %dma_start3A_114] : memref<2x10240x64xf32, #tpu.memory_space<hbm>> -> memref<1x128x64xf32, #tpu.memory_space<hbm>>
      %dma_start3A_116 = tpu.memref_squeeze %dma_start3A_115 : memref<1x128x64xf32, #tpu.memory_space<hbm>> -> memref<128x64xf32, #tpu.memory_space<hbm>>
      %dma_start3A_117 = arith.constant 0 : i32
      %dma_start3A_118 = arith.constant 0 : i32
      %dma_start3A_119 = tpu.memref_slice %arg10[%dma_start3A_117, %dma_start3A_118] : memref<128x64xf32, #tpu.memory_space<vmem>> -> memref<128x64xf32, #tpu.memory_space<vmem>>
      tpu.enqueue_dma source(%dma_start3A_119 : memref<128x64xf32, #tpu.memory_space<vmem>>) target(%dma_start3A_116 : memref<128x64xf32, #tpu.memory_space<hbm>>) target_semaphore(%run_scoped3A : memref<!tpu.dma_semaphore, #tpu.memory_space<semaphore_mem>>)
      %dma_wait3A_120 = arith.constant 0 : i32
      %dma_wait3A_121 = arith.constant 0 : i32
      %dma_wait3A_122 = tpu.memref_slice %arg10[%dma_wait3A_120, %dma_wait3A_121] : memref<128x64xf32, #tpu.memory_space<vmem>> -> memref<128x64xf32, #tpu.memory_space<vmem>>
      %dma_wait3A_123 = arith.constant 0 : i32
      %dma_wait3A_124 = tpu.memref_slice %arg5[%arg0, %add3A_83, %dma_wait3A_123] : memref<2x10240x64xf32, #tpu.memory_space<hbm>> -> memref<1x128x64xf32, #tpu.memory_space<hbm>>
      %dma_wait3A_125 = tpu.memref_squeeze %dma_wait3A_124 : memref<1x128x64xf32, #tpu.memory_space<hbm>> -> memref<128x64xf32, #tpu.memory_space<hbm>>
      %dma_wait3A_126 = arith.constant 0 : i32
      %dma_wait3A_127 = tpu.memref_slice %arg5[%arg0, %add3A_83, %dma_wait3A_126] : memref<2x10240x64xf32, #tpu.memory_space<hbm>> -> memref<1x128x64xf32, #tpu.memory_space<hbm>>
      %dma_wait3A_128 = tpu.memref_squeeze %dma_wait3A_127 : memref<1x128x64xf32, #tpu.memory_space<hbm>> -> memref<128x64xf32, #tpu.memory_space<hbm>>
      %dma_wait3A_129 = arith.constant 0 : i32
      %dma_wait3A_130 = arith.constant 0 : i32
      %dma_wait3A_131 = tpu.memref_slice %arg10[%dma_wait3A_129, %dma_wait3A_130] : memref<128x64xf32, #tpu.memory_space<vmem>> -> memref<128x64xf32, #tpu.memory_space<vmem>>
      tpu.wait_dma2 semaphore(%run_scoped3A : memref<!tpu.dma_semaphore, #tpu.memory_space<semaphore_mem>>) src(%dma_wait3A_131 : memref<128x64xf32, #tpu.memory_space<vmem>>) dst(%dma_wait3A_128 : memref<128x64xf32, #tpu.memory_space<hbm>>)
      tpu.yield
    }) : () -> ()
    %mul3A_84 = arith.constant 640 : i32
    %mul3A_85 = arith.muli %arg1, %mul3A_84 : i32
    %add3A_86 = arith.constant 256 : i32
    %add3A_87 = arith.addi %mul3A_85, %add3A_86 : i32
    "tpu.region"() ({
      %run_scoped3A = tpu.sem_alloc : memref<!tpu.dma_semaphore, #tpu.memory_space<semaphore_mem>>
      %dma_start3A_108 = arith.constant 0 : i32
      %dma_start3A_109 = arith.constant 0 : i32
      %dma_start3A_110 = tpu.memref_slice %arg10[%dma_start3A_108, %dma_start3A_109] : memref<128x64xf32, #tpu.memory_space<vmem>> -> memref<128x64xf32, #tpu.memory_space<vmem>>
      %dma_start3A_111 = arith.constant 0 : i32
      %dma_start3A_112 = tpu.memref_slice %arg6[%add3A_87, %dma_start3A_111] : memref<10240x64xf32, #tpu.memory_space<vmem_shared>> -> memref<128x64xf32, #tpu.memory_space<vmem_shared>>
      %dma_start3A_113 = arith.constant 0 : i32
      %dma_start3A_114 = arith.constant 0 : i32
      %dma_start3A_115 = tpu.memref_slice %arg10[%dma_start3A_113, %dma_start3A_114] : memref<128x64xf32, #tpu.memory_space<vmem>> -> memref<128x64xf32, #tpu.memory_space<vmem>>
      %dma_start3A_116 = arith.constant 0 : i32
      %dma_start3A_117 = tpu.memref_slice %arg6[%add3A_87, %dma_start3A_116] : memref<10240x64xf32, #tpu.memory_space<vmem_shared>> -> memref<128x64xf32, #tpu.memory_space<vmem_shared>>
      tpu.enqueue_dma source(%dma_start3A_117 : memref<128x64xf32, #tpu.memory_space<vmem_shared>>) target(%dma_start3A_115 : memref<128x64xf32, #tpu.memory_space<vmem>>) target_semaphore(%run_scoped3A : memref<!tpu.dma_semaphore, #tpu.memory_space<semaphore_mem>>)
      %dma_wait3A_118 = arith.constant 0 : i32
      %dma_wait3A_119 = arith.constant 0 : i32
      %dma_wait3A_120 = tpu.memref_slice %arg10[%dma_wait3A_118, %dma_wait3A_119] : memref<128x64xf32, #tpu.memory_space<vmem>> -> memref<128x64xf32, #tpu.memory_space<vmem>>
      %dma_wait3A_121 = arith.constant 0 : i32
      %dma_wait3A_122 = tpu.memref_slice %arg6[%add3A_87, %dma_wait3A_121] : memref<10240x64xf32, #tpu.memory_space<vmem_shared>> -> memref<128x64xf32, #tpu.memory_space<vmem_shared>>
      %dma_wait3A_123 = arith.constant 0 : i32
      %dma_wait3A_124 = arith.constant 0 : i32
      %dma_wait3A_125 = tpu.memref_slice %arg10[%dma_wait3A_123, %dma_wait3A_124] : memref<128x64xf32, #tpu.memory_space<vmem>> -> memref<128x64xf32, #tpu.memory_space<vmem>>
      %dma_wait3A_126 = arith.constant 0 : i32
      %dma_wait3A_127 = tpu.memref_slice %arg6[%add3A_87, %dma_wait3A_126] : memref<10240x64xf32, #tpu.memory_space<vmem_shared>> -> memref<128x64xf32, #tpu.memory_space<vmem_shared>>
      tpu.wait_dma2 semaphore(%run_scoped3A : memref<!tpu.dma_semaphore, #tpu.memory_space<semaphore_mem>>) src(%dma_wait3A_127 : memref<128x64xf32, #tpu.memory_space<vmem_shared>>) dst(%dma_wait3A_125 : memref<128x64xf32, #tpu.memory_space<vmem>>)
      tpu.yield
    }) : () -> ()
    %mul3A_88 = arith.constant 640 : i32
    %mul3A_89 = arith.muli %arg1, %mul3A_88 : i32
    %add3A_90 = arith.constant 256 : i32
    %add3A_91 = arith.addi %mul3A_89, %add3A_90 : i32
    "tpu.region"() ({
      %run_scoped3A = tpu.sem_alloc : memref<!tpu.dma_semaphore, #tpu.memory_space<semaphore_mem>>
      %dma_start3A_108 = arith.constant 0 : i32
      %dma_start3A_109 = arith.constant 0 : i32
      %dma_start3A_110 = tpu.memref_slice %arg10[%dma_start3A_108, %dma_start3A_109] : memref<128x64xf32, #tpu.memory_space<vmem>> -> memref<128x64xf32, #tpu.memory_space<vmem>>
      %dma_start3A_111 = arith.constant 0 : i32
      %dma_start3A_112 = tpu.memref_slice %arg5[%arg0, %add3A_91, %dma_start3A_111] : memref<2x10240x64xf32, #tpu.memory_space<hbm>> -> memref<1x128x64xf32, #tpu.memory_space<hbm>>
      %dma_start3A_113 = tpu.memref_squeeze %dma_start3A_112 : memref<1x128x64xf32, #tpu.memory_space<hbm>> -> memref<128x64xf32, #tpu.memory_space<hbm>>
      %dma_start3A_114 = arith.constant 0 : i32
      %dma_start3A_115 = tpu.memref_slice %arg5[%arg0, %add3A_91, %dma_start3A_114] : memref<2x10240x64xf32, #tpu.memory_space<hbm>> -> memref<1x128x64xf32, #tpu.memory_space<hbm>>
      %dma_start3A_116 = tpu.memref_squeeze %dma_start3A_115 : memref<1x128x64xf32, #tpu.memory_space<hbm>> -> memref<128x64xf32, #tpu.memory_space<hbm>>
      %dma_start3A_117 = arith.constant 0 : i32
      %dma_start3A_118 = arith.constant 0 : i32
      %dma_start3A_119 = tpu.memref_slice %arg10[%dma_start3A_117, %dma_start3A_118] : memref<128x64xf32, #tpu.memory_space<vmem>> -> memref<128x64xf32, #tpu.memory_space<vmem>>
      tpu.enqueue_dma source(%dma_start3A_119 : memref<128x64xf32, #tpu.memory_space<vmem>>) target(%dma_start3A_116 : memref<128x64xf32, #tpu.memory_space<hbm>>) target_semaphore(%run_scoped3A : memref<!tpu.dma_semaphore, #tpu.memory_space<semaphore_mem>>)
      %dma_wait3A_120 = arith.constant 0 : i32
      %dma_wait3A_121 = arith.constant 0 : i32
      %dma_wait3A_122 = tpu.memref_slice %arg10[%dma_wait3A_120, %dma_wait3A_121] : memref<128x64xf32, #tpu.memory_space<vmem>> -> memref<128x64xf32, #tpu.memory_space<vmem>>
      %dma_wait3A_123 = arith.constant 0 : i32
      %dma_wait3A_124 = tpu.memref_slice %arg5[%arg0, %add3A_91, %dma_wait3A_123] : memref<2x10240x64xf32, #tpu.memory_space<hbm>> -> memref<1x128x64xf32, #tpu.memory_space<hbm>>
      %dma_wait3A_125 = tpu.memref_squeeze %dma_wait3A_124 : memref<1x128x64xf32, #tpu.memory_space<hbm>> -> memref<128x64xf32, #tpu.memory_space<hbm>>
      %dma_wait3A_126 = arith.constant 0 : i32
      %dma_wait3A_127 = tpu.memref_slice %arg5[%arg0, %add3A_91, %dma_wait3A_126] : memref<2x10240x64xf32, #tpu.memory_space<hbm>> -> memref<1x128x64xf32, #tpu.memory_space<hbm>>
      %dma_wait3A_128 = tpu.memref_squeeze %dma_wait3A_127 : memref<1x128x64xf32, #tpu.memory_space<hbm>> -> memref<128x64xf32, #tpu.memory_space<hbm>>
      %dma_wait3A_129 = arith.constant 0 : i32
      %dma_wait3A_130 = arith.constant 0 : i32
      %dma_wait3A_131 = tpu.memref_slice %arg10[%dma_wait3A_129, %dma_wait3A_130] : memref<128x64xf32, #tpu.memory_space<vmem>> -> memref<128x64xf32, #tpu.memory_space<vmem>>
      tpu.wait_dma2 semaphore(%run_scoped3A : memref<!tpu.dma_semaphore, #tpu.memory_space<semaphore_mem>>) src(%dma_wait3A_131 : memref<128x64xf32, #tpu.memory_space<vmem>>) dst(%dma_wait3A_128 : memref<128x64xf32, #tpu.memory_space<hbm>>)
      tpu.yield
    }) : () -> ()
    %mul3A_92 = arith.constant 640 : i32
    %mul3A_93 = arith.muli %arg1, %mul3A_92 : i32
    %add3A_94 = arith.constant 384 : i32
    %add3A_95 = arith.addi %mul3A_93, %add3A_94 : i32
    "tpu.region"() ({
      %run_scoped3A = tpu.sem_alloc : memref<!tpu.dma_semaphore, #tpu.memory_space<semaphore_mem>>
      %dma_start3A_108 = arith.constant 0 : i32
      %dma_start3A_109 = arith.constant 0 : i32
      %dma_start3A_110 = tpu.memref_slice %arg10[%dma_start3A_108, %dma_start3A_109] : memref<128x64xf32, #tpu.memory_space<vmem>> -> memref<128x64xf32, #tpu.memory_space<vmem>>
      %dma_start3A_111 = arith.constant 0 : i32
      %dma_start3A_112 = tpu.memref_slice %arg6[%add3A_95, %dma_start3A_111] : memref<10240x64xf32, #tpu.memory_space<vmem_shared>> -> memref<128x64xf32, #tpu.memory_space<vmem_shared>>
      %dma_start3A_113 = arith.constant 0 : i32
      %dma_start3A_114 = arith.constant 0 : i32
      %dma_start3A_115 = tpu.memref_slice %arg10[%dma_start3A_113, %dma_start3A_114] : memref<128x64xf32, #tpu.memory_space<vmem>> -> memref<128x64xf32, #tpu.memory_space<vmem>>
      %dma_start3A_116 = arith.constant 0 : i32
      %dma_start3A_117 = tpu.memref_slice %arg6[%add3A_95, %dma_start3A_116] : memref<10240x64xf32, #tpu.memory_space<vmem_shared>> -> memref<128x64xf32, #tpu.memory_space<vmem_shared>>
      tpu.enqueue_dma source(%dma_start3A_117 : memref<128x64xf32, #tpu.memory_space<vmem_shared>>) target(%dma_start3A_115 : memref<128x64xf32, #tpu.memory_space<vmem>>) target_semaphore(%run_scoped3A : memref<!tpu.dma_semaphore, #tpu.memory_space<semaphore_mem>>)
      %dma_wait3A_118 = arith.constant 0 : i32
      %dma_wait3A_119 = arith.constant 0 : i32
      %dma_wait3A_120 = tpu.memref_slice %arg10[%dma_wait3A_118, %dma_wait3A_119] : memref<128x64xf32, #tpu.memory_space<vmem>> -> memref<128x64xf32, #tpu.memory_space<vmem>>
      %dma_wait3A_121 = arith.constant 0 : i32
      %dma_wait3A_122 = tpu.memref_slice %arg6[%add3A_95, %dma_wait3A_121] : memref<10240x64xf32, #tpu.memory_space<vmem_shared>> -> memref<128x64xf32, #tpu.memory_space<vmem_shared>>
      %dma_wait3A_123 = arith.constant 0 : i32
      %dma_wait3A_124 = arith.constant 0 : i32
      %dma_wait3A_125 = tpu.memref_slice %arg10[%dma_wait3A_123, %dma_wait3A_124] : memref<128x64xf32, #tpu.memory_space<vmem>> -> memref<128x64xf32, #tpu.memory_space<vmem>>
      %dma_wait3A_126 = arith.constant 0 : i32
      %dma_wait3A_127 = tpu.memref_slice %arg6[%add3A_95, %dma_wait3A_126] : memref<10240x64xf32, #tpu.memory_space<vmem_shared>> -> memref<128x64xf32, #tpu.memory_space<vmem_shared>>
      tpu.wait_dma2 semaphore(%run_scoped3A : memref<!tpu.dma_semaphore, #tpu.memory_space<semaphore_mem>>) src(%dma_wait3A_127 : memref<128x64xf32, #tpu.memory_space<vmem_shared>>) dst(%dma_wait3A_125 : memref<128x64xf32, #tpu.memory_space<vmem>>)
      tpu.yield
    }) : () -> ()
    %mul3A_96 = arith.constant 640 : i32
    %mul3A_97 = arith.muli %arg1, %mul3A_96 : i32
    %add3A_98 = arith.constant 384 : i32
    %add3A_99 = arith.addi %mul3A_97, %add3A_98 : i32
    "tpu.region"() ({
      %run_scoped3A = tpu.sem_alloc : memref<!tpu.dma_semaphore, #tpu.memory_space<semaphore_mem>>
      %dma_start3A_108 = arith.constant 0 : i32
      %dma_start3A_109 = arith.constant 0 : i32
      %dma_start3A_110 = tpu.memref_slice %arg10[%dma_start3A_108, %dma_start3A_109] : memref<128x64xf32, #tpu.memory_space<vmem>> -> memref<128x64xf32, #tpu.memory_space<vmem>>
      %dma_start3A_111 = arith.constant 0 : i32
      %dma_start3A_112 = tpu.memref_slice %arg5[%arg0, %add3A_99, %dma_start3A_111] : memref<2x10240x64xf32, #tpu.memory_space<hbm>> -> memref<1x128x64xf32, #tpu.memory_space<hbm>>
      %dma_start3A_113 = tpu.memref_squeeze %dma_start3A_112 : memref<1x128x64xf32, #tpu.memory_space<hbm>> -> memref<128x64xf32, #tpu.memory_space<hbm>>
      %dma_start3A_114 = arith.constant 0 : i32
      %dma_start3A_115 = tpu.memref_slice %arg5[%arg0, %add3A_99, %dma_start3A_114] : memref<2x10240x64xf32, #tpu.memory_space<hbm>> -> memref<1x128x64xf32, #tpu.memory_space<hbm>>
      %dma_start3A_116 = tpu.memref_squeeze %dma_start3A_115 : memref<1x128x64xf32, #tpu.memory_space<hbm>> -> memref<128x64xf32, #tpu.memory_space<hbm>>
      %dma_start3A_117 = arith.constant 0 : i32
      %dma_start3A_118 = arith.constant 0 : i32
      %dma_start3A_119 = tpu.memref_slice %arg10[%dma_start3A_117, %dma_start3A_118] : memref<128x64xf32, #tpu.memory_space<vmem>> -> memref<128x64xf32, #tpu.memory_space<vmem>>
      tpu.enqueue_dma source(%dma_start3A_119 : memref<128x64xf32, #tpu.memory_space<vmem>>) target(%dma_start3A_116 : memref<128x64xf32, #tpu.memory_space<hbm>>) target_semaphore(%run_scoped3A : memref<!tpu.dma_semaphore, #tpu.memory_space<semaphore_mem>>)
      %dma_wait3A_120 = arith.constant 0 : i32
      %dma_wait3A_121 = arith.constant 0 : i32
      %dma_wait3A_122 = tpu.memref_slice %arg10[%dma_wait3A_120, %dma_wait3A_121] : memref<128x64xf32, #tpu.memory_space<vmem>> -> memref<128x64xf32, #tpu.memory_space<vmem>>
      %dma_wait3A_123 = arith.constant 0 : i32
      %dma_wait3A_124 = tpu.memref_slice %arg5[%arg0, %add3A_99, %dma_wait3A_123] : memref<2x10240x64xf32, #tpu.memory_space<hbm>> -> memref<1x128x64xf32, #tpu.memory_space<hbm>>
      %dma_wait3A_125 = tpu.memref_squeeze %dma_wait3A_124 : memref<1x128x64xf32, #tpu.memory_space<hbm>> -> memref<128x64xf32, #tpu.memory_space<hbm>>
      %dma_wait3A_126 = arith.constant 0 : i32
      %dma_wait3A_127 = tpu.memref_slice %arg5[%arg0, %add3A_99, %dma_wait3A_126] : memref<2x10240x64xf32, #tpu.memory_space<hbm>> -> memref<1x128x64xf32, #tpu.memory_space<hbm>>
      %dma_wait3A_128 = tpu.memref_squeeze %dma_wait3A_127 : memref<1x128x64xf32, #tpu.memory_space<hbm>> -> memref<128x64xf32, #tpu.memory_space<hbm>>
      %dma_wait3A_129 = arith.constant 0 : i32
      %dma_wait3A_130 = arith.constant 0 : i32
      %dma_wait3A_131 = tpu.memref_slice %arg10[%dma_wait3A_129, %dma_wait3A_130] : memref<128x64xf32, #tpu.memory_space<vmem>> -> memref<128x64xf32, #tpu.memory_space<vmem>>
      tpu.wait_dma2 semaphore(%run_scoped3A : memref<!tpu.dma_semaphore, #tpu.memory_space<semaphore_mem>>) src(%dma_wait3A_131 : memref<128x64xf32, #tpu.memory_space<vmem>>) dst(%dma_wait3A_128 : memref<128x64xf32, #tpu.memory_space<hbm>>)
      tpu.yield
    }) : () -> ()
    %mul3A_100 = arith.constant 640 : i32
    %mul3A_101 = arith.muli %arg1, %mul3A_100 : i32
    %add3A_102 = arith.constant 512 : i32
    %add3A_103 = arith.addi %mul3A_101, %add3A_102 : i32
    "tpu.region"() ({
      %run_scoped3A = tpu.sem_alloc : memref<!tpu.dma_semaphore, #tpu.memory_space<semaphore_mem>>
      %dma_start3A_108 = arith.constant 0 : i32
      %dma_start3A_109 = arith.constant 0 : i32
      %dma_start3A_110 = tpu.memref_slice %arg10[%dma_start3A_108, %dma_start3A_109] : memref<128x64xf32, #tpu.memory_space<vmem>> -> memref<128x64xf32, #tpu.memory_space<vmem>>
      %dma_start3A_111 = arith.constant 0 : i32
      %dma_start3A_112 = tpu.memref_slice %arg6[%add3A_103, %dma_start3A_111] : memref<10240x64xf32, #tpu.memory_space<vmem_shared>> -> memref<128x64xf32, #tpu.memory_space<vmem_shared>>
      %dma_start3A_113 = arith.constant 0 : i32
      %dma_start3A_114 = arith.constant 0 : i32
      %dma_start3A_115 = tpu.memref_slice %arg10[%dma_start3A_113, %dma_start3A_114] : memref<128x64xf32, #tpu.memory_space<vmem>> -> memref<128x64xf32, #tpu.memory_space<vmem>>
      %dma_start3A_116 = arith.constant 0 : i32
      %dma_start3A_117 = tpu.memref_slice %arg6[%add3A_103, %dma_start3A_116] : memref<10240x64xf32, #tpu.memory_space<vmem_shared>> -> memref<128x64xf32, #tpu.memory_space<vmem_shared>>
      tpu.enqueue_dma source(%dma_start3A_117 : memref<128x64xf32, #tpu.memory_space<vmem_shared>>) target(%dma_start3A_115 : memref<128x64xf32, #tpu.memory_space<vmem>>) target_semaphore(%run_scoped3A : memref<!tpu.dma_semaphore, #tpu.memory_space<semaphore_mem>>)
      %dma_wait3A_118 = arith.constant 0 : i32
      %dma_wait3A_119 = arith.constant 0 : i32
      %dma_wait3A_120 = tpu.memref_slice %arg10[%dma_wait3A_118, %dma_wait3A_119] : memref<128x64xf32, #tpu.memory_space<vmem>> -> memref<128x64xf32, #tpu.memory_space<vmem>>
      %dma_wait3A_121 = arith.constant 0 : i32
      %dma_wait3A_122 = tpu.memref_slice %arg6[%add3A_103, %dma_wait3A_121] : memref<10240x64xf32, #tpu.memory_space<vmem_shared>> -> memref<128x64xf32, #tpu.memory_space<vmem_shared>>
      %dma_wait3A_123 = arith.constant 0 : i32
      %dma_wait3A_124 = arith.constant 0 : i32
      %dma_wait3A_125 = tpu.memref_slice %arg10[%dma_wait3A_123, %dma_wait3A_124] : memref<128x64xf32, #tpu.memory_space<vmem>> -> memref<128x64xf32, #tpu.memory_space<vmem>>
      %dma_wait3A_126 = arith.constant 0 : i32
      %dma_wait3A_127 = tpu.memref_slice %arg6[%add3A_103, %dma_wait3A_126] : memref<10240x64xf32, #tpu.memory_space<vmem_shared>> -> memref<128x64xf32, #tpu.memory_space<vmem_shared>>
      tpu.wait_dma2 semaphore(%run_scoped3A : memref<!tpu.dma_semaphore, #tpu.memory_space<semaphore_mem>>) src(%dma_wait3A_127 : memref<128x64xf32, #tpu.memory_space<vmem_shared>>) dst(%dma_wait3A_125 : memref<128x64xf32, #tpu.memory_space<vmem>>)
      tpu.yield
    }) : () -> ()
    %mul3A_104 = arith.constant 640 : i32
    %mul3A_105 = arith.muli %arg1, %mul3A_104 : i32
    %add3A_106 = arith.constant 512 : i32
    %add3A_107 = arith.addi %mul3A_105, %add3A_106 : i32
    "tpu.region"() ({
      %run_scoped3A = tpu.sem_alloc : memref<!tpu.dma_semaphore, #tpu.memory_space<semaphore_mem>>
      %dma_start3A_108 = arith.constant 0 : i32
      %dma_start3A_109 = arith.constant 0 : i32
      %dma_start3A_110 = tpu.memref_slice %arg10[%dma_start3A_108, %dma_start3A_109] : memref<128x64xf32, #tpu.memory_space<vmem>> -> memref<128x64xf32, #tpu.memory_space<vmem>>
      %dma_start3A_111 = arith.constant 0 : i32
      %dma_start3A_112 = tpu.memref_slice %arg5[%arg0, %add3A_107, %dma_start3A_111] : memref<2x10240x64xf32, #tpu.memory_space<hbm>> -> memref<1x128x64xf32, #tpu.memory_space<hbm>>
      %dma_start3A_113 = tpu.memref_squeeze %dma_start3A_112 : memref<1x128x64xf32, #tpu.memory_space<hbm>> -> memref<128x64xf32, #tpu.memory_space<hbm>>
      %dma_start3A_114 = arith.constant 0 : i32
      %dma_start3A_115 = tpu.memref_slice %arg5[%arg0, %add3A_107, %dma_start3A_114] : memref<2x10240x64xf32, #tpu.memory_space<hbm>> -> memref<1x128x64xf32, #tpu.memory_space<hbm>>
      %dma_start3A_116 = tpu.memref_squeeze %dma_start3A_115 : memref<1x128x64xf32, #tpu.memory_space<hbm>> -> memref<128x64xf32, #tpu.memory_space<hbm>>
      %dma_start3A_117 = arith.constant 0 : i32
      %dma_start3A_118 = arith.constant 0 : i32
      %dma_start3A_119 = tpu.memref_slice %arg10[%dma_start3A_117, %dma_start3A_118] : memref<128x64xf32, #tpu.memory_space<vmem>> -> memref<128x64xf32, #tpu.memory_space<vmem>>
      tpu.enqueue_dma source(%dma_start3A_119 : memref<128x64xf32, #tpu.memory_space<vmem>>) target(%dma_start3A_116 : memref<128x64xf32, #tpu.memory_space<hbm>>) target_semaphore(%run_scoped3A : memref<!tpu.dma_semaphore, #tpu.memory_space<semaphore_mem>>)
      %dma_wait3A_120 = arith.constant 0 : i32
      %dma_wait3A_121 = arith.constant 0 : i32
      %dma_wait3A_122 = tpu.memref_slice %arg10[%dma_wait3A_120, %dma_wait3A_121] : memref<128x64xf32, #tpu.memory_space<vmem>> -> memref<128x64xf32, #tpu.memory_space<vmem>>
      %dma_wait3A_123 = arith.constant 0 : i32
      %dma_wait3A_124 = tpu.memref_slice %arg5[%arg0, %add3A_107, %dma_wait3A_123] : memref<2x10240x64xf32, #tpu.memory_space<hbm>> -> memref<1x128x64xf32, #tpu.memory_space<hbm>>
      %dma_wait3A_125 = tpu.memref_squeeze %dma_wait3A_124 : memref<1x128x64xf32, #tpu.memory_space<hbm>> -> memref<128x64xf32, #tpu.memory_space<hbm>>
      %dma_wait3A_126 = arith.constant 0 : i32
      %dma_wait3A_127 = tpu.memref_slice %arg5[%arg0, %add3A_107, %dma_wait3A_126] : memref<2x10240x64xf32, #tpu.memory_space<hbm>> -> memref<1x128x64xf32, #tpu.memory_space<hbm>>
      %dma_wait3A_128 = tpu.memref_squeeze %dma_wait3A_127 : memref<1x128x64xf32, #tpu.memory_space<hbm>> -> memref<128x64xf32, #tpu.memory_space<hbm>>
      %dma_wait3A_129 = arith.constant 0 : i32
      %dma_wait3A_130 = arith.constant 0 : i32
      %dma_wait3A_131 = tpu.memref_slice %arg10[%dma_wait3A_129, %dma_wait3A_130] : memref<128x64xf32, #tpu.memory_space<vmem>> -> memref<128x64xf32, #tpu.memory_space<vmem>>
      tpu.wait_dma2 semaphore(%run_scoped3A : memref<!tpu.dma_semaphore, #tpu.memory_space<semaphore_mem>>) src(%dma_wait3A_131 : memref<128x64xf32, #tpu.memory_space<vmem>>) dst(%dma_wait3A_128 : memref<128x64xf32, #tpu.memory_space<hbm>>)
      tpu.yield
    }) : () -> ()
    return
  }
}

module attributes {stable_mosaic.version = 14 : i64} {
  func.func @_tc1_body(%arg0: memref<5120x256xf32, #tpu.memory_space<vmem>>, %arg1: memref<256x128xf32, #tpu.memory_space<vmem>>, %arg2: memref<2x5120x128xf32, #tpu.memory_space<vmem>>, %arg3: memref<5120x128xf32, #tpu.memory_space<vmem>>, %arg4: memref<5120x128xf32, #tpu.memory_space<vmem>>) attributes {dimension_semantics = [], scalar_prefetch = 0 : i64, scratch_operands = 0 : i64, tpu.core_type = #tpu.core_type<tc>} {
    %get3A = arith.constant 0 : index
    %get3A_0 = arith.constant 0 : index
    %get3A_1 = arith.constant 0 : index
    %get3A_2 = vector.load %arg2[%get3A, %get3A_0, %get3A_1] : memref<2x5120x128xf32, #tpu.memory_space<vmem>>, vector<1x5120x128xf32>
    %get3A_3 = vector.shape_cast %get3A_2 : vector<1x5120x128xf32> to vector<5120x128xf32>
    %get3A_4 = arith.constant 1 : index
    %get3A_5 = arith.constant 0 : index
    %get3A_6 = arith.constant 0 : index
    %get3A_7 = vector.load %arg2[%get3A_4, %get3A_5, %get3A_6] : memref<2x5120x128xf32, #tpu.memory_space<vmem>>, vector<1x5120x128xf32>
    %get3A_8 = vector.shape_cast %get3A_7 : vector<1x5120x128xf32> to vector<5120x128xf32>
    %add3A = arith.addf %get3A_3, %get3A_8 : vector<5120x128xf32>
    %add3A_9 = arith.constant 1.000000e+00 : f32
    %add3A_10 = vector.broadcast %add3A_9 : f32 to vector<5120x128xf32>
    %add3A_11 = arith.addf %add3A, %add3A_10 : vector<5120x128xf32>
    %max3A = arith.constant 1.000000e+00 : f32
    %max3A_12 = vector.broadcast %max3A : f32 to vector<5120x128xf32>
    %max3A_13 = arith.maximumf %add3A_11, %max3A_12 : vector<5120x128xf32>
    %rsqrt3A = math.rsqrt %max3A_13 : vector<5120x128xf32>
    %swap3A = arith.constant 0 : index
    %swap3A_14 = arith.constant 0 : index
    %swap3A_15 = vector.load %arg4[%swap3A, %swap3A_14] : memref<5120x128xf32, #tpu.memory_space<vmem>>, vector<5120x128xf32>
    tpu.vector_store %arg4[%swap3A, %swap3A_14], %rsqrt3A {strides = array<i32>} : memref<5120x128xf32, #tpu.memory_space<vmem>>, vector<5120x128xf32>,
    %get3A_16 = arith.constant 0 : index
    %get3A_17 = arith.constant 0 : index
    %get3A_18 = vector.load %arg0[%get3A_16, %get3A_17] : memref<5120x256xf32, #tpu.memory_space<vmem>>, vector<5120x256xf32>
    %get3A_19 = arith.constant 0 : index
    %get3A_20 = arith.constant 0 : index
    %get3A_21 = vector.load %arg1[%get3A_19, %get3A_20] : memref<256x128xf32, #tpu.memory_space<vmem>>, vector<256x128xf32>
    %dot_general3A = arith.constant dense<0.000000e+00> : vector<5120x128xf32>
    %dot_general3A_22 = tpu.matmul %get3A_18, %get3A_21, %dot_general3A {dimension_numbers = #tpu.dot_dimension_numbers<[1], [0], [0], [1], [0, 0, 1, 1], [], []>, transpose_lhs_hint = false} : vector<5120x256xf32>, vector<256x128xf32>, vector<5120x128xf32> -> vector<5120x128xf32>
    %mul3A = arith.mulf %rsqrt3A, %dot_general3A_22 : vector<5120x128xf32>
    %swap3A_23 = arith.constant 0 : index
    %swap3A_24 = arith.constant 0 : index
    %swap3A_25 = vector.load %arg3[%swap3A_23, %swap3A_24] : memref<5120x128xf32, #tpu.memory_space<vmem>>, vector<5120x128xf32>
    tpu.vector_store %arg3[%swap3A_23, %swap3A_24], %mul3A {strides = array<i32>} : memref<5120x128xf32, #tpu.memory_space<vmem>>, vector<5120x128xf32>,
    return
  }
}

module attributes {stable_mosaic.version = 14 : i64} {
  func.func @_tc2_body(%arg0: memref<2x5120x128xf32, #tpu.memory_space<vmem>>, %arg1: memref<5120x128xf32, #tpu.memory_space<vmem>>, %arg2: memref<5120x128xf32, #tpu.memory_space<vmem>>, %arg3: memref<1x128xf32, #tpu.memory_space<vmem>>, %arg4: memref<128x128xf32, #tpu.memory_space<vmem>>, %arg5: memref<5120x128xf32, #tpu.memory_space<vmem>>) attributes {dimension_semantics = [], scalar_prefetch = 0 : i64, scratch_operands = 0 : i64, tpu.core_type = #tpu.core_type<tc>} {
    %get3A = arith.constant 0 : index
    %get3A_0 = arith.constant 0 : index
    %get3A_1 = arith.constant 0 : index
    %get3A_2 = vector.load %arg0[%get3A, %get3A_0, %get3A_1] : memref<2x5120x128xf32, #tpu.memory_space<vmem>>, vector<1x5120x128xf32>
    %get3A_3 = vector.shape_cast %get3A_2 : vector<1x5120x128xf32> to vector<5120x128xf32>
    %get3A_4 = arith.constant 1 : index
    %get3A_5 = arith.constant 0 : index
    %get3A_6 = arith.constant 0 : index
    %get3A_7 = vector.load %arg0[%get3A_4, %get3A_5, %get3A_6] : memref<2x5120x128xf32, #tpu.memory_space<vmem>>, vector<1x5120x128xf32>
    %get3A_8 = vector.shape_cast %get3A_7 : vector<1x5120x128xf32> to vector<5120x128xf32>
    %add3A = arith.addf %get3A_3, %get3A_8 : vector<5120x128xf32>
    %get3A_9 = arith.constant 0 : index
    %get3A_10 = arith.constant 0 : index
    %get3A_11 = vector.load %arg1[%get3A_9, %get3A_10] : memref<5120x128xf32, #tpu.memory_space<vmem>>, vector<5120x128xf32>
    %add3A_12 = arith.addf %add3A, %get3A_11 : vector<5120x128xf32>
    %get3A_13 = arith.constant 0 : index
    %get3A_14 = arith.constant 0 : index
    %get3A_15 = vector.load %arg2[%get3A_13, %get3A_14] : memref<5120x128xf32, #tpu.memory_space<vmem>>, vector<5120x128xf32>
    %mul3A = arith.mulf %get3A_15, %add3A_12 : vector<5120x128xf32>
    %get3A_16 = arith.constant 0 : index
    %get3A_17 = arith.constant 0 : index
    %get3A_18 = vector.load %arg3[%get3A_16, %get3A_17] : memref<1x128xf32, #tpu.memory_space<vmem>>, vector<1x128xf32>
    %add3A_19 = vector.broadcast %get3A_18 : vector<1x128xf32> to vector<5120x128xf32>
    %add3A_20 = arith.addf %mul3A, %add3A_19 : vector<5120x128xf32>
    %max3A = arith.constant 0.000000e+00 : f32
    %max3A_21 = vector.broadcast %max3A : f32 to vector<5120x128xf32>
    %max3A_22 = arith.maximumf %add3A_20, %max3A_21 : vector<5120x128xf32>
    %get3A_23 = arith.constant 0 : index
    %get3A_24 = arith.constant 0 : index
    %get3A_25 = vector.load %arg2[%get3A_23, %get3A_24] : memref<5120x128xf32, #tpu.memory_space<vmem>>, vector<5120x128xf32>
    %get3A_26 = arith.constant 0 : index
    %get3A_27 = arith.constant 0 : index
    %get3A_28 = vector.load %arg4[%get3A_26, %get3A_27] : memref<128x128xf32, #tpu.memory_space<vmem>>, vector<128x128xf32>
    %dot_general3A = arith.constant dense<0.000000e+00> : vector<5120x128xf32>
    %dot_general3A_29 = tpu.matmul %max3A_22, %get3A_28, %dot_general3A {dimension_numbers = #tpu.dot_dimension_numbers<[1], [0], [0], [1], [0, 0, 1, 1], [], []>, transpose_lhs_hint = false} : vector<5120x128xf32>, vector<128x128xf32>, vector<5120x128xf32> -> vector<5120x128xf32>
    %mul3A_30 = arith.mulf %get3A_25, %dot_general3A_29 : vector<5120x128xf32>
    %swap3A = arith.constant 0 : index
    %swap3A_31 = arith.constant 0 : index
    %swap3A_32 = vector.load %arg5[%swap3A, %swap3A_31] : memref<5120x128xf32, #tpu.memory_space<vmem>>, vector<5120x128xf32>
    tpu.vector_store %arg5[%swap3A, %swap3A_31], %mul3A_30 {strides = array<i32>} : memref<5120x128xf32, #tpu.memory_space<vmem>>, vector<5120x128xf32>,
    return
  }
}

module attributes {stable_mosaic.version = 14 : i64} {
  func.func @_tc3_body(%arg0: memref<2x5120x128xf32, #tpu.memory_space<vmem>>, %arg1: memref<5120x128xf32, #tpu.memory_space<vmem>>, %arg2: memref<5120x128xf32, #tpu.memory_space<vmem>>, %arg3: memref<1x128xf32, #tpu.memory_space<vmem>>, %arg4: memref<5120x2xi32, #tpu.memory_space<vmem>>, %arg5: memref<64x64xf32, #tpu.memory_space<vmem>>, %arg6: memref<1x64xf32, #tpu.memory_space<vmem>>, %arg7: memref<64x1xf32, #tpu.memory_space<vmem>>, %arg8: memref<1x1xf32, #tpu.memory_space<vmem>>, %arg9: memref<64x1xf32, #tpu.memory_space<vmem>>) attributes {dimension_semantics = [], scalar_prefetch = 0 : i64, scratch_operands = 0 : i64, tpu.core_type = #tpu.core_type<tc>} {
    %get3A = arith.constant 0 : index
    %get3A_0 = arith.constant 0 : index
    %get3A_1 = vector.load %arg2[%get3A, %get3A_0] : memref<5120x128xf32, #tpu.memory_space<vmem>>, vector<5120x128xf32>
    %get3A_2 = arith.constant 0 : index
    %get3A_3 = arith.constant 0 : index
    %get3A_4 = arith.constant 0 : index
    %get3A_5 = vector.load %arg0[%get3A_2, %get3A_3, %get3A_4] : memref<2x5120x128xf32, #tpu.memory_space<vmem>>, vector<1x5120x128xf32>
    %get3A_6 = vector.shape_cast %get3A_5 : vector<1x5120x128xf32> to vector<5120x128xf32>
    %get3A_7 = arith.constant 1 : index
    %get3A_8 = arith.constant 0 : index
    %get3A_9 = arith.constant 0 : index
    %get3A_10 = vector.load %arg0[%get3A_7, %get3A_8, %get3A_9] : memref<2x5120x128xf32, #tpu.memory_space<vmem>>, vector<1x5120x128xf32>
    %get3A_11 = vector.shape_cast %get3A_10 : vector<1x5120x128xf32> to vector<5120x128xf32>
    %add3A = arith.addf %get3A_6, %get3A_11 : vector<5120x128xf32>
    %get3A_12 = arith.constant 0 : index
    %get3A_13 = arith.constant 0 : index
    %get3A_14 = vector.load %arg1[%get3A_12, %get3A_13] : memref<5120x128xf32, #tpu.memory_space<vmem>>, vector<5120x128xf32>
    %add3A_15 = arith.addf %add3A, %get3A_14 : vector<5120x128xf32>
    %mul3A = arith.mulf %get3A_1, %add3A_15 : vector<5120x128xf32>
    %get3A_16 = arith.constant 0 : index
    %get3A_17 = arith.constant 0 : index
    %get3A_18 = vector.load %arg3[%get3A_16, %get3A_17] : memref<1x128xf32, #tpu.memory_space<vmem>>, vector<1x128xf32>
    %add3A_19 = vector.broadcast %get3A_18 : vector<1x128xf32> to vector<5120x128xf32>
    %add3A_20 = arith.addf %mul3A, %add3A_19 : vector<5120x128xf32>
    %max3A = arith.constant 0.000000e+00 : f32
    %max3A_21 = vector.broadcast %max3A : f32 to vector<5120x128xf32>
    %max3A_22 = arith.maximumf %add3A_20, %max3A_21 : vector<5120x128xf32>
    %iota3A = tpu.iota {dimensions = array<i32: 1>} : vector<5120x128xi32>
    %get3A_23 = arith.constant 0 : index
    %get3A_24 = arith.constant 0 : index
    %get3A_25 = vector.load %arg4[%get3A_23, %get3A_24] : memref<5120x2xi32, #tpu.memory_space<vmem>>, vector<5120x2xi32>
    %slice3A = vector.extract_strided_slice %get3A_25 {offsets = [0, 0], sizes = [5120, 1], strides = [1, 1]} : vector<5120x2xi32> to vector<5120x1xi32>
    %get3A_26 = arith.constant 0 : index
    %get3A_27 = arith.constant 0 : index
    %get3A_28 = vector.load %arg4[%get3A_26, %get3A_27] : memref<5120x2xi32, #tpu.memory_space<vmem>>, vector<5120x2xi32>
    %slice3A_29 = vector.extract_strided_slice %get3A_28 {offsets = [0, 1], sizes = [5120, 1], strides = [1, 1]} : vector<5120x2xi32> to vector<5120x1xi32>
    %lt3A = arith.constant 64 : i32
    %lt3A_30 = vector.broadcast %lt3A : i32 to vector<5120x128xi32>
    %lt3A_31 = arith.cmpi slt, %iota3A, %lt3A_30 : vector<5120x128xi32>
    %convert_element_type3A = arith.extui %lt3A_31 : vector<5120x128xi1> to vector<5120x128xi32>
    %convert_element_type3A_32 = arith.sitofp %convert_element_type3A : vector<5120x128xi32> to vector<5120x128xf32>
    %eq3A = vector.broadcast %slice3A : vector<5120x1xi32> to vector<5120x128xi32>
    %eq3A_33 = arith.cmpi eq, %eq3A, %iota3A : vector<5120x128xi32>
    %convert_element_type3A_34 = arith.extui %eq3A_33 : vector<5120x128xi1> to vector<5120x128xi32>
    %convert_element_type3A_35 = arith.sitofp %convert_element_type3A_34 : vector<5120x128xi32> to vector<5120x128xf32>
    %sub3A = arith.constant 64 : i32
    %sub3A_36 = vector.broadcast %sub3A : i32 to vector<5120x128xi32>
    %sub3A_37 = arith.subi %iota3A, %sub3A_36 : vector<5120x128xi32>
    %eq3A_38 = vector.broadcast %slice3A_29 : vector<5120x1xi32> to vector<5120x128xi32>
    %eq3A_39 = arith.cmpi eq, %eq3A_38, %sub3A_37 : vector<5120x128xi32>
    %convert_element_type3A_40 = arith.extui %eq3A_39 : vector<5120x128xi1> to vector<5120x128xi32>
    %convert_element_type3A_41 = arith.sitofp %convert_element_type3A_40 : vector<5120x128xi32> to vector<5120x128xf32>
    %mul3A_42 = arith.mulf %convert_element_type3A_32, %convert_element_type3A_35 : vector<5120x128xf32>
    %sub3A_43 = arith.constant 1.000000e+00 : f32
    %sub3A_44 = vector.broadcast %sub3A_43 : f32 to vector<5120x128xf32>
    %sub3A_45 = arith.subf %sub3A_44, %convert_element_type3A_32 : vector<5120x128xf32>
    %mul3A_46 = arith.mulf %sub3A_45, %convert_element_type3A_41 : vector<5120x128xf32>
    %add3A_47 = arith.addf %mul3A_42, %mul3A_46 : vector<5120x128xf32>
    %dot_general3A = arith.constant dense<0.000000e+00> : vector<128x128xf32>
    %dot_general3A_48 = tpu.matmul %add3A_47, %max3A_22, %dot_general3A {dimension_numbers = #tpu.dot_dimension_numbers<[0], [0], [1], [1], [0, 1, 1, 1], [], []>, transpose_lhs_hint = false} : vector<5120x128xf32>, vector<5120x128xf32>, vector<128x128xf32> -> vector<128x128xf32>
    %slice3A_49 = vector.extract_strided_slice %dot_general3A_48 {offsets = [0, 0], sizes = [64, 64], strides = [1, 1]} : vector<128x128xf32> to vector<64x64xf32>
    %slice3A_50 = vector.extract_strided_slice %dot_general3A_48 {offsets = [64, 64], sizes = [64, 64], strides = [1, 1]} : vector<128x128xf32> to vector<64x64xf32>
    %add3A_51 = arith.addf %slice3A_49, %slice3A_50 : vector<64x64xf32>
    %broadcast_in_dim3A = arith.constant 1.000000e+00 : f32
    %broadcast_in_dim3A_52 = vector.broadcast %broadcast_in_dim3A : f32 to vector<5120x1xf32>
    %dot_general3A_53 = arith.constant dense<0.000000e+00> : vector<128x1xf32>
    %dot_general3A_54 = tpu.matmul %add3A_47, %broadcast_in_dim3A_52, %dot_general3A_53 {dimension_numbers = #tpu.dot_dimension_numbers<[0], [0], [1], [1], [0, 1, 1, 1], [], []>, transpose_lhs_hint = false} : vector<5120x128xf32>, vector<5120x1xf32>, vector<128x1xf32> -> vector<128x1xf32>
    %slice3A_55 = vector.extract_strided_slice %dot_general3A_54 {offsets = [0, 0], sizes = [64, 1], strides = [1, 1]} : vector<128x1xf32> to vector<64x1xf32>
    %slice3A_56 = vector.extract_strided_slice %dot_general3A_54 {offsets = [64, 0], sizes = [64, 1], strides = [1, 1]} : vector<128x1xf32> to vector<64x1xf32>
    %add3A_57 = arith.addf %slice3A_55, %slice3A_56 : vector<64x1xf32>
    %max3A_58 = arith.constant 1.000000e+00 : f32
    %max3A_59 = vector.broadcast %max3A_58 : f32 to vector<64x1xf32>
    %max3A_60 = arith.maximumf %add3A_57, %max3A_59 : vector<64x1xf32>
    %div3A = vector.broadcast %max3A_60 : vector<64x1xf32> to vector<64x64xf32>
    %div3A_61 = arith.divf %add3A_51, %div3A : vector<64x64xf32>
    %get3A_62 = arith.constant 0 : index
    %get3A_63 = arith.constant 0 : index
    %get3A_64 = vector.load %arg5[%get3A_62, %get3A_63] : memref<64x64xf32, #tpu.memory_space<vmem>>, vector<64x64xf32>
    %dot_general3A_65 = arith.constant dense<0.000000e+00> : vector<64x64xf32>
    %dot_general3A_66 = tpu.matmul %div3A_61, %get3A_64, %dot_general3A_65 {dimension_numbers = #tpu.dot_dimension_numbers<[1], [0], [0], [1], [0, 0, 1, 1], [], []>, transpose_lhs_hint = false} : vector<64x64xf32>, vector<64x64xf32>, vector<64x64xf32> -> vector<64x64xf32>
    %get3A_67 = arith.constant 0 : index
    %get3A_68 = arith.constant 0 : index
    %get3A_69 = vector.load %arg6[%get3A_67, %get3A_68] : memref<1x64xf32, #tpu.memory_space<vmem>>, vector<1x64xf32>
    %add3A_70 = vector.broadcast %get3A_69 : vector<1x64xf32> to vector<64x64xf32>
    %add3A_71 = arith.addf %dot_general3A_66, %add3A_70 : vector<64x64xf32>
    %max3A_72 = arith.constant 0.000000e+00 : f32
    %max3A_73 = vector.broadcast %max3A_72 : f32 to vector<64x64xf32>
    %max3A_74 = arith.maximumf %add3A_71, %max3A_73 : vector<64x64xf32>
    %get3A_75 = arith.constant 0 : index
    %get3A_76 = arith.constant 0 : index
    %get3A_77 = vector.load %arg7[%get3A_75, %get3A_76] : memref<64x1xf32, #tpu.memory_space<vmem>>, vector<64x1xf32>
    %dot_general3A_78 = arith.constant dense<0.000000e+00> : vector<64x1xf32>
    %dot_general3A_79 = tpu.matmul %max3A_74, %get3A_77, %dot_general3A_78 {dimension_numbers = #tpu.dot_dimension_numbers<[1], [0], [0], [1], [0, 0, 1, 1], [], []>, transpose_lhs_hint = false} : vector<64x64xf32>, vector<64x1xf32>, vector<64x1xf32> -> vector<64x1xf32>
    %get3A_80 = arith.constant 0 : index
    %get3A_81 = arith.constant 0 : index
    %get3A_82 = vector.load %arg8[%get3A_80, %get3A_81] : memref<1x1xf32, #tpu.memory_space<vmem>>, vector<1x1xf32>
    %add3A_83 = vector.broadcast %get3A_82 : vector<1x1xf32> to vector<64x1xf32>
    %add3A_84 = arith.addf %dot_general3A_79, %add3A_83 : vector<64x1xf32>
    %swap3A = arith.constant 0 : index
    %swap3A_85 = arith.constant 0 : index
    %swap3A_86 = vector.load %arg9[%swap3A, %swap3A_85] : memref<64x1xf32, #tpu.memory_space<vmem>>, vector<64x1xf32>
    tpu.vector_store %arg9[%swap3A, %swap3A_85], %add3A_84 {strides = array<i32>} : memref<64x1xf32, #tpu.memory_space<vmem>>, vector<64x1xf32>,
    return
  }
}

</mosaic_0001>

<sc_bundles>
// kernel: kernel.11.cloned.1.call-start
scs
__scs_entry_jumppad:
0x0: {  	(pc) =	sbr.rel $0x88, $3  }
0x1: {  	(tag) =	ssettag $0x0;
	lr =	simm.s32 $0x1  }
0x2: {  	[smem:$0x3F96] =	sst lr;
	_ =	strace $0xD0000000  }
0x3: {  	_ = 	snop  }
0x4: {  	_ = 	snop  }
0x5: {  	_ = 	snop  }
0x6: {  	_ = 	snop  }
0x7: {  	_ = 	snop  }
__scs_overlays_trampoline_lowered:
0x8: {  	[smem:$0x3FA5] =	sst s0  }
0x9: {  	[smem:$0x3FA6] =	sst s1  }
0xa: {  	[smem:$0x3FA7] =	sst s2  }
0xb: {  	[smem:$0x3FA8] =	sst s3  }
0xc: {  	[smem:$0x3FA9] =	sst s4  }
0xd: {  	[smem:$0x3FAA] =	sst s5  }
0xe: {  	[smem:$0x3FAB] =	sst s6  }
0xf: {  	[smem:$0x3FAC] =	sst s7  }
0x10: {  	[smem:$0x3FAD] =	sst s8  }
0x11: {  	[smem:$0x3FAE] =	sst s9;
	s0 =	simm.s32 @!p0 $0x0  }
0x12: {  	s1 =	sld [smem:$0x3F94];
	s0 =	simm.s32 @p0 $0x1  }
0x13: {  	[smem:$0x3FAF] =	sst s0;
	s0 =	simm.s32 @!p1 $0x0  }
0x14: {  	s2 =	sld [smem:$0x3F93];
	s0 =	simm.s32 @p1 $0x1  }
0x15: {  	[smem:$0x3FB0] =	sst s0;
	s0 =	simm.s32 @!p2 $0x0  }
0x16: {  	s3 =	sld [smem:$0x3FDB];
	s0 =	simm.s32 @p2 $0x1  }
0x17: {  	s4 =	simm.s32 $0x1BF5;
	[smem:$0x3FB2] =	sst s0  }
0x18: {  	s0 =	sld [smem:$0x3F95];
	_ =	swait.ge [sflag:s4], $0x0  }
0x19: {  	s7 =	sld [smem:$0x3F96]  }
0x1a: {  	s8 =	sadd.s32 $0xFFFFE003, lr  }
0x1b: {  	s9 =	sadd.s32 $0xFFFFFEF7, lr;
	s5 =	simm.s32 $0xFFFFFFFF;
	p2 =	slt.u32 s8, $0xFFFFF086  }
0x1c: {  	p1 =	slt.u32 s9, $0xF7A;
	s5 =	simm.s32 @!p2 $0x0  }
0x1d: {  	s5 =	simm.s32 @p1 $0x1;
	p0 =	seq.s32 s7, s2  }
0x1e: {  	s7 =	smul.u32 @!p0 $0xF7A, s2;
	p2 =	seq.s32 @!p0 s5, $0x0  }
0x1f: {  	s9 =	smul.u32 $0xF7A, s1;
	s8 =	simm.s32 @!p0 $0x1BF5;
	p2 =	por !p2, p0  }
0x20: {  	[sflag:s8] =	ssyncset.s32 @!p0 $0xFFFFF086;
	s6 =	sadd.s32 @!p0 s3, s7;
	s7 =	simm.s32 @!p0 $0x108  }
0x21: {  	s3 =	sadd.s32 s3, s9;
	s6 =	sadd.s32 @!p0 $0x88, s6;
	s7 =	simm.s32 @p2 $0x1082  }
0x22: {  	[simem:s7], [sflag:s8] =	dma.local @!p0 [hbm:s6], $0xF7A  }
0x23: {  	s9 =	sor.u32 $0xD0000000, s2;
	s6 =	simm.s32 $0x108;
	_ =	swait.ge @!p0 [sflag:s8], $0x0  }
0x24: {  	s3 =	sadd.s32 $0x88, s3;
	s6 =	simm.s32 @!p1 $0x1082;
	[sflag:s4] =	ssyncset.s32 $0xFFFFF086  }
0x25: {  	[simem:s6], [sflag:s4] =	dma.local [hbm:s3], $0xF7A  }
0x26: {  	[smem:$0x3F96] =	sst s1;
	(tag) =	ssettag s2;
	_ =	strace s9  }
0x27: {  	s1 =	sld [smem:$0x3FA6]  }
0x28: {  	s2 =	sld [smem:$0x3FA7]  }
0x29: {  	s4 =	sld [smem:$0x3FA9]  }
0x2a: {  	p0 =	seq.s32 s5, $0x0;
	s5 =	sld [smem:$0x3FAA]  }
0x2b: {  	s6 =	sld [smem:$0x3FAB]  }
0x2c: {  	s7 =	sld [smem:$0x3FAC]  }
0x2d: {  	s3 =	simm.s32 $0x108;
	s8 =	sld [smem:$0x3FAD]  }
0x2e: {  	s3 =	simm.s32 @!p0 $0x1082;
	s9 =	sld [smem:$0x3FAE]  }
0x2f: {  	lr =	sadd.s32 s0, s3;
	s0 =	sld [smem:$0x3FA5]  }
0x30: {  	s3 =	sld [smem:$0x3FA8]  }
0x31: {  	[smem:$0x3FB1] =	sst s10  }
0x32: {  	s10 =	sld [smem:$0x3FAF];
	_ =	sdelay $0x3  }
0x33: {  	p0 =	seq.s32 s10, $0x1;
	s10 =	sld [smem:$0x3FB1];
	_ =	sdelay $0x3  }
0x34: {  	[smem:$0x3FB1] =	sst s10  }
0x35: {  	s10 =	sld [smem:$0x3FB0];
	_ =	sdelay $0x3  }
0x36: {  	p1 =	seq.s32 s10, $0x1;
	s10 =	sld [smem:$0x3FB1];
	_ =	sdelay $0x3  }
0x37: {  	[smem:$0x3FB1] =	sst s10  }
0x38: {  	s10 =	sld [smem:$0x3FB2]  }
0x39: {  	_ = 	snop;
	(pc) =	sbr.ind lr, $3  }
0x3a: {  	_ = 	snop  }
0x3b: {  	_ = 	snop  }
0x3c: {  	p2 =	seq.s32 s10, $0x1;
	s10 =	sld [smem:$0x3FB1]  }
0x3d: {  	_ =	shalt  }
0x3e: {  	_ =	shalt  }
0x3f: {  	_ =	shalt  }
0x40: {  	_ =	shalt  }
0x41: {  	_ =	shalt  }
0x42: {  	_ =	shalt  }
0x43: {  	_ =	shalt  }
0x44: {  	_ =	shalt  }
0x45: {  	_ =	shalt  }
0x46: {  	_ =	shalt  }
0x47: {  	_ =	shalt  }
0x48: {  	_ =	shalt  }
0x49: {  	_ =	shalt  }
0x4a: {  	_ =	shalt  }
0x4b: {  	_ =	shalt  }
0x4c: {  	_ =	shalt  }
0x4d: {  	_ =	shalt  }
0x4e: {  	_ =	shalt  }
0x4f: {  	_ =	shalt  }
0x50: {  	_ =	shalt  }
0x51: {  	_ =	shalt  }
0x52: {  	_ =	shalt  }
0x53: {  	_ =	shalt  }
0x54: {  	_ =	shalt  }
0x55: {  	_ =	shalt  }
0x56: {  	_ =	shalt  }
0x57: {  	_ =	shalt  }
0x58: {  	_ =	shalt  }
0x59: {  	_ =	shalt  }
0x5a: {  	_ =	shalt  }
0x5b: {  	_ =	shalt  }
0x5c: {  	_ =	shalt  }
0x5d: {  	_ =	shalt  }
0x5e: {  	_ =	shalt  }
0x5f: {  	_ =	shalt  }
0x60: {  	_ =	shalt  }
0x61: {  	_ =	shalt  }
0x62: {  	_ =	shalt  }
0x63: {  	_ =	shalt  }
0x64: {  	_ =	shalt  }
0x65: {  	_ =	shalt  }
0x66: {  	_ =	shalt  }
0x67: {  	_ =	shalt  }
0x68: {  	_ =	shalt  }
0x69: {  	_ =	shalt  }
0x6a: {  	_ =	shalt  }
0x6b: {  	_ =	shalt  }
0x6c: {  	_ =	shalt  }
0x6d: {  	_ =	shalt  }
0x6e: {  	_ =	shalt  }
0x6f: {  	_ =	shalt  }
0x70: {  	_ =	shalt  }
0x71: {  	_ =	shalt  }
0x72: {  	_ =	shalt  }
0x73: {  	_ =	shalt  }
0x74: {  	_ =	shalt  }
0x75: {  	_ =	shalt  }
0x76: {  	_ =	shalt  }
0x77: {  	_ =	shalt  }
0x78: {  	_ =	shalt  }
0x79: {  	_ =	shalt  }
0x7a: {  	_ =	shalt  }
0x7b: {  	_ =	shalt  }
0x7c: {  	_ =	shalt  }
0x7d: {  	_ =	shalt  }
0x7e: {  	_ =	shalt  }
0x7f: {  	_ =	shalt  }
0x80: {  	_ =	shalt  }
0x81: {  	_ =	shalt  }
0x82: {  	_ =	shalt  }
0x83: {  	_ =	shalt  }
0x84: {  	_ =	shalt  }
0x85: {  	_ =	shalt  }
0x86: {  	_ =	shalt  }
0x87: {  	_ =	shalt  }
.Lfunc_end0:
.L_simem_size_0:
called_computation.1_lowered:
.L_overlay_start_0:
0x88: {  	s2 =	sld [smem:$0x3FD9]  }
0x89: {  	s3 =	sld [smem:$0x3FFE];
	_ =	sdelay $0x1  }
0x8a: {  	s1 =	srdreg.scid  }
0x8b: {  	s0 =	sand.u32 $0x1, s1  }
0x8c: {  	s16 =	sshll.u32 s0, $0xA;
	s2 =	sadd.s32 s3, s2  }
0x8d: {  	s2 =	sadd.s32 s2, s16  }
0x8e: {  	[smem:$0x3FBD] =	sst s2  }
0x8f: {  	_ = 	snop  }
0x90: {  	(tm) =	ssettm $0x1  }
0x91: {  	s17 =	sld [smem:$0x3FFB];
	_ =	sdelay $0x3  }
0x92: {  	_ =	strace s17  }
0x93: {  	s2 =	sld [smem:$0x3FFC];
	_ =	sdelay $0x3  }
0x94: {  	_ =	strace s2  }
0x95: {  	s2 =	sld [smem:$0x3FFD];
	_ =	sdelay $0x3  }
0x96: {  	_ =	strace s2  }
0x97: {  	_ =	strace $0x8FFFFFFF  }
0x98: {  	s18 =	sld [smem:$0x3FDB];
	_ =	sdelay $0x1  }
0x99: {  	s19 =	simm.s32 $_scs_section_size  }
0x9a: {  	s4 =	simm.s32 $_size__tile_overlayer_lowered;
	s5 =	simm.s32 $_tile_overlayer_lowered  }
0x9b: {  	s22 =	simm.s32 $0x1BFF;
	s21 =	sshll.u32 s5, $0x1;
	s2 =	sadd.s32 s19, s18  }
0x9c: {  	s6 =	simm.s32 $0x0;
	s20 =	sshll.u32 s4, $0x1;
	s4 =	sadd.s32 s21, s2  }
0x9d: {  	[timem:s6], [sflag:s22] =	dma.local [hbm:s4], s20  }
0x9e: {  	_ =	swait.ge [sflag:s22], s20  }
0x9f: {  	s3 =	ssub.s32 $0x0, s20;
	[sflag:s22] =	ssyncset.done $0x0  }
0xa0: {  	[sflag:s22] =	ssyncadd.s32 s3;
	_ =	sdelay $0x1  }
0xa1: {  	s23 =	simm.s32 $0x1B8B  }
0xa2: {  	_ =	swait.ge [sflag:s23], $0x1  }
0xa3: {  	[sflag:s23] =	ssyncset.done $0x0  }
0xa4: {  	s25 =	simm.s32 $0x1B8E;
	s24 =	sld [smem:$0x3FFE];
	[sflag:s23] =	ssyncadd.s32 $0xFFFFFFFF  }
0xa5: {  	s26 =	simm.s32 $execute0_lowered;
	[smem:$0x3FD2] =	sst s25  }
0xa6: {  	s4 =	sshll.u32 s26, $0x1;
	_ =	strace $0x80000049;
	[dreg:$0x1] =	wrdreg $0xFFFFFFFF  }
0xa7: {  	s28 =	simm.s32 $_size_execute0_lowered;
	s2 =	sadd.s32 s2, s4;
	[dreg:$0x0] =	wrdreg $0x0  }
0xa8: {  	s4 =	sshll.u32 s28, $0x1;
	[dreg:$0x2] =	wrdreg s2  }
0xa9: {  	[dreg:$0x3] =	wrdreg s4  }
0xaa: {  	[dreg:$0x4] =	wrdreg $0xC0  }
0xab: {  	_ =	task [dreg:s6], $0x5FFFF  }
0xac: {  	[dreg:$0x1] =	wrdreg $0xFFFFFFFF  }
0xad: {  	[dreg:$0x0] =	wrdreg $0x60  }
0xae: {  	[dreg:$0x2] =	wrdreg s24  }
0xaf: {  	[dreg:$0x3] =	wrdreg $0xA0000  }
0xb0: {  	[dreg:$0x4] =	wrdreg $0x0  }
0xb1: {  	[dreg:$0x5] =	wrdreg $0x9  }
0xb2: {  	_ =	task.clear_ibuf [dreg:s6], $0x6FFFF;
	_ =	strace $0x90000049  }
0xb3: {  	s29 =	simm.s32 $0x9;
	_ =	strace $0x8000004B  }
0xb4: {  	_ =	swait.ge [sflag:s29], $0x1  }
0xb5: {  	[sflag:s29] =	ssyncadd.s32 $0xFFFFFFFF  }
0xb6: {  	_ =	strace $0x9000004B  }
0xb7: {  	_ =	sfence  }
0xb8: {  	s30 =	sld [smem:$0x0];
	_ =	sdelay $0x2  }
0xb9: {  	s31 =	sshll.u32 s1, $0xD;
	s1 =	sshrl.u32 s1, $0x2  }
0xba: {  	s3 =	sand.u32 $0x4000, s31;
	s1 =	sadd.s32 s1, s30  }
0xbb: {  	s0 =	sor.u32 s3, s0;
	s1 =	sshll.u32 s1, $0x11  }
0xbc: {  	s0 =	sor.u32 s1, s0  }
0xbd: {  	s0 =	sadd.s32 $0x8F2B, s0  }
0xbe: {  	[sflag:s0] =	ssyncadd.remote.s32 $0x1  }
0xbf: {  	_ =	sfence.sel $0xFFFF  }
0xc0: {  	[dreg:$0x0] =	wrdreg $0xFFFFFFFF;
	(pc) =	sbr.abs _section_cstart, $3  }
0xc1: {  	[dreg:$0x1] =	wrdreg $0xFFFFFFFF  }
0xc2: {  	_ =	task.clear_ibuf [dreg:s6], $0x2FFFF;
	_ =	strace $0x9FFFFFFF  }
0xc3: {  	(tm) =	ssettm $0x7FFFFFFF  }
tec
execute0_lowered:
.L_overlay_start_1:
0x0: {  	(tag) =	ssettag $0x1  }
0x1: {  	s0 =	rddreg [dreg:$0x0];
	s1 =	srdreg.scid  }
0x2: {  	s2 =	rddreg [dreg:$0x1];
	s9 =	stileid.u32  }
0x3: {  	s3 =	rddreg [dreg:$0x2];
	s4 =	simm.s32 $0x0;
	s21 =	simm.s32 $0x19000  }
0x4: {  	s29 =	simm.s32 $0x1B000;
	s30 =	simm.s32 $0x1;
	s6 =	smul.u32 $0x2800, s9  }
0x5: {  	s31 =	simm.s32 $0x3;
	s1 =	sand.u32 $0x1, s1;
	s12 =	smul.u32 $0xA000, s9  }
0x6: {  	[smem:$0x7FF] =	sst s4;
	s24 =	sshll.u32 s9, $0x6;
	s5 =	smul.u32 $0x28000, s1  }
0x7: {  	_ =	strace $0x8000004A;
	s22 =	ssub.s32 $0x2, s1;
	s1 =	smul.u32 $0xA0000, s1  }
0x8: {  	s7 =	sshrl.u32 s12, $0x3;
	s8 =	sshrl.u32 s22, $0x1;
	s20 =	sadd.s32 s12, s2  }
0x9: {  	s13 =	sadd.s32 $0x2000, s12;
	s16 =	sadd.s32 $0x4000, s12;
	s17 =	sadd.s32 $0x6000, s12  }
0xa: {  	s18 =	sadd.s32 $0x8000, s12;
	s5 =	sadd.s32 s6, s5;
	s7 =	sadd.s32 s7, s0  }
0xb: {  	s19 =	ssub.s32 s22, s8;
	s6 =	sor.u32 $0x1C05, s24;
	s8 =	sadd.s32 s13, s3  }
0xc: {  	s9 =	sadd.s32 s16, s3;
	s10 =	sadd.s32 s17, s3;
	s11 =	sadd.s32 s18, s3  }
0xd: {  	s14 =	sadd.s32 s12, s1;
	s15 =	sadd.s32 s1, s13;
	s26 =	sadd.s32 s1, s16  }
0xe: {  	s28 =	sadd.s32 s1, s17;
	s1 =	sadd.s32 s1, s18;
	s20 =	sshrl.u32 s20, $0x3  }
0xf: {  	s22 =	simm.s32 $0x6;
	s24 =	simm.s32 $0x14000;
	s5 =	sshrl.u32 s5, $0x3  }
0x10: {  	s23 =	sadd.s32 $0xE000, s7;
	[dreg:$0x5] =	wrdreg s6;
	s7 =	sadd.s32 s12, s3  }
0x11: {  	s14 =	sshrl.u32 s14, $0x3;
	s25 =	sshrl.u32 s15, $0x3;
	s17 =	sshrl.u32 s28, $0x3  }
0x12: {  	s1 =	sshrl.u32 s1, $0x3;
	s19 =	smax.u32 s19, $0x1;
	s5 =	sadd.s32 s5, s0  }
0x13: {  	s0 =	sadd.s32 $0x40000, s0;
	[dreg:$0x4] =	wrdreg s23;
	s23 =	simm.s32 $0x5  }
0x14: {  	s12 =	sadd.s32 $0x36000, s5;
	s13 =	sadd.s32 $0x4000, s5;
	s14 =	sadd.s32 s0, s14  }
0x15: {  	s15 =	sadd.s32 s0, s25;
	s5 =	sshrl.u32 s26, $0x3;
	s17 =	sadd.s32 s0, s17  }
0x16: {  	s18 =	sadd.s32 s0, s1;
	s26 =	simm.s32 $0x80;
	s1 =	simm.s32 $0x2  }
0x17: {  	v0 =	vimm.f32 $0.0e+00;
	s25 =	simm.s32 $0x0;
	s16 =	sadd.s32 s0, s5;
	s0 =	simm.s32 $0x4  }
.LBB2_1:
0x18: {  	s5 =	rddreg [dreg:$0x4]  }
0x19: {  	s6 =	rddreg [dreg:$0x5]  }
0x1a: {  	[spmem:s20], [sflag:s6] =	dma.local [hbm:s5], $0x1400  }
0x1b: {  	s28 =	simm.s32 $0x0;
	s5 =	simm.s32 $0x100  }
.LBB2_2:
0x1c: {  	p0 =	sne.s32 s5, $0x7F00;
	[tilespmem:s28+$0x19030] =	vst v0;
	s6 =	smov.u32 s5;
	s5 =	sadd.s32 $0x100, s5  }
.Ltmp0:
0x1d: {  	[tilespmem:s28+$0x19020] =	vst v0;
	(pc) =	sbr.rel @p0 .LBB2_2-.Ltmp0, $3  }
0x1e: {  	[tilespmem:s28+$0x19000] =	vst v0  }
0x1f: {  	[tilespmem:s28+$0x19010] =	vst v0;
	_ =	sdelay $0x1  }
0x20: {  	s28 =	sshra.s32 s6, $0x2  }
0x21: {  	[tilespmem:s28+$0x19030] =	vst v0  }
0x22: {  	[tilespmem:s28+$0x19020] =	vst v0  }
0x23: {  	[tilespmem:s28+$0x19000] =	vst v0  }
0x24: {  	[tilespmem:s28+$0x19010] =	vst v0  }
0x25: {  	[spmem:s7] =	stream.linear.scatter [tilespmem:s21], [sflag:$0x6], $0x2000, $0x38;
	[tilespmem:$0x1D000] =	vst v63  }
0x26: {  	_ =	swait.ge [sflag:s22], $0x2000  }
0x27: {  	[sflag:s22] =	ssyncset.done $0x0  }
0x28: {  	[sflag:s22] =	ssyncadd.s32 $0xFFFFE000  }
0x29: {  	[spmem:s8] =	stream.linear.scatter [tilespmem:s21], [sflag:$0x6], $0x2000, $0x38;
	[tilespmem:$0x1D000] =	vst v63  }
0x2a: {  	_ =	swait.ge [sflag:s22], $0x2000  }
0x2b: {  	[sflag:s22] =	ssyncset.done $0x0  }
0x2c: {  	[sflag:s22] =	ssyncadd.s32 $0xFFFFE000  }
0x2d: {  	[spmem:s9] =	stream.linear.scatter [tilespmem:s21], [sflag:$0x6], $0x2000, $0x38;
	[tilespmem:$0x1D000] =	vst v63  }
0x2e: {  	_ =	swait.ge [sflag:s22], $0x2000  }
0x2f: {  	[sflag:s22] =	ssyncset.done $0x0  }
0x30: {  	[sflag:s22] =	ssyncadd.s32 $0xFFFFE000  }
0x31: {  	[spmem:s10] =	stream.linear.scatter [tilespmem:s21], [sflag:$0x6], $0x2000, $0x38;
	[tilespmem:$0x1D000] =	vst v63  }
0x32: {  	_ =	swait.ge [sflag:s22], $0x2000  }
0x33: {  	[sflag:s22] =	ssyncset.done $0x0  }
0x34: {  	[sflag:s22] =	ssyncadd.s32 $0xFFFFE000  }
0x35: {  	[spmem:s11] =	stream.linear.scatter [tilespmem:s21], [sflag:$0x6], $0x2000, $0x38;
	[tilespmem:$0x1D000] =	vst v63  }
0x36: {  	_ =	swait.ge [sflag:s22], $0x2000  }
0x37: {  	[sflag:s22] =	ssyncset.done $0x0  }
0x38: {  	[sflag:s22] =	ssyncadd.s32 $0xFFFFE000  }
0x39: {  	_ =	swait.ge [sflag:s23], $0x1400  }
0x3a: {  	[sflag:s23] =	ssyncset.done $0x0  }
0x3b: {  	[sflag:s23] =	ssyncadd.s32 $0xFFFFEC00  }
0x3c: {  	s5 =	simm.s32 $0x0;
	[bflag:$0x0] =	sbarrier.arrive $0xFFFF  }
0x3d: {  	[tilespmem:s24], [sflag:$0x6] =	stream.linear.gather [hbm4b:s12+s5], $0x2800, $0x38;
	[tilespmem:$0x1D000] =	vst v63  }
0x3e: {  	_ =	swait.ge [sflag:s22], $0x2800  }
0x3f: {  	[sflag:s22] =	ssyncset.done $0x0  }
0x40: {  	s6 =	simm.s32 $0x16800;
	[sflag:s22] =	ssyncadd.s32 $0xFFFFD800  }
0x41: {  	[tilespmem:s6], [sflag:$0x6] =	stream.linear.gather [hbm4b:s13+s5], $0x2800, $0x38;
	[tilespmem:$0x1D000] =	vst v63  }
0x42: {  	_ =	swait.ge [sflag:s22], $0x2800  }
0x43: {  	[sflag:s22] =	ssyncset.done $0x0  }
0x44: {  	[sflag:s22] =	ssyncadd.s32 $0xFFFFD800  }
0x45: {  	[tilespmem:s21], [sflag:$0x1] =	stream.indirect.gather [spmem:s2], $0x40, s24, s26, $0xb8;
	[tilespmem:$0x1D000] =	vst v63  }
0x46: {  	s6 =	simm.s32 $0x14080  }
0x47: {  	[tilespmem:s29], [sflag:$0x2] =	stream.indirect.gather [spmem:s2], $0x40, s6, s26, $0xb8;
	[tilespmem:$0x1D000] =	vst v63  }
0x48: {  	_ =	swait.ge [sflag:s30], $0x2000  }
0x49: {  	[sflag:s30] =	ssyncset.done $0x0  }
0x4a: {  	s6 =	simm.s32 $0x16800;
	[sflag:s30] =	ssyncadd.s32 $0xFFFFE000  }
0x4b: {  	[spmem:s3] =	stream.indirect.scatter.add.f32 [tilespmem:s21], [sflag:$0x3], $0x40, s6, s26, $0xb8;
	[tilespmem:$0x1D000] =	vst v63  }
0x4c: {  	_ =	swait.ge [sflag:s31], $0x2000  }
0x4d: {  	[sflag:s31] =	ssyncset.done $0x0  }
0x4e: {  	s6 =	simm.s32 $0x14100;
	[sflag:s31] =	ssyncadd.s32 $0xFFFFE000  }
0x4f: {  	[tilespmem:s21], [sflag:$0x1] =	stream.indirect.gather [spmem:s2], $0x40, s6, s26, $0xb8;
	[tilespmem:$0x1D000] =	vst v63  }
0x50: {  	_ =	swait.ge [sflag:s1], $0x2000  }
0x51: {  	[sflag:s1] =	ssyncset.done $0x0  }
0x52: {  	s6 =	simm.s32 $0x16880;
	[sflag:s1] =	ssyncadd.s32 $0xFFFFE000  }
0x53: {  	[spmem:s3] =	stream.indirect.scatter.add.f32 [tilespmem:s29], [sflag:$0x4], $0x40, s6, s26, $0xb8;
	[tilespmem:$0x1D000] =	vst v63  }
0x54: {  	_ =	swait.ge [sflag:s0], $0x2000  }
0x55: {  	[sflag:s0] =	ssyncset.done $0x0  }
0x56: {  	s28 =	simm.s32 $0x400;
	s5 =	simm.s32 $0x14180;
	[sflag:s0] =	ssyncadd.s32 $0xFFFFE000  }
.LBB2_4:
0x57: {  	[tilespmem:s29], [sflag:$0x2] =	stream.indirect.gather [spmem:s2], $0x40, s5, s26, $0xb8;
	[tilespmem:$0x1D000] =	vst v63  }
0x58: {  	s5 =	smov.u32 s28  }
0x59: {  	p0 =	sne.s32 s28, $0x9800;
	s28 =	sadd.s32 $0x400, s28;
	_ =	swait.ge [sflag:s30], $0x2000  }
0x5a: {  	s5 =	sshra.s32 s5, $0x2;
	[sflag:s30] =	ssyncset.done $0x0  }
0x5b: {  	s6 =	sadd.s32 $0x16800, s5;
	[sflag:s30] =	ssyncadd.s32 $0xFFFFE000  }
0x5c: {  	[spmem:s3] =	stream.indirect.scatter.add.f32 [tilespmem:s21], [sflag:$0x3], $0x40, s6, s26, $0xb8;
	[tilespmem:$0x1D000] =	vst v63  }
0x5d: {  	_ =	swait.ge [sflag:s31], $0x2000  }
0x5e: {  	[sflag:s31] =	ssyncset.done $0x0  }
0x5f: {  	s6 =	sadd.s32 $0x14100, s5;
	[sflag:s31] =	ssyncadd.s32 $0xFFFFE000  }
0x60: {  	[tilespmem:s21], [sflag:$0x1] =	stream.indirect.gather [spmem:s2], $0x40, s6, s26, $0xb8;
	[tilespmem:$0x1D000] =	vst v63  }
0x61: {  	_ =	swait.ge [sflag:s1], $0x2000  }
0x62: {  	[sflag:s1] =	ssyncset.done $0x0  }
.Ltmp1:
0x63: {  	s6 =	sadd.s32 $0x16880, s5;
	[sflag:s1] =	ssyncadd.s32 $0xFFFFE000;
	(pc) =	sbr.rel @p0 .LBB2_4-.Ltmp1, $4  }
0x64: {  	[spmem:s3] =	stream.indirect.scatter.add.f32 [tilespmem:s29], [sflag:$0x4], $0x40, s6, s26, $0xb8;
	[tilespmem:$0x1D000] =	vst v63  }
0x65: {  	_ =	swait.ge [sflag:s0], $0x2000  }
0x66: {  	[sflag:s0] =	ssyncset.done $0x0  }
0x67: {  	s5 =	sadd.s32 $0x14180, s5;
	[sflag:s0] =	ssyncadd.s32 $0xFFFFE000  }
0x68: {  	[tilespmem:s29], [sflag:$0x2] =	stream.indirect.gather [spmem:s2], $0x40, s5, s26, $0xb8;
	[tilespmem:$0x1D000] =	vst v63  }
0x69: {  	_ =	swait.ge [sflag:s30], $0x2000  }
0x6a: {  	[sflag:s30] =	ssyncset.done $0x0  }
0x6b: {  	s6 =	simm.s32 $0x18F00;
	[sflag:s30] =	ssyncadd.s32 $0xFFFFE000  }
0x6c: {  	[spmem:s3] =	stream.indirect.scatter.add.f32 [tilespmem:s21], [sflag:$0x3], $0x40, s6, s26, $0xb8;
	[tilespmem:$0x1D000] =	vst v63  }
0x6d: {  	_ =	swait.ge [sflag:s1], $0x2000  }
0x6e: {  	[sflag:s1] =	ssyncset.done $0x0  }
0x6f: {  	s28 =	simm.s32 $0x18F80;
	[sflag:s1] =	ssyncadd.s32 $0xFFFFE000  }
0x70: {  	[spmem:s3] =	stream.indirect.scatter.add.f32 [tilespmem:s29], [sflag:$0x4], $0x40, s28, s26, $0xb8;
	[tilespmem:$0x1D000] =	vst v63  }
0x71: {  	_ =	swait.ge [sflag:s31], $0x2000  }
0x72: {  	[sflag:s31] =	ssyncset.done $0x0  }
0x73: {  	[sflag:s31] =	ssyncadd.s32 $0xFFFFE000  }
0x74: {  	_ =	swait.ge [sflag:s0], $0x2000  }
0x75: {  	[sflag:s0] =	ssyncset.done $0x0  }
0x76: {  	[sflag:s0] =	ssyncadd.s32 $0xFFFFE000  }
0x77: {  	[bflag:$0x0] =	sbarrier.arrive $0xFFFF  }
0x78: {  	[tilespmem:s21], [sflag:$0x6] =	stream.linear.gather [spmem:s7], $0x2000, $0x38;
	[tilespmem:$0x1D000] =	vst v63  }
0x79: {  	_ =	swait.ge [sflag:s22], $0x2000  }
0x7a: {  	[sflag:s22] =	ssyncset.done $0x0  }
0x7b: {  	[sflag:s22] =	ssyncadd.s32 $0xFFFFE000  }
0x7c: {  	[hbm4b:s14+s4] =	stream.linear.scatter [tilespmem:s21], [sflag:$0x6], $0x2000, $0x38;
	[tilespmem:$0x1D000] =	vst v63  }
0x7d: {  	_ =	swait.ge [sflag:s22], $0x2000  }
0x7e: {  	[sflag:s22] =	ssyncset.done $0x0  }
0x7f: {  	[sflag:s22] =	ssyncadd.s32 $0xFFFFE000  }
0x80: {  	[tilespmem:s21], [sflag:$0x6] =	stream.linear.gather [spmem:s8], $0x2000, $0x38;
	[tilespmem:$0x1D000] =	vst v63  }
0x81: {  	_ =	swait.ge [sflag:s22], $0x2000  }
0x82: {  	[sflag:s22] =	ssyncset.done $0x0  }
0x83: {  	[sflag:s22] =	ssyncadd.s32 $0xFFFFE000  }
0x84: {  	[hbm4b:s15+s4] =	stream.linear.scatter [tilespmem:s21], [sflag:$0x6], $0x2000, $0x38;
	[tilespmem:$0x1D000] =	vst v63  }
0x85: {  	_ =	swait.ge [sflag:s22], $0x2000  }
0x86: {  	[sflag:s22] =	ssyncset.done $0x0  }
0x87: {  	[sflag:s22] =	ssyncadd.s32 $0xFFFFE000  }
0x88: {  	[tilespmem:s21], [sflag:$0x6] =	stream.linear.gather [spmem:s9], $0x2000, $0x38;
	[tilespmem:$0x1D000] =	vst v63  }
0x89: {  	_ =	swait.ge [sflag:s22], $0x2000  }
0x8a: {  	[sflag:s22] =	ssyncset.done $0x0  }
0x8b: {  	[sflag:s22] =	ssyncadd.s32 $0xFFFFE000  }
0x8c: {  	[hbm4b:s16+s4] =	stream.linear.scatter [tilespmem:s21], [sflag:$0x6], $0x2000, $0x38;
	[tilespmem:$0x1D000] =	vst v63  }
0x8d: {  	_ =	swait.ge [sflag:s22], $0x2000  }
0x8e: {  	[sflag:s22] =	ssyncset.done $0x0  }
0x8f: {  	[sflag:s22] =	ssyncadd.s32 $0xFFFFE000  }
0x90: {  	[tilespmem:s21], [sflag:$0x6] =	stream.linear.gather [spmem:s10], $0x2000, $0x38;
	[tilespmem:$0x1D000] =	vst v63  }
0x91: {  	_ =	swait.ge [sflag:s22], $0x2000  }
0x92: {  	[sflag:s22] =	ssyncset.done $0x0  }
0x93: {  	[sflag:s22] =	ssyncadd.s32 $0xFFFFE000  }
0x94: {  	[hbm4b:s17+s4] =	stream.linear.scatter [tilespmem:s21], [sflag:$0x6], $0x2000, $0x38;
	[tilespmem:$0x1D000] =	vst v63  }
0x95: {  	_ =	swait.ge [sflag:s22], $0x2000  }
0x96: {  	[sflag:s22] =	ssyncset.done $0x0  }
0x97: {  	[sflag:s22] =	ssyncadd.s32 $0xFFFFE000  }
0x98: {  	[tilespmem:s21], [sflag:$0x6] =	stream.linear.gather [spmem:s11], $0x2000, $0x38;
	[tilespmem:$0x1D000] =	vst v63  }
0x99: {  	s25 =	sadd.s32 $0x1, s25;
	_ =	swait.ge [sflag:s22], $0x2000  }
0x9a: {  	p0 =	sne.s32 s25, s19;
	[sflag:s22] =	ssyncset.done $0x0  }
.Ltmp2:
0x9b: {  	[sflag:s22] =	ssyncadd.s32 $0xFFFFE000;
	(pc) =	sbr.rel @p0 .LBB2_1-.Ltmp2, $4  }
0x9c: {  	[hbm4b:s18+s4] =	stream.linear.scatter [tilespmem:s21], [sflag:$0x6], $0x2000, $0x38;
	[tilespmem:$0x1D000] =	vst v63  }
0x9d: {  	_ =	swait.ge [sflag:s22], $0x2000  }
0x9e: {  	[sflag:s22] =	ssyncset.done $0x0  }
0x9f: {  	[sflag:s22] =	ssyncadd.s32 $0xFFFFE000  }
0xa0: {  	_ =	sfence.sel $0x180000  }
0xa1: {  	[bflag:$0x0] =	sbarrier.arrive $0xFFFF  }
0xa2: {  	_ =	strace $0x9000004A  }
0xa3: {  	s0 =	stileid.u32;
	[bflag:$0x2] =	sbarrier.arrive $0xFFFF  }
0xa4: {  	p0 =	sne.s32 s0, $0x0;
	s0 =	rddreg [dreg:$0x3]  }
0xa5: {  	s0 =	sadd.s32 @!p0 $0x100000, s0  }
0xa6: {  	[sflag:s0] =	ssyncadd.tile.s32 @!p0 $0x1;
	_ =	shalt  }
.Lfunc_end2:
_tile_overlayer_lowered:
.L_overlay_start_2:
0xa7: {  	(tag) =	ssettag $0x2  }
0xa8: {  	s0 =	rddreg [dreg:$0x0];
	s2 =	stileid.u32  }
0xa9: {  	s1 =	rddreg [dreg:$0x1];
	p0 =	sne.s32 s2, $0x0  }
0xaa: {  	s3 =	rddreg [dreg:$0x2];
	[bflag:$0x3] =	sbarrier.arrive $0xFFFF;
	s2 =	simm.s32 @!p0 $0x1C06  }
0xab: {  	[timem:s3], [sflag:s2] =	dma.local @!p0 [hbm:s0], s1  }
0xac: {  	s0 =	simm.s32 @!p0 $0x6  }
0xad: {  	_ =	swait.ge @!p0 [sflag:s0], s1  }
0xae: {  	s1 =	ssub.s32 @!p0 $0x0, s1;
	[sflag:s0] =	ssyncset.done @!p0 $0x0  }
0xaf: {  	[sflag:s0] =	ssyncadd.s32 @!p0 s1  }
0xb0: {  	[bflag:$0x3] =	sbarrier.arrive $0xFFFF  }
0xb1: {  	_ =	shalt  }

// kernel: kernel.14.cloned.1.call-start
scs
__scs_entry_jumppad:
0x0: {  	(pc) =	sbr.rel $0x88, $3  }
0x1: {  	(tag) =	ssettag $0x0;
	lr =	simm.s32 $0x1  }
0x2: {  	[smem:$0x3F96] =	sst lr;
	_ =	strace $0xD0000000  }
0x3: {  	_ = 	snop  }
0x4: {  	_ = 	snop  }
0x5: {  	_ = 	snop  }
0x6: {  	_ = 	snop  }
0x7: {  	_ = 	snop  }
__scs_overlays_trampoline_lowered:
0x8: {  	[smem:$0x3FA5] =	sst s0  }
0x9: {  	[smem:$0x3FA6] =	sst s1  }
0xa: {  	[smem:$0x3FA7] =	sst s2  }
0xb: {  	[smem:$0x3FA8] =	sst s3  }
0xc: {  	[smem:$0x3FA9] =	sst s4  }
0xd: {  	[smem:$0x3FAA] =	sst s5  }
0xe: {  	[smem:$0x3FAB] =	sst s6  }
0xf: {  	[smem:$0x3FAC] =	sst s7  }
0x10: {  	[smem:$0x3FAD] =	sst s8  }
0x11: {  	[smem:$0x3FAE] =	sst s9;
	s0 =	simm.s32 @!p0 $0x0  }
0x12: {  	s1 =	sld [smem:$0x3F94];
	s0 =	simm.s32 @p0 $0x1  }
0x13: {  	[smem:$0x3FAF] =	sst s0;
	s0 =	simm.s32 @!p1 $0x0  }
0x14: {  	s2 =	sld [smem:$0x3F93];
	s0 =	simm.s32 @p1 $0x1  }
0x15: {  	[smem:$0x3FB0] =	sst s0;
	s0 =	simm.s32 @!p2 $0x0  }
0x16: {  	s3 =	sld [smem:$0x3FDB];
	s0 =	simm.s32 @p2 $0x1  }
0x17: {  	s4 =	simm.s32 $0x1BF5;
	[smem:$0x3FB2] =	sst s0  }
0x18: {  	s0 =	sld [smem:$0x3F95];
	_ =	swait.ge [sflag:s4], $0x0  }
0x19: {  	s7 =	sld [smem:$0x3F96]  }
0x1a: {  	s8 =	sadd.s32 $0xFFFFE003, lr  }
0x1b: {  	s9 =	sadd.s32 $0xFFFFFEF7, lr;
	s5 =	simm.s32 $0xFFFFFFFF;
	p2 =	slt.u32 s8, $0xFFFFF086  }
0x1c: {  	p1 =	slt.u32 s9, $0xF7A;
	s5 =	simm.s32 @!p2 $0x0  }
0x1d: {  	s5 =	simm.s32 @p1 $0x1;
	p0 =	seq.s32 s7, s2  }
0x1e: {  	s7 =	smul.u32 @!p0 $0xF7A, s2;
	p2 =	seq.s32 @!p0 s5, $0x0  }
0x1f: {  	s9 =	smul.u32 $0xF7A, s1;
	s8 =	simm.s32 @!p0 $0x1BF5;
	p2 =	por !p2, p0  }
0x20: {  	[sflag:s8] =	ssyncset.s32 @!p0 $0xFFFFF086;
	s6 =	sadd.s32 @!p0 s3, s7;
	s7 =	simm.s32 @!p0 $0x108  }
0x21: {  	s3 =	sadd.s32 s3, s9;
	s6 =	sadd.s32 @!p0 $0x88, s6;
	s7 =	simm.s32 @p2 $0x1082  }
0x22: {  	[simem:s7], [sflag:s8] =	dma.local @!p0 [hbm:s6], $0xF7A  }
0x23: {  	s9 =	sor.u32 $0xD0000000, s2;
	s6 =	simm.s32 $0x108;
	_ =	swait.ge @!p0 [sflag:s8], $0x0  }
0x24: {  	s3 =	sadd.s32 $0x88, s3;
	s6 =	simm.s32 @!p1 $0x1082;
	[sflag:s4] =	ssyncset.s32 $0xFFFFF086  }
0x25: {  	[simem:s6], [sflag:s4] =	dma.local [hbm:s3], $0xF7A  }
0x26: {  	[smem:$0x3F96] =	sst s1;
	(tag) =	ssettag s2;
	_ =	strace s9  }
0x27: {  	s1 =	sld [smem:$0x3FA6]  }
0x28: {  	s2 =	sld [smem:$0x3FA7]  }
0x29: {  	s4 =	sld [smem:$0x3FA9]  }
0x2a: {  	p0 =	seq.s32 s5, $0x0;
	s5 =	sld [smem:$0x3FAA]  }
0x2b: {  	s6 =	sld [smem:$0x3FAB]  }
0x2c: {  	s7 =	sld [smem:$0x3FAC]  }
0x2d: {  	s3 =	simm.s32 $0x108;
	s8 =	sld [smem:$0x3FAD]  }
0x2e: {  	s3 =	simm.s32 @!p0 $0x1082;
	s9 =	sld [smem:$0x3FAE]  }
0x2f: {  	lr =	sadd.s32 s0, s3;
	s0 =	sld [smem:$0x3FA5]  }
0x30: {  	s3 =	sld [smem:$0x3FA8]  }
0x31: {  	[smem:$0x3FB1] =	sst s10  }
0x32: {  	s10 =	sld [smem:$0x3FAF];
	_ =	sdelay $0x3  }
0x33: {  	p0 =	seq.s32 s10, $0x1;
	s10 =	sld [smem:$0x3FB1];
	_ =	sdelay $0x3  }
0x34: {  	[smem:$0x3FB1] =	sst s10  }
0x35: {  	s10 =	sld [smem:$0x3FB0];
	_ =	sdelay $0x3  }
0x36: {  	p1 =	seq.s32 s10, $0x1;
	s10 =	sld [smem:$0x3FB1];
	_ =	sdelay $0x3  }
0x37: {  	[smem:$0x3FB1] =	sst s10  }
0x38: {  	s10 =	sld [smem:$0x3FB2]  }
0x39: {  	_ = 	snop;
	(pc) =	sbr.ind lr, $3  }
0x3a: {  	_ = 	snop  }
0x3b: {  	_ = 	snop  }
0x3c: {  	p2 =	seq.s32 s10, $0x1;
	s10 =	sld [smem:$0x3FB1]  }
0x3d: {  	_ =	shalt  }
0x3e: {  	_ =	shalt  }
0x3f: {  	_ =	shalt  }
0x40: {  	_ =	shalt  }
0x41: {  	_ =	shalt  }
0x42: {  	_ =	shalt  }
0x43: {  	_ =	shalt  }
0x44: {  	_ =	shalt  }
0x45: {  	_ =	shalt  }
0x46: {  	_ =	shalt  }
0x47: {  	_ =	shalt  }
0x48: {  	_ =	shalt  }
0x49: {  	_ =	shalt  }
0x4a: {  	_ =	shalt  }
0x4b: {  	_ =	shalt  }
0x4c: {  	_ =	shalt  }
0x4d: {  	_ =	shalt  }
0x4e: {  	_ =	shalt  }
0x4f: {  	_ =	shalt  }
0x50: {  	_ =	shalt  }
0x51: {  	_ =	shalt  }
0x52: {  	_ =	shalt  }
0x53: {  	_ =	shalt  }
0x54: {  	_ =	shalt  }
0x55: {  	_ =	shalt  }
0x56: {  	_ =	shalt  }
0x57: {  	_ =	shalt  }
0x58: {  	_ =	shalt  }
0x59: {  	_ =	shalt  }
0x5a: {  	_ =	shalt  }
0x5b: {  	_ =	shalt  }
0x5c: {  	_ =	shalt  }
0x5d: {  	_ =	shalt  }
0x5e: {  	_ =	shalt  }
0x5f: {  	_ =	shalt  }
0x60: {  	_ =	shalt  }
0x61: {  	_ =	shalt  }
0x62: {  	_ =	shalt  }
0x63: {  	_ =	shalt  }
0x64: {  	_ =	shalt  }
0x65: {  	_ =	shalt  }
0x66: {  	_ =	shalt  }
0x67: {  	_ =	shalt  }
0x68: {  	_ =	shalt  }
0x69: {  	_ =	shalt  }
0x6a: {  	_ =	shalt  }
0x6b: {  	_ =	shalt  }
0x6c: {  	_ =	shalt  }
0x6d: {  	_ =	shalt  }
0x6e: {  	_ =	shalt  }
0x6f: {  	_ =	shalt  }
0x70: {  	_ =	shalt  }
0x71: {  	_ =	shalt  }
0x72: {  	_ =	shalt  }
0x73: {  	_ =	shalt  }
0x74: {  	_ =	shalt  }
0x75: {  	_ =	shalt  }
0x76: {  	_ =	shalt  }
0x77: {  	_ =	shalt  }
0x78: {  	_ =	shalt  }
0x79: {  	_ =	shalt  }
0x7a: {  	_ =	shalt  }
0x7b: {  	_ =	shalt  }
0x7c: {  	_ =	shalt  }
0x7d: {  	_ =	shalt  }
0x7e: {  	_ =	shalt  }
0x7f: {  	_ =	shalt  }
0x80: {  	_ =	shalt  }
0x81: {  	_ =	shalt  }
0x82: {  	_ =	shalt  }
0x83: {  	_ =	shalt  }
0x84: {  	_ =	shalt  }
0x85: {  	_ =	shalt  }
0x86: {  	_ =	shalt  }
0x87: {  	_ =	shalt  }
.Lfunc_end0:
.L_simem_size_0:
called_computation.2_lowered:
.L_overlay_start_0:
0x88: {  	s2 =	sld [smem:$0x3FD9]  }
0x89: {  	s3 =	sld [smem:$0x3FFE];
	_ =	sdelay $0x1  }
0x8a: {  	s1 =	srdreg.scid  }
0x8b: {  	s0 =	sand.u32 $0x1, s1  }
0x8c: {  	s16 =	sshll.u32 s0, $0xA;
	s2 =	sadd.s32 s3, s2  }
0x8d: {  	s2 =	sadd.s32 s2, s16  }
0x8e: {  	[smem:$0x3FBD] =	sst s2  }
0x8f: {  	_ = 	snop  }
0x90: {  	(tm) =	ssettm $0x1  }
0x91: {  	s17 =	sld [smem:$0x3FFB];
	_ =	sdelay $0x3  }
0x92: {  	_ =	strace s17  }
0x93: {  	s2 =	sld [smem:$0x3FFC];
	_ =	sdelay $0x3  }
0x94: {  	_ =	strace s2  }
0x95: {  	s2 =	sld [smem:$0x3FFD];
	_ =	sdelay $0x3  }
0x96: {  	_ =	strace s2  }
0x97: {  	_ =	strace $0x8FFFFFFF  }
0x98: {  	s18 =	sld [smem:$0x3FDB];
	_ =	sdelay $0x1  }
0x99: {  	s19 =	simm.s32 $_scs_section_size  }
0x9a: {  	s4 =	simm.s32 $_size__tile_overlayer_lowered;
	s5 =	simm.s32 $_tile_overlayer_lowered  }
0x9b: {  	s22 =	simm.s32 $0x1BFF;
	s21 =	sshll.u32 s5, $0x1;
	s2 =	sadd.s32 s19, s18  }
0x9c: {  	s6 =	simm.s32 $0x0;
	s20 =	sshll.u32 s4, $0x1;
	s4 =	sadd.s32 s21, s2  }
0x9d: {  	[timem:s6], [sflag:s22] =	dma.local [hbm:s4], s20  }
0x9e: {  	_ =	swait.ge [sflag:s22], s20  }
0x9f: {  	s3 =	ssub.s32 $0x0, s20;
	[sflag:s22] =	ssyncset.done $0x0  }
0xa0: {  	[sflag:s22] =	ssyncadd.s32 s3;
	_ =	sdelay $0x1  }
0xa1: {  	s23 =	simm.s32 $0x1B8B  }
0xa2: {  	_ =	swait.ge [sflag:s23], $0x1  }
0xa3: {  	[sflag:s23] =	ssyncset.done $0x0  }
0xa4: {  	s25 =	simm.s32 $0x1B8E;
	s24 =	sld [smem:$0x3FFE];
	[sflag:s23] =	ssyncadd.s32 $0xFFFFFFFF  }
0xa5: {  	s26 =	simm.s32 $execute0_lowered;
	[smem:$0x3FD2] =	sst s25  }
0xa6: {  	s4 =	sshll.u32 s26, $0x1;
	_ =	strace $0x8000004C;
	[dreg:$0x1] =	wrdreg $0xFFFFFFFF  }
0xa7: {  	s28 =	simm.s32 $_size_execute0_lowered;
	s2 =	sadd.s32 s2, s4;
	[dreg:$0x0] =	wrdreg $0x0  }
0xa8: {  	s4 =	sshll.u32 s28, $0x1;
	[dreg:$0x2] =	wrdreg s2  }
0xa9: {  	[dreg:$0x3] =	wrdreg s4  }
0xaa: {  	[dreg:$0x4] =	wrdreg $0xC0  }
0xab: {  	_ =	task [dreg:s6], $0x5FFFF  }
0xac: {  	[dreg:$0x1] =	wrdreg $0xFFFFFFFF  }
0xad: {  	[dreg:$0x0] =	wrdreg $0x60  }
0xae: {  	[dreg:$0x2] =	wrdreg s24  }
0xaf: {  	[dreg:$0x3] =	wrdreg $0xA0000  }
0xb0: {  	[dreg:$0x4] =	wrdreg $0x0  }
0xb1: {  	[dreg:$0x5] =	wrdreg $0x9  }
0xb2: {  	_ =	task.clear_ibuf [dreg:s6], $0x6FFFF;
	_ =	strace $0x9000004C  }
0xb3: {  	s29 =	simm.s32 $0x9;
	_ =	strace $0x8000004E  }
0xb4: {  	_ =	swait.ge [sflag:s29], $0x1  }
0xb5: {  	[sflag:s29] =	ssyncadd.s32 $0xFFFFFFFF  }
0xb6: {  	_ =	strace $0x9000004E  }
0xb7: {  	_ =	sfence  }
0xb8: {  	s30 =	sld [smem:$0x0];
	_ =	sdelay $0x2  }
0xb9: {  	s31 =	sshll.u32 s1, $0xD;
	s1 =	sshrl.u32 s1, $0x2  }
0xba: {  	s3 =	sand.u32 $0x4000, s31;
	s1 =	sadd.s32 s1, s30  }
0xbb: {  	s0 =	sor.u32 s3, s0;
	s1 =	sshll.u32 s1, $0x11  }
0xbc: {  	s0 =	sor.u32 s1, s0  }
0xbd: {  	s0 =	sadd.s32 $0x8F2B, s0  }
0xbe: {  	[sflag:s0] =	ssyncadd.remote.s32 $0x1  }
0xbf: {  	_ =	sfence.sel $0xFFFF  }
0xc0: {  	[dreg:$0x0] =	wrdreg $0xFFFFFFFF;
	(pc) =	sbr.abs _section_cstart, $3  }
0xc1: {  	[dreg:$0x1] =	wrdreg $0xFFFFFFFF  }
0xc2: {  	_ =	task.clear_ibuf [dreg:s6], $0x2FFFF;
	_ =	strace $0x9FFFFFFF  }
0xc3: {  	(tm) =	ssettm $0x7FFFFFFF  }
tec
execute0_lowered:
.L_overlay_start_1:
0x0: {  	(tag) =	ssettag $0x1  }
0x1: {  	s0 =	rddreg [dreg:$0x0];
	s1 =	srdreg.scid  }
0x2: {  	s2 =	rddreg [dreg:$0x1];
	s9 =	stileid.u32  }
0x3: {  	s3 =	rddreg [dreg:$0x2];
	s4 =	simm.s32 $0x0;
	s21 =	simm.s32 $0x19000  }
0x4: {  	s29 =	simm.s32 $0x1B000;
	s30 =	simm.s32 $0x1;
	s6 =	smul.u32 $0x2800, s9  }
0x5: {  	s31 =	simm.s32 $0x3;
	s1 =	sand.u32 $0x1, s1;
	s12 =	smul.u32 $0xA000, s9  }
0x6: {  	[smem:$0x7FF] =	sst s4;
	s24 =	sshll.u32 s9, $0x6;
	s5 =	smul.u32 $0x28000, s1  }
0x7: {  	_ =	strace $0x8000004D;
	s22 =	ssub.s32 $0x2, s1;
	s1 =	smul.u32 $0xA0000, s1  }
0x8: {  	s7 =	sshrl.u32 s12, $0x3;
	s8 =	sshrl.u32 s22, $0x1;
	s20 =	sadd.s32 s12, s2  }
0x9: {  	s13 =	sadd.s32 $0x2000, s12;
	s16 =	sadd.s32 $0x4000, s12;
	s17 =	sadd.s32 $0x6000, s12  }
0xa: {  	s18 =	sadd.s32 $0x8000, s12;
	s5 =	sadd.s32 s6, s5;
	s7 =	sadd.s32 s7, s0  }
0xb: {  	s19 =	ssub.s32 s22, s8;
	s6 =	sor.u32 $0x1C05, s24;
	s8 =	sadd.s32 s13, s3  }
0xc: {  	s9 =	sadd.s32 s16, s3;
	s10 =	sadd.s32 s17, s3;
	s11 =	sadd.s32 s18, s3  }
0xd: {  	s14 =	sadd.s32 s12, s1;
	s15 =	sadd.s32 s1, s13;
	s26 =	sadd.s32 s1, s16  }
0xe: {  	s28 =	sadd.s32 s1, s17;
	s1 =	sadd.s32 s1, s18;
	s20 =	sshrl.u32 s20, $0x3  }
0xf: {  	s22 =	simm.s32 $0x6;
	s24 =	simm.s32 $0x14000;
	s5 =	sshrl.u32 s5, $0x3  }
0x10: {  	s23 =	sadd.s32 $0xE000, s7;
	[dreg:$0x5] =	wrdreg s6;
	s7 =	sadd.s32 s12, s3  }
0x11: {  	s14 =	sshrl.u32 s14, $0x3;
	s25 =	sshrl.u32 s15, $0x3;
	s17 =	sshrl.u32 s28, $0x3  }
0x12: {  	s1 =	sshrl.u32 s1, $0x3;
	s19 =	smax.u32 s19, $0x1;
	s5 =	sadd.s32 s5, s0  }
0x13: {  	s0 =	sadd.s32 $0x40000, s0;
	[dreg:$0x4] =	wrdreg s23;
	s23 =	simm.s32 $0x5  }
0x14: {  	s12 =	sadd.s32 $0x36000, s5;
	s13 =	sadd.s32 $0x4000, s5;
	s14 =	sadd.s32 s0, s14  }
0x15: {  	s15 =	sadd.s32 s0, s25;
	s5 =	sshrl.u32 s26, $0x3;
	s17 =	sadd.s32 s0, s17  }
0x16: {  	s18 =	sadd.s32 s0, s1;
	s26 =	simm.s32 $0x80;
	s1 =	simm.s32 $0x2  }
0x17: {  	v0 =	vimm.f32 $0.0e+00;
	s25 =	simm.s32 $0x0;
	s16 =	sadd.s32 s0, s5;
	s0 =	simm.s32 $0x4  }
.LBB2_1:
0x18: {  	s5 =	rddreg [dreg:$0x4]  }
0x19: {  	s6 =	rddreg [dreg:$0x5]  }
0x1a: {  	[spmem:s20], [sflag:s6] =	dma.local [hbm:s5], $0x1400  }
0x1b: {  	s28 =	simm.s32 $0x0;
	s5 =	simm.s32 $0x100  }
.LBB2_2:
0x1c: {  	p0 =	sne.s32 s5, $0x7F00;
	[tilespmem:s28+$0x19030] =	vst v0;
	s6 =	smov.u32 s5;
	s5 =	sadd.s32 $0x100, s5  }
.Ltmp0:
0x1d: {  	[tilespmem:s28+$0x19020] =	vst v0;
	(pc) =	sbr.rel @p0 .LBB2_2-.Ltmp0, $3  }
0x1e: {  	[tilespmem:s28+$0x19000] =	vst v0  }
0x1f: {  	[tilespmem:s28+$0x19010] =	vst v0;
	_ =	sdelay $0x1  }
0x20: {  	s28 =	sshra.s32 s6, $0x2  }
0x21: {  	[tilespmem:s28+$0x19030] =	vst v0  }
0x22: {  	[tilespmem:s28+$0x19020] =	vst v0  }
0x23: {  	[tilespmem:s28+$0x19000] =	vst v0  }
0x24: {  	[tilespmem:s28+$0x19010] =	vst v0  }
0x25: {  	[spmem:s7] =	stream.linear.scatter [tilespmem:s21], [sflag:$0x6], $0x2000, $0x38;
	[tilespmem:$0x1D000] =	vst v63  }
0x26: {  	_ =	swait.ge [sflag:s22], $0x2000  }
0x27: {  	[sflag:s22] =	ssyncset.done $0x0  }
0x28: {  	[sflag:s22] =	ssyncadd.s32 $0xFFFFE000  }
0x29: {  	[spmem:s8] =	stream.linear.scatter [tilespmem:s21], [sflag:$0x6], $0x2000, $0x38;
	[tilespmem:$0x1D000] =	vst v63  }
0x2a: {  	_ =	swait.ge [sflag:s22], $0x2000  }
0x2b: {  	[sflag:s22] =	ssyncset.done $0x0  }
0x2c: {  	[sflag:s22] =	ssyncadd.s32 $0xFFFFE000  }
0x2d: {  	[spmem:s9] =	stream.linear.scatter [tilespmem:s21], [sflag:$0x6], $0x2000, $0x38;
	[tilespmem:$0x1D000] =	vst v63  }
0x2e: {  	_ =	swait.ge [sflag:s22], $0x2000  }
0x2f: {  	[sflag:s22] =	ssyncset.done $0x0  }
0x30: {  	[sflag:s22] =	ssyncadd.s32 $0xFFFFE000  }
0x31: {  	[spmem:s10] =	stream.linear.scatter [tilespmem:s21], [sflag:$0x6], $0x2000, $0x38;
	[tilespmem:$0x1D000] =	vst v63  }
0x32: {  	_ =	swait.ge [sflag:s22], $0x2000  }
0x33: {  	[sflag:s22] =	ssyncset.done $0x0  }
0x34: {  	[sflag:s22] =	ssyncadd.s32 $0xFFFFE000  }
0x35: {  	[spmem:s11] =	stream.linear.scatter [tilespmem:s21], [sflag:$0x6], $0x2000, $0x38;
	[tilespmem:$0x1D000] =	vst v63  }
0x36: {  	_ =	swait.ge [sflag:s22], $0x2000  }
0x37: {  	[sflag:s22] =	ssyncset.done $0x0  }
0x38: {  	[sflag:s22] =	ssyncadd.s32 $0xFFFFE000  }
0x39: {  	_ =	swait.ge [sflag:s23], $0x1400  }
0x3a: {  	[sflag:s23] =	ssyncset.done $0x0  }
0x3b: {  	[sflag:s23] =	ssyncadd.s32 $0xFFFFEC00  }
0x3c: {  	s5 =	simm.s32 $0x0;
	[bflag:$0x0] =	sbarrier.arrive $0xFFFF  }
0x3d: {  	[tilespmem:s24], [sflag:$0x6] =	stream.linear.gather [hbm4b:s12+s5], $0x2800, $0x38;
	[tilespmem:$0x1D000] =	vst v63  }
0x3e: {  	_ =	swait.ge [sflag:s22], $0x2800  }
0x3f: {  	[sflag:s22] =	ssyncset.done $0x0  }
0x40: {  	s6 =	simm.s32 $0x16800;
	[sflag:s22] =	ssyncadd.s32 $0xFFFFD800  }
0x41: {  	[tilespmem:s6], [sflag:$0x6] =	stream.linear.gather [hbm4b:s13+s5], $0x2800, $0x38;
	[tilespmem:$0x1D000] =	vst v63  }
0x42: {  	_ =	swait.ge [sflag:s22], $0x2800  }
0x43: {  	[sflag:s22] =	ssyncset.done $0x0  }
0x44: {  	[sflag:s22] =	ssyncadd.s32 $0xFFFFD800  }
0x45: {  	[tilespmem:s21], [sflag:$0x1] =	stream.indirect.gather [spmem:s2], $0x40, s24, s26, $0xb8;
	[tilespmem:$0x1D000] =	vst v63  }
0x46: {  	s6 =	simm.s32 $0x14080  }
0x47: {  	[tilespmem:s29], [sflag:$0x2] =	stream.indirect.gather [spmem:s2], $0x40, s6, s26, $0xb8;
	[tilespmem:$0x1D000] =	vst v63  }
0x48: {  	_ =	swait.ge [sflag:s30], $0x2000  }
0x49: {  	[sflag:s30] =	ssyncset.done $0x0  }
0x4a: {  	s6 =	simm.s32 $0x16800;
	[sflag:s30] =	ssyncadd.s32 $0xFFFFE000  }
0x4b: {  	[spmem:s3] =	stream.indirect.scatter.add.f32 [tilespmem:s21], [sflag:$0x3], $0x40, s6, s26, $0xb8;
	[tilespmem:$0x1D000] =	vst v63  }
0x4c: {  	_ =	swait.ge [sflag:s31], $0x2000  }
0x4d: {  	[sflag:s31] =	ssyncset.done $0x0  }
0x4e: {  	s6 =	simm.s32 $0x14100;
	[sflag:s31] =	ssyncadd.s32 $0xFFFFE000  }
0x4f: {  	[tilespmem:s21], [sflag:$0x1] =	stream.indirect.gather [spmem:s2], $0x40, s6, s26, $0xb8;
	[tilespmem:$0x1D000] =	vst v63  }
0x50: {  	_ =	swait.ge [sflag:s1], $0x2000  }
0x51: {  	[sflag:s1] =	ssyncset.done $0x0  }
0x52: {  	s6 =	simm.s32 $0x16880;
	[sflag:s1] =	ssyncadd.s32 $0xFFFFE000  }
0x53: {  	[spmem:s3] =	stream.indirect.scatter.add.f32 [tilespmem:s29], [sflag:$0x4], $0x40, s6, s26, $0xb8;
	[tilespmem:$0x1D000] =	vst v63  }
0x54: {  	_ =	swait.ge [sflag:s0], $0x2000  }
0x55: {  	[sflag:s0] =	ssyncset.done $0x0  }
0x56: {  	s28 =	simm.s32 $0x400;
	s5 =	simm.s32 $0x14180;
	[sflag:s0] =	ssyncadd.s32 $0xFFFFE000  }
.LBB2_4:
0x57: {  	[tilespmem:s29], [sflag:$0x2] =	stream.indirect.gather [spmem:s2], $0x40, s5, s26, $0xb8;
	[tilespmem:$0x1D000] =	vst v63  }
0x58: {  	s5 =	smov.u32 s28  }
0x59: {  	p0 =	sne.s32 s28, $0x9800;
	s28 =	sadd.s32 $0x400, s28;
	_ =	swait.ge [sflag:s30], $0x2000  }
0x5a: {  	s5 =	sshra.s32 s5, $0x2;
	[sflag:s30] =	ssyncset.done $0x0  }
0x5b: {  	s6 =	sadd.s32 $0x16800, s5;
	[sflag:s30] =	ssyncadd.s32 $0xFFFFE000  }
0x5c: {  	[spmem:s3] =	stream.indirect.scatter.add.f32 [tilespmem:s21], [sflag:$0x3], $0x40, s6, s26, $0xb8;
	[tilespmem:$0x1D000] =	vst v63  }
0x5d: {  	_ =	swait.ge [sflag:s31], $0x2000  }
0x5e: {  	[sflag:s31] =	ssyncset.done $0x0  }
0x5f: {  	s6 =	sadd.s32 $0x14100, s5;
	[sflag:s31] =	ssyncadd.s32 $0xFFFFE000  }
0x60: {  	[tilespmem:s21], [sflag:$0x1] =	stream.indirect.gather [spmem:s2], $0x40, s6, s26, $0xb8;
	[tilespmem:$0x1D000] =	vst v63  }
0x61: {  	_ =	swait.ge [sflag:s1], $0x2000  }
0x62: {  	[sflag:s1] =	ssyncset.done $0x0  }
.Ltmp1:
0x63: {  	s6 =	sadd.s32 $0x16880, s5;
	[sflag:s1] =	ssyncadd.s32 $0xFFFFE000;
	(pc) =	sbr.rel @p0 .LBB2_4-.Ltmp1, $4  }
0x64: {  	[spmem:s3] =	stream.indirect.scatter.add.f32 [tilespmem:s29], [sflag:$0x4], $0x40, s6, s26, $0xb8;
	[tilespmem:$0x1D000] =	vst v63  }
0x65: {  	_ =	swait.ge [sflag:s0], $0x2000  }
0x66: {  	[sflag:s0] =	ssyncset.done $0x0  }
0x67: {  	s5 =	sadd.s32 $0x14180, s5;
	[sflag:s0] =	ssyncadd.s32 $0xFFFFE000  }
0x68: {  	[tilespmem:s29], [sflag:$0x2] =	stream.indirect.gather [spmem:s2], $0x40, s5, s26, $0xb8;
	[tilespmem:$0x1D000] =	vst v63  }
0x69: {  	_ =	swait.ge [sflag:s30], $0x2000  }
0x6a: {  	[sflag:s30] =	ssyncset.done $0x0  }
0x6b: {  	s6 =	simm.s32 $0x18F00;
	[sflag:s30] =	ssyncadd.s32 $0xFFFFE000  }
0x6c: {  	[spmem:s3] =	stream.indirect.scatter.add.f32 [tilespmem:s21], [sflag:$0x3], $0x40, s6, s26, $0xb8;
	[tilespmem:$0x1D000] =	vst v63  }
0x6d: {  	_ =	swait.ge [sflag:s1], $0x2000  }
0x6e: {  	[sflag:s1] =	ssyncset.done $0x0  }
0x6f: {  	s28 =	simm.s32 $0x18F80;
	[sflag:s1] =	ssyncadd.s32 $0xFFFFE000  }
0x70: {  	[spmem:s3] =	stream.indirect.scatter.add.f32 [tilespmem:s29], [sflag:$0x4], $0x40, s28, s26, $0xb8;
	[tilespmem:$0x1D000] =	vst v63  }
0x71: {  	_ =	swait.ge [sflag:s31], $0x2000  }
0x72: {  	[sflag:s31] =	ssyncset.done $0x0  }
0x73: {  	[sflag:s31] =	ssyncadd.s32 $0xFFFFE000  }
0x74: {  	_ =	swait.ge [sflag:s0], $0x2000  }
0x75: {  	[sflag:s0] =	ssyncset.done $0x0  }
0x76: {  	[sflag:s0] =	ssyncadd.s32 $0xFFFFE000  }
0x77: {  	[bflag:$0x0] =	sbarrier.arrive $0xFFFF  }
0x78: {  	[tilespmem:s21], [sflag:$0x6] =	stream.linear.gather [spmem:s7], $0x2000, $0x38;
	[tilespmem:$0x1D000] =	vst v63  }
0x79: {  	_ =	swait.ge [sflag:s22], $0x2000  }
0x7a: {  	[sflag:s22] =	ssyncset.done $0x0  }
0x7b: {  	[sflag:s22] =	ssyncadd.s32 $0xFFFFE000  }
0x7c: {  	[hbm4b:s14+s4] =	stream.linear.scatter [tilespmem:s21], [sflag:$0x6], $0x2000, $0x38;
	[tilespmem:$0x1D000] =	vst v63  }
0x7d: {  	_ =	swait.ge [sflag:s22], $0x2000  }
0x7e: {  	[sflag:s22] =	ssyncset.done $0x0  }
0x7f: {  	[sflag:s22] =	ssyncadd.s32 $0xFFFFE000  }
0x80: {  	[tilespmem:s21], [sflag:$0x6] =	stream.linear.gather [spmem:s8], $0x2000, $0x38;
	[tilespmem:$0x1D000] =	vst v63  }
0x81: {  	_ =	swait.ge [sflag:s22], $0x2000  }
0x82: {  	[sflag:s22] =	ssyncset.done $0x0  }
0x83: {  	[sflag:s22] =	ssyncadd.s32 $0xFFFFE000  }
0x84: {  	[hbm4b:s15+s4] =	stream.linear.scatter [tilespmem:s21], [sflag:$0x6], $0x2000, $0x38;
	[tilespmem:$0x1D000] =	vst v63  }
0x85: {  	_ =	swait.ge [sflag:s22], $0x2000  }
0x86: {  	[sflag:s22] =	ssyncset.done $0x0  }
0x87: {  	[sflag:s22] =	ssyncadd.s32 $0xFFFFE000  }
0x88: {  	[tilespmem:s21], [sflag:$0x6] =	stream.linear.gather [spmem:s9], $0x2000, $0x38;
	[tilespmem:$0x1D000] =	vst v63  }
0x89: {  	_ =	swait.ge [sflag:s22], $0x2000  }
0x8a: {  	[sflag:s22] =	ssyncset.done $0x0  }
0x8b: {  	[sflag:s22] =	ssyncadd.s32 $0xFFFFE000  }
0x8c: {  	[hbm4b:s16+s4] =	stream.linear.scatter [tilespmem:s21], [sflag:$0x6], $0x2000, $0x38;
	[tilespmem:$0x1D000] =	vst v63  }
0x8d: {  	_ =	swait.ge [sflag:s22], $0x2000  }
0x8e: {  	[sflag:s22] =	ssyncset.done $0x0  }
0x8f: {  	[sflag:s22] =	ssyncadd.s32 $0xFFFFE000  }
0x90: {  	[tilespmem:s21], [sflag:$0x6] =	stream.linear.gather [spmem:s10], $0x2000, $0x38;
	[tilespmem:$0x1D000] =	vst v63  }
0x91: {  	_ =	swait.ge [sflag:s22], $0x2000  }
0x92: {  	[sflag:s22] =	ssyncset.done $0x0  }
0x93: {  	[sflag:s22] =	ssyncadd.s32 $0xFFFFE000  }
0x94: {  	[hbm4b:s17+s4] =	stream.linear.scatter [tilespmem:s21], [sflag:$0x6], $0x2000, $0x38;
	[tilespmem:$0x1D000] =	vst v63  }
0x95: {  	_ =	swait.ge [sflag:s22], $0x2000  }
0x96: {  	[sflag:s22] =	ssyncset.done $0x0  }
0x97: {  	[sflag:s22] =	ssyncadd.s32 $0xFFFFE000  }
0x98: {  	[tilespmem:s21], [sflag:$0x6] =	stream.linear.gather [spmem:s11], $0x2000, $0x38;
	[tilespmem:$0x1D000] =	vst v63  }
0x99: {  	s25 =	sadd.s32 $0x1, s25;
	_ =	swait.ge [sflag:s22], $0x2000  }
0x9a: {  	p0 =	sne.s32 s25, s19;
	[sflag:s22] =	ssyncset.done $0x0  }
.Ltmp2:
0x9b: {  	[sflag:s22] =	ssyncadd.s32 $0xFFFFE000;
	(pc) =	sbr.rel @p0 .LBB2_1-.Ltmp2, $4  }
0x9c: {  	[hbm4b:s18+s4] =	stream.linear.scatter [tilespmem:s21], [sflag:$0x6], $0x2000, $0x38;
	[tilespmem:$0x1D000] =	vst v63  }
0x9d: {  	_ =	swait.ge [sflag:s22], $0x2000  }
0x9e: {  	[sflag:s22] =	ssyncset.done $0x0  }
0x9f: {  	[sflag:s22] =	ssyncadd.s32 $0xFFFFE000  }
0xa0: {  	_ =	sfence.sel $0x180000  }
0xa1: {  	[bflag:$0x0] =	sbarrier.arrive $0xFFFF  }
0xa2: {  	_ =	strace $0x9000004D  }
0xa3: {  	s0 =	stileid.u32;
	[bflag:$0x2] =	sbarrier.arrive $0xFFFF  }
0xa4: {  	p0 =	sne.s32 s0, $0x0;
	s0 =	rddreg [dreg:$0x3]  }
0xa5: {  	s0 =	sadd.s32 @!p0 $0x100000, s0  }
0xa6: {  	[sflag:s0] =	ssyncadd.tile.s32 @!p0 $0x1;
	_ =	shalt  }
.Lfunc_end2:
_tile_overlayer_lowered:
.L_overlay_start_2:
0xa7: {  	(tag) =	ssettag $0x2  }
0xa8: {  	s0 =	rddreg [dreg:$0x0];
	s2 =	stileid.u32  }
0xa9: {  	s1 =	rddreg [dreg:$0x1];
	p0 =	sne.s32 s2, $0x0  }
0xaa: {  	s3 =	rddreg [dreg:$0x2];
	[bflag:$0x3] =	sbarrier.arrive $0xFFFF;
	s2 =	simm.s32 @!p0 $0x1C06  }
0xab: {  	[timem:s3], [sflag:s2] =	dma.local @!p0 [hbm:s0], s1  }
0xac: {  	s0 =	simm.s32 @!p0 $0x6  }
0xad: {  	_ =	swait.ge @!p0 [sflag:s0], s1  }
0xae: {  	s1 =	ssub.s32 @!p0 $0x0, s1;
	[sflag:s0] =	ssyncset.done @!p0 $0x0  }
0xaf: {  	[sflag:s0] =	ssyncadd.s32 @!p0 s1  }
0xb0: {  	[bflag:$0x3] =	sbarrier.arrive $0xFFFF  }
0xb1: {  	_ =	shalt  }

// kernel: kernel.8.cloned.1.call-start
scs
__scs_entry_jumppad:
0x0: {  	(pc) =	sbr.rel $0x88, $3  }
0x1: {  	(tag) =	ssettag $0x0;
	lr =	simm.s32 $0x1  }
0x2: {  	[smem:$0x3F96] =	sst lr;
	_ =	strace $0xD0000000  }
0x3: {  	_ = 	snop  }
0x4: {  	_ = 	snop  }
0x5: {  	_ = 	snop  }
0x6: {  	_ = 	snop  }
0x7: {  	_ = 	snop  }
__scs_overlays_trampoline_lowered:
0x8: {  	[smem:$0x3FA5] =	sst s0  }
0x9: {  	[smem:$0x3FA6] =	sst s1  }
0xa: {  	[smem:$0x3FA7] =	sst s2  }
0xb: {  	[smem:$0x3FA8] =	sst s3  }
0xc: {  	[smem:$0x3FA9] =	sst s4  }
0xd: {  	[smem:$0x3FAA] =	sst s5  }
0xe: {  	[smem:$0x3FAB] =	sst s6  }
0xf: {  	[smem:$0x3FAC] =	sst s7  }
0x10: {  	[smem:$0x3FAD] =	sst s8  }
0x11: {  	[smem:$0x3FAE] =	sst s9;
	s0 =	simm.s32 @!p0 $0x0  }
0x12: {  	s1 =	sld [smem:$0x3F94];
	s0 =	simm.s32 @p0 $0x1  }
0x13: {  	[smem:$0x3FAF] =	sst s0;
	s0 =	simm.s32 @!p1 $0x0  }
0x14: {  	s2 =	sld [smem:$0x3F93];
	s0 =	simm.s32 @p1 $0x1  }
0x15: {  	[smem:$0x3FB0] =	sst s0;
	s0 =	simm.s32 @!p2 $0x0  }
0x16: {  	s3 =	sld [smem:$0x3FDB];
	s0 =	simm.s32 @p2 $0x1  }
0x17: {  	s4 =	simm.s32 $0x1BF5;
	[smem:$0x3FB2] =	sst s0  }
0x18: {  	s0 =	sld [smem:$0x3F95];
	_ =	swait.ge [sflag:s4], $0x0  }
0x19: {  	s7 =	sld [smem:$0x3F96]  }
0x1a: {  	s8 =	sadd.s32 $0xFFFFE003, lr  }
0x1b: {  	s9 =	sadd.s32 $0xFFFFFEF7, lr;
	s5 =	simm.s32 $0xFFFFFFFF;
	p2 =	slt.u32 s8, $0xFFFFF086  }
0x1c: {  	p1 =	slt.u32 s9, $0xF7A;
	s5 =	simm.s32 @!p2 $0x0  }
0x1d: {  	s5 =	simm.s32 @p1 $0x1;
	p0 =	seq.s32 s7, s2  }
0x1e: {  	s7 =	smul.u32 @!p0 $0xF7A, s2;
	p2 =	seq.s32 @!p0 s5, $0x0  }
0x1f: {  	s9 =	smul.u32 $0xF7A, s1;
	s8 =	simm.s32 @!p0 $0x1BF5;
	p2 =	por !p2, p0  }
0x20: {  	[sflag:s8] =	ssyncset.s32 @!p0 $0xFFFFF086;
	s6 =	sadd.s32 @!p0 s3, s7;
	s7 =	simm.s32 @!p0 $0x108  }
0x21: {  	s3 =	sadd.s32 s3, s9;
	s6 =	sadd.s32 @!p0 $0x88, s6;
	s7 =	simm.s32 @p2 $0x1082  }
0x22: {  	[simem:s7], [sflag:s8] =	dma.local @!p0 [hbm:s6], $0xF7A  }
0x23: {  	s9 =	sor.u32 $0xD0000000, s2;
	s6 =	simm.s32 $0x108;
	_ =	swait.ge @!p0 [sflag:s8], $0x0  }
0x24: {  	s3 =	sadd.s32 $0x88, s3;
	s6 =	simm.s32 @!p1 $0x1082;
	[sflag:s4] =	ssyncset.s32 $0xFFFFF086  }
0x25: {  	[simem:s6], [sflag:s4] =	dma.local [hbm:s3], $0xF7A  }
0x26: {  	[smem:$0x3F96] =	sst s1;
	(tag) =	ssettag s2;
	_ =	strace s9  }
0x27: {  	s1 =	sld [smem:$0x3FA6]  }
0x28: {  	s2 =	sld [smem:$0x3FA7]  }
0x29: {  	s4 =	sld [smem:$0x3FA9]  }
0x2a: {  	p0 =	seq.s32 s5, $0x0;
	s5 =	sld [smem:$0x3FAA]  }
0x2b: {  	s6 =	sld [smem:$0x3FAB]  }
0x2c: {  	s7 =	sld [smem:$0x3FAC]  }
0x2d: {  	s3 =	simm.s32 $0x108;
	s8 =	sld [smem:$0x3FAD]  }
0x2e: {  	s3 =	simm.s32 @!p0 $0x1082;
	s9 =	sld [smem:$0x3FAE]  }
0x2f: {  	lr =	sadd.s32 s0, s3;
	s0 =	sld [smem:$0x3FA5]  }
0x30: {  	s3 =	sld [smem:$0x3FA8]  }
0x31: {  	[smem:$0x3FB1] =	sst s10  }
0x32: {  	s10 =	sld [smem:$0x3FAF];
	_ =	sdelay $0x3  }
0x33: {  	p0 =	seq.s32 s10, $0x1;
	s10 =	sld [smem:$0x3FB1];
	_ =	sdelay $0x3  }
0x34: {  	[smem:$0x3FB1] =	sst s10  }
0x35: {  	s10 =	sld [smem:$0x3FB0];
	_ =	sdelay $0x3  }
0x36: {  	p1 =	seq.s32 s10, $0x1;
	s10 =	sld [smem:$0x3FB1];
	_ =	sdelay $0x3  }
0x37: {  	[smem:$0x3FB1] =	sst s10  }
0x38: {  	s10 =	sld [smem:$0x3FB2]  }
0x39: {  	_ = 	snop;
	(pc) =	sbr.ind lr, $3  }
0x3a: {  	_ = 	snop  }
0x3b: {  	_ = 	snop  }
0x3c: {  	p2 =	seq.s32 s10, $0x1;
	s10 =	sld [smem:$0x3FB1]  }
0x3d: {  	_ =	shalt  }
0x3e: {  	_ =	shalt  }
0x3f: {  	_ =	shalt  }
0x40: {  	_ =	shalt  }
0x41: {  	_ =	shalt  }
0x42: {  	_ =	shalt  }
0x43: {  	_ =	shalt  }
0x44: {  	_ =	shalt  }
0x45: {  	_ =	shalt  }
0x46: {  	_ =	shalt  }
0x47: {  	_ =	shalt  }
0x48: {  	_ =	shalt  }
0x49: {  	_ =	shalt  }
0x4a: {  	_ =	shalt  }
0x4b: {  	_ =	shalt  }
0x4c: {  	_ =	shalt  }
0x4d: {  	_ =	shalt  }
0x4e: {  	_ =	shalt  }
0x4f: {  	_ =	shalt  }
0x50: {  	_ =	shalt  }
0x51: {  	_ =	shalt  }
0x52: {  	_ =	shalt  }
0x53: {  	_ =	shalt  }
0x54: {  	_ =	shalt  }
0x55: {  	_ =	shalt  }
0x56: {  	_ =	shalt  }
0x57: {  	_ =	shalt  }
0x58: {  	_ =	shalt  }
0x59: {  	_ =	shalt  }
0x5a: {  	_ =	shalt  }
0x5b: {  	_ =	shalt  }
0x5c: {  	_ =	shalt  }
0x5d: {  	_ =	shalt  }
0x5e: {  	_ =	shalt  }
0x5f: {  	_ =	shalt  }
0x60: {  	_ =	shalt  }
0x61: {  	_ =	shalt  }
0x62: {  	_ =	shalt  }
0x63: {  	_ =	shalt  }
0x64: {  	_ =	shalt  }
0x65: {  	_ =	shalt  }
0x66: {  	_ =	shalt  }
0x67: {  	_ =	shalt  }
0x68: {  	_ =	shalt  }
0x69: {  	_ =	shalt  }
0x6a: {  	_ =	shalt  }
0x6b: {  	_ =	shalt  }
0x6c: {  	_ =	shalt  }
0x6d: {  	_ =	shalt  }
0x6e: {  	_ =	shalt  }
0x6f: {  	_ =	shalt  }
0x70: {  	_ =	shalt  }
0x71: {  	_ =	shalt  }
0x72: {  	_ =	shalt  }
0x73: {  	_ =	shalt  }
0x74: {  	_ =	shalt  }
0x75: {  	_ =	shalt  }
0x76: {  	_ =	shalt  }
0x77: {  	_ =	shalt  }
0x78: {  	_ =	shalt  }
0x79: {  	_ =	shalt  }
0x7a: {  	_ =	shalt  }
0x7b: {  	_ =	shalt  }
0x7c: {  	_ =	shalt  }
0x7d: {  	_ =	shalt  }
0x7e: {  	_ =	shalt  }
0x7f: {  	_ =	shalt  }
0x80: {  	_ =	shalt  }
0x81: {  	_ =	shalt  }
0x82: {  	_ =	shalt  }
0x83: {  	_ =	shalt  }
0x84: {  	_ =	shalt  }
0x85: {  	_ =	shalt  }
0x86: {  	_ =	shalt  }
0x87: {  	_ =	shalt  }
.Lfunc_end0:
.L_simem_size_0:
called_computation_lowered:
.L_overlay_start_0:
0x88: {  	s2 =	sld [smem:$0x3FD9]  }
0x89: {  	s3 =	sld [smem:$0x3FFE];
	_ =	sdelay $0x1  }
0x8a: {  	s1 =	srdreg.scid  }
0x8b: {  	s0 =	sand.u32 $0x1, s1  }
0x8c: {  	s16 =	sshll.u32 s0, $0xA;
	s2 =	sadd.s32 s3, s2  }
0x8d: {  	s2 =	sadd.s32 s2, s16  }
0x8e: {  	[smem:$0x3FBD] =	sst s2  }
0x8f: {  	_ = 	snop  }
0x90: {  	(tm) =	ssettm $0x1  }
0x91: {  	s17 =	sld [smem:$0x3FFB];
	_ =	sdelay $0x3  }
0x92: {  	_ =	strace s17  }
0x93: {  	s2 =	sld [smem:$0x3FFC];
	_ =	sdelay $0x3  }
0x94: {  	_ =	strace s2  }
0x95: {  	s2 =	sld [smem:$0x3FFD];
	_ =	sdelay $0x3  }
0x96: {  	_ =	strace s2  }
0x97: {  	_ =	strace $0x8FFFFFFF  }
0x98: {  	s18 =	sld [smem:$0x3FDB];
	_ =	sdelay $0x1  }
0x99: {  	s19 =	simm.s32 $_scs_section_size  }
0x9a: {  	s4 =	simm.s32 $_size__tile_overlayer_lowered;
	s5 =	simm.s32 $_tile_overlayer_lowered  }
0x9b: {  	s22 =	simm.s32 $0x1BFF;
	s21 =	sshll.u32 s5, $0x1;
	s2 =	sadd.s32 s19, s18  }
0x9c: {  	s6 =	simm.s32 $0x0;
	s20 =	sshll.u32 s4, $0x1;
	s4 =	sadd.s32 s21, s2  }
0x9d: {  	[timem:s6], [sflag:s22] =	dma.local [hbm:s4], s20  }
0x9e: {  	_ =	swait.ge [sflag:s22], s20  }
0x9f: {  	s3 =	ssub.s32 $0x0, s20;
	[sflag:s22] =	ssyncset.done $0x0  }
0xa0: {  	[sflag:s22] =	ssyncadd.s32 s3;
	_ =	sdelay $0x1  }
0xa1: {  	s23 =	simm.s32 $0x1B8B  }
0xa2: {  	_ =	swait.ge [sflag:s23], $0x1  }
0xa3: {  	[sflag:s23] =	ssyncset.done $0x0  }
0xa4: {  	s25 =	simm.s32 $0x1B8E;
	s24 =	sld [smem:$0x3FFE];
	[sflag:s23] =	ssyncadd.s32 $0xFFFFFFFF  }
0xa5: {  	s26 =	simm.s32 $execute0_lowered;
	[smem:$0x3FD2] =	sst s25  }
0xa6: {  	s4 =	sshll.u32 s26, $0x1;
	_ =	strace $0x80000046;
	[dreg:$0x1] =	wrdreg $0xFFFFFFFF  }
0xa7: {  	s28 =	simm.s32 $_size_execute0_lowered;
	s2 =	sadd.s32 s2, s4;
	[dreg:$0x0] =	wrdreg $0x0  }
0xa8: {  	s4 =	sshll.u32 s28, $0x1;
	[dreg:$0x2] =	wrdreg s2  }
0xa9: {  	[dreg:$0x3] =	wrdreg s4  }
0xaa: {  	[dreg:$0x4] =	wrdreg $0xC0  }
0xab: {  	_ =	task [dreg:s6], $0x5FFFF  }
0xac: {  	[dreg:$0x1] =	wrdreg $0xFFFFFFFF  }
0xad: {  	[dreg:$0x0] =	wrdreg $0x60  }
0xae: {  	[dreg:$0x2] =	wrdreg s24  }
0xaf: {  	[dreg:$0x3] =	wrdreg $0x0  }
0xb0: {  	[dreg:$0x4] =	wrdreg $0x9  }
0xb1: {  	_ =	task.clear_ibuf [dreg:s6], $0x5FFFF;
	_ =	strace $0x90000046  }
0xb2: {  	s29 =	simm.s32 $0x9;
	_ =	strace $0x80000048  }
0xb3: {  	_ =	swait.ge [sflag:s29], $0x1  }
0xb4: {  	[sflag:s29] =	ssyncadd.s32 $0xFFFFFFFF  }
0xb5: {  	_ =	strace $0x90000048  }
0xb6: {  	_ =	sfence  }
0xb7: {  	s30 =	sld [smem:$0x0];
	_ =	sdelay $0x2  }
0xb8: {  	s31 =	sshll.u32 s1, $0xD;
	s1 =	sshrl.u32 s1, $0x2  }
0xb9: {  	s3 =	sand.u32 $0x4000, s31;
	s1 =	sadd.s32 s1, s30  }
0xba: {  	s0 =	sor.u32 s3, s0;
	s1 =	sshll.u32 s1, $0x11  }
0xbb: {  	s0 =	sor.u32 s1, s0  }
0xbc: {  	s0 =	sadd.s32 $0x8F2B, s0  }
0xbd: {  	[sflag:s0] =	ssyncadd.remote.s32 $0x1  }
0xbe: {  	_ =	sfence.sel $0xFFFF  }
0xbf: {  	[dreg:$0x0] =	wrdreg $0xFFFFFFFF;
	(pc) =	sbr.abs _section_cstart, $3  }
0xc0: {  	[dreg:$0x1] =	wrdreg $0xFFFFFFFF  }
0xc1: {  	_ =	task.clear_ibuf [dreg:s6], $0x2FFFF;
	_ =	strace $0x9FFFFFFF  }
0xc2: {  	(tm) =	ssettm $0x7FFFFFFF  }
0xc3: {  	_ =	shalt  }
tec
execute0_lowered:
.L_overlay_start_1:
0x0: {  	(tag) =	ssettag $0x1  }
0x1: {  	s0 =	srdreg.scid  }
0x2: {  	s1 =	rddreg [dreg:$0x0];
	s7 =	stileid.u32  }
0x3: {  	s2 =	rddreg [dreg:$0x1];
	s3 =	simm.s32 $0x0;
	s13 =	simm.s32 $0x5800  }
0x4: {  	s14 =	simm.s32 $0x2;
	s16 =	simm.s32 $0x80;
	s17 =	simm.s32 $0x2800  }
0x5: {  	s18 =	simm.s32 $0x10000;
	s19 =	simm.s32 $0x6000;
	s5 =	smul.u32 $0x2800, s7  }
0x6: {  	s20 =	simm.s32 $0x10780;
	s21 =	simm.s32 $0xD800;
	s6 =	smul.u32 $0x140, s7  }
0x7: {  	s28 =	simm.s32 $0xF000;
	s0 =	sand.u32 $0x1, s0;
	s22 =	smul.u32 $0xA000, s7  }
0x8: {  	s29 =	simm.s32 $0x10980;
	s30 =	simm.s32 $0xF800;
	s4 =	smul.u32 $0x28000, s0  }
0x9: {  	s31 =	simm.s32 $0x1;
	[smem:$0x7FF] =	sst s3;
	s23 =	smul.u32 $0xA0000, s0  }
0xa: {  	_ =	strace $0x80000047;
	s0 =	ssub.s32 $0x2, s0;
	s10 =	sadd.s32 s6, s1  }
0xb: {  	s26 =	sshrl.u32 s0, $0x1;
	s4 =	sadd.s32 s5, s4;
	s24 =	sadd.s32 s22, s23  }
0xc: {  	s5 =	sshrl.u32 s22, $0x2;
	s0 =	ssub.s32 s0, s26;
	s10 =	sadd.s32 $0x2C00, s10  }
0xd: {  	s22 =	simm.s32 $0x10800;
	s23 =	simm.s32 $0xE000;
	s26 =	simm.s32 $0x10900  }
0xe: {  	s4 =	sshrl.u32 s4, $0x3;
	s25 =	sshrl.u32 s24, $0x3;
	s12 =	smax.u32 s0, $0x1  }
0xf: {  	s24 =	simm.s32 $0x10880;
	s9 =	sadd.s32 s4, s1;
	s4 =	sadd.s32 s5, s2  }
0x10: {  	s1 =	sadd.s32 s25, s1;
	s25 =	simm.s32 $0xE800;
	s5 =	sadd.s32 $0x800, s4  }
0x11: {  	s6 =	sadd.s32 $0x1000, s4;
	s7 =	sadd.s32 $0x1800, s4;
	s8 =	sadd.s32 $0x2000, s4  }
0x12: {  	v0 =	vimm.f32 $1.000000000e+00;
	v1 =	vimm.f32 $0.0e+00;
	s9 =	sadd.s32 $0x4000, s9;
	s11 =	sadd.s32 $0xE000, s1;
	s1 =	simm.s32 $0x0  }
.LBB2_1:
0x13: {  	s0 =	simm.s32 $0x0  }
.LBB2_2:
0x14: {  	p0 =	sne.s32 s0, $0x1FC0  }
.Ltmp0:
0x15: {  	_ = 	snop;
	(pc) =	sbr.rel @p0 .LBB2_2-.Ltmp0, $3  }
0x16: {  	_ =	sdelay $0x1  }
0x17: {  	s15 =	sshra.s32 s0, $0x2  }
0x18: {  	s0 =	sadd.s32 $0x40, s0;
	[tilespmem:s15+$0x2800] =	vst v0  }
0x19: {  	s0 =	simm.s32 $0x40;
	s15 =	simm.s32 $0x0  }
.LBB2_4:
0x1a: {  	p0 =	sne.s32 s0, $0x1FC0;
	[tilespmem:s15+$0x5800] =	vst v1;
	s15 =	smov.u32 s0;
	s0 =	sadd.s32 $0x40, s0  }
.Ltmp1:
0x1b: {  	(pc) =	sbr.rel @p0 .LBB2_4-.Ltmp1, $2  }
0x1c: {  	_ =	sdelay $0x2  }
0x1d: {  	s15 =	sshra.s32 s15, $0x2  }
0x1e: {  	[tilespmem:s15+$0x5800] =	vst v1  }
0x1f: {  	[spmem:s4] =	stream.linear.scatter [tilespmem:s13], [sflag:$0x2], $0x800, $0x38;
	[tilespmem:$0x10A00] =	vst v63  }
0x20: {  	_ =	swait.ge [sflag:s14], $0x800  }
0x21: {  	[sflag:s14] =	ssyncset.done $0x0  }
0x22: {  	[sflag:s14] =	ssyncadd.s32 $0xFFFFF800  }
0x23: {  	[spmem:s5] =	stream.linear.scatter [tilespmem:s13], [sflag:$0x2], $0x800, $0x38;
	[tilespmem:$0x10A00] =	vst v63  }
0x24: {  	_ =	swait.ge [sflag:s14], $0x800  }
0x25: {  	[sflag:s14] =	ssyncset.done $0x0  }
0x26: {  	[sflag:s14] =	ssyncadd.s32 $0xFFFFF800  }
0x27: {  	[spmem:s6] =	stream.linear.scatter [tilespmem:s13], [sflag:$0x2], $0x800, $0x38;
	[tilespmem:$0x10A00] =	vst v63  }
0x28: {  	_ =	swait.ge [sflag:s14], $0x800  }
0x29: {  	[sflag:s14] =	ssyncset.done $0x0  }
0x2a: {  	[sflag:s14] =	ssyncadd.s32 $0xFFFFF800  }
0x2b: {  	[spmem:s7] =	stream.linear.scatter [tilespmem:s13], [sflag:$0x2], $0x800, $0x38;
	[tilespmem:$0x10A00] =	vst v63  }
0x2c: {  	_ =	swait.ge [sflag:s14], $0x800  }
0x2d: {  	[sflag:s14] =	ssyncset.done $0x0  }
0x2e: {  	[sflag:s14] =	ssyncadd.s32 $0xFFFFF800  }
0x2f: {  	[spmem:s8] =	stream.linear.scatter [tilespmem:s13], [sflag:$0x2], $0x800, $0x38;
	[tilespmem:$0x10A00] =	vst v63  }
0x30: {  	_ =	swait.ge [sflag:s14], $0x800  }
0x31: {  	[sflag:s14] =	ssyncset.done $0x0  }
0x32: {  	[sflag:s14] =	ssyncadd.s32 $0xFFFFF800  }
0x33: {  	s0 =	simm.s32 $0x0;
	s15 =	simm.s32 $0x3000;
	[bflag:$0x0] =	sbarrier.arrive $0xFFFF  }
0x34: {  	[tilespmem:s15], [sflag:$0x2] =	stream.linear.gather [hbm4b:s9+s0], $0x2800, $0x38;
	[tilespmem:$0x10A00] =	vst v63  }
0x35: {  	_ =	swait.ge [sflag:s14], $0x2800  }
0x36: {  	[sflag:s14] =	ssyncset.done $0x0  }
0x37: {  	s15 =	simm.s32 $0x3000;
	[sflag:s14] =	ssyncadd.s32 $0xFFFFD800  }
0x38: {  	[spmem:s2] =	stream.indirect.scatter.add.f32 [tilespmem:s17], [sflag:$0x2], $0x10, s15, s16, $0xb8;
	[tilespmem:$0x10A00] =	vst v63  }
0x39: {  	s0 =	simm.s32 $0x200;
	_ =	swait.ge [sflag:s14], $0x800  }
.LBB2_6:
0x3a: {  	s15 =	sshra.s32 s0, $0x2;
	[sflag:s14] =	ssyncset.done $0x0;
	p0 =	sne.s32 s0, $0x9E00  }
.Ltmp2:
0x3b: {  	s15 =	sadd.s32 $0x3000, s15;
	[sflag:s14] =	ssyncadd.s32 $0xFFFFF800;
	(pc) =	sbr.rel @p0 .LBB2_6-.Ltmp2, $3  }
0x3c: {  	[spmem:s2] =	stream.indirect.scatter.add.f32 [tilespmem:s17], [sflag:$0x2], $0x10, s15, s16, $0xb8;
	[tilespmem:$0x10A00] =	vst v63  }
0x3d: {  	s0 =	sadd.s32 $0x200, s0;
	_ =	sdelay $0x1  }
0x3e: {  	_ =	swait.ge [sflag:s14], $0x800  }
0x3f: {  	[sflag:s14] =	ssyncset.done $0x0  }
0x40: {  	[sflag:s14] =	ssyncadd.s32 $0xFFFFF800  }
0x41: {  	[bflag:$0x0] =	sbarrier.arrive $0xFFFF  }
0x42: {  	[tilespmem:s18], [sflag:$0x2] =	stream.linear.gather [hbm4b:s10+s3], $0xA00, $0x38;
	[tilespmem:$0x10A00] =	vst v63  }
0x43: {  	_ =	swait.ge [sflag:s14], $0xA00  }
0x44: {  	[sflag:s14] =	ssyncset.done $0x0  }
0x45: {  	[sflag:s14] =	ssyncadd.s32 $0xFFFFF600  }
0x46: {  	[tilespmem:s19], [sflag:$0x1] =	stream.indirect.gather [spmem:s2], $0x10, s18, s16, $0xb8;
	[tilespmem:$0x10A00] =	vst v63  }
0x47: {  	s0 =	simm.s32 $0x10080;
	s15 =	simm.s32 $0x6800  }
0x48: {  	[tilespmem:s15], [sflag:$0x1] =	stream.indirect.gather [spmem:s2], $0x10, s0, s16, $0xb8;
	[tilespmem:$0x10A00] =	vst v63  }
0x49: {  	s0 =	simm.s32 $0x10100;
	s15 =	simm.s32 $0x7000  }
0x4a: {  	[tilespmem:s15], [sflag:$0x1] =	stream.indirect.gather [spmem:s2], $0x10, s0, s16, $0xb8;
	[tilespmem:$0x10A00] =	vst v63  }
0x4b: {  	s0 =	simm.s32 $0x10180;
	s15 =	simm.s32 $0x7800  }
0x4c: {  	[tilespmem:s15], [sflag:$0x1] =	stream.indirect.gather [spmem:s2], $0x10, s0, s16, $0xb8;
	[tilespmem:$0x10A00] =	vst v63  }
0x4d: {  	s0 =	simm.s32 $0x10200;
	s15 =	simm.s32 $0x8000  }
0x4e: {  	[tilespmem:s15], [sflag:$0x1] =	stream.indirect.gather [spmem:s2], $0x10, s0, s16, $0xb8;
	[tilespmem:$0x10A00] =	vst v63  }
0x4f: {  	s0 =	simm.s32 $0x10280;
	s15 =	simm.s32 $0x8800  }
0x50: {  	[tilespmem:s15], [sflag:$0x1] =	stream.indirect.gather [spmem:s2], $0x10, s0, s16, $0xb8;
	[tilespmem:$0x10A00] =	vst v63  }
0x51: {  	s0 =	simm.s32 $0x10300;
	s15 =	simm.s32 $0x9000  }
0x52: {  	[tilespmem:s15], [sflag:$0x1] =	stream.indirect.gather [spmem:s2], $0x10, s0, s16, $0xb8;
	[tilespmem:$0x10A00] =	vst v63  }
0x53: {  	s0 =	simm.s32 $0x10380;
	s15 =	simm.s32 $0x9800  }
0x54: {  	[tilespmem:s15], [sflag:$0x1] =	stream.indirect.gather [spmem:s2], $0x10, s0, s16, $0xb8;
	[tilespmem:$0x10A00] =	vst v63  }
0x55: {  	s0 =	simm.s32 $0x10400;
	s15 =	simm.s32 $0xA000  }
0x56: {  	[tilespmem:s15], [sflag:$0x1] =	stream.indirect.gather [spmem:s2], $0x10, s0, s16, $0xb8;
	[tilespmem:$0x10A00] =	vst v63  }
0x57: {  	s0 =	simm.s32 $0x10480;
	s15 =	simm.s32 $0xA800  }
0x58: {  	[tilespmem:s15], [sflag:$0x1] =	stream.indirect.gather [spmem:s2], $0x10, s0, s16, $0xb8;
	[tilespmem:$0x10A00] =	vst v63  }
0x59: {  	s0 =	simm.s32 $0x10500;
	s15 =	simm.s32 $0xB000  }
0x5a: {  	[tilespmem:s15], [sflag:$0x1] =	stream.indirect.gather [spmem:s2], $0x10, s0, s16, $0xb8;
	[tilespmem:$0x10A00] =	vst v63  }
0x5b: {  	s0 =	simm.s32 $0x10580;
	s15 =	simm.s32 $0xB800  }
0x5c: {  	[tilespmem:s15], [sflag:$0x1] =	stream.indirect.gather [spmem:s2], $0x10, s0, s16, $0xb8;
	[tilespmem:$0x10A00] =	vst v63  }
0x5d: {  	s0 =	simm.s32 $0x10600;
	s15 =	simm.s32 $0xC000  }
0x5e: {  	[tilespmem:s15], [sflag:$0x1] =	stream.indirect.gather [spmem:s2], $0x10, s0, s16, $0xb8;
	[tilespmem:$0x10A00] =	vst v63  }
0x5f: {  	s0 =	simm.s32 $0x10680;
	s15 =	simm.s32 $0xC800  }
0x60: {  	[tilespmem:s15], [sflag:$0x1] =	stream.indirect.gather [spmem:s2], $0x10, s0, s16, $0xb8;
	[tilespmem:$0x10A00] =	vst v63  }
0x61: {  	s0 =	simm.s32 $0x10700;
	s15 =	simm.s32 $0xD000  }
0x62: {  	[tilespmem:s15], [sflag:$0x1] =	stream.indirect.gather [spmem:s2], $0x10, s0, s16, $0xb8;
	[tilespmem:$0x10A00] =	vst v63  }
0x63: {  	_ = 	snop  }
0x64: {  	[tilespmem:s21], [sflag:$0x1] =	stream.indirect.gather [spmem:s2], $0x10, s20, s16, $0xb8;
	[tilespmem:$0x10A00] =	vst v63  }
0x65: {  	_ = 	snop  }
0x66: {  	[tilespmem:s23], [sflag:$0x1] =	stream.indirect.gather [spmem:s2], $0x10, s22, s16, $0xb8;
	[tilespmem:$0x10A00] =	vst v63  }
0x67: {  	_ = 	snop  }
0x68: {  	[tilespmem:s25], [sflag:$0x1] =	stream.indirect.gather [spmem:s2], $0x10, s24, s16, $0xb8;
	[tilespmem:$0x10A00] =	vst v63  }
0x69: {  	_ = 	snop  }
0x6a: {  	[tilespmem:s28], [sflag:$0x1] =	stream.indirect.gather [spmem:s2], $0x10, s26, s16, $0xb8;
	[tilespmem:$0x10A00] =	vst v63  }
0x6b: {  	_ = 	snop  }
0x6c: {  	[tilespmem:s30], [sflag:$0x1] =	stream.indirect.gather [spmem:s2], $0x10, s29, s16, $0xb8;
	[tilespmem:$0x10A00] =	vst v63  }
0x6d: {  	_ =	swait.ge [sflag:s31], $0x800  }
0x6e: {  	[sflag:s31] =	ssyncset.done $0x0  }
0x6f: {  	[sflag:s31] =	ssyncadd.s32 $0xFFFFF800  }
0x70: {  	_ =	swait.ge [sflag:s31], $0x800  }
0x71: {  	[sflag:s31] =	ssyncset.done $0x0  }
0x72: {  	[sflag:s31] =	ssyncadd.s32 $0xFFFFF800  }
0x73: {  	_ =	swait.ge [sflag:s31], $0x800  }
0x74: {  	[sflag:s31] =	ssyncset.done $0x0  }
0x75: {  	[sflag:s31] =	ssyncadd.s32 $0xFFFFF800  }
0x76: {  	_ =	swait.ge [sflag:s31], $0x800  }
0x77: {  	[sflag:s31] =	ssyncset.done $0x0  }
0x78: {  	[sflag:s31] =	ssyncadd.s32 $0xFFFFF800  }
0x79: {  	_ =	swait.ge [sflag:s31], $0x800  }
0x7a: {  	[sflag:s31] =	ssyncset.done $0x0  }
0x7b: {  	[sflag:s31] =	ssyncadd.s32 $0xFFFFF800  }
0x7c: {  	_ =	swait.ge [sflag:s31], $0x800  }
0x7d: {  	[sflag:s31] =	ssyncset.done $0x0  }
0x7e: {  	[sflag:s31] =	ssyncadd.s32 $0xFFFFF800  }
0x7f: {  	_ =	swait.ge [sflag:s31], $0x800  }
0x80: {  	[sflag:s31] =	ssyncset.done $0x0  }
0x81: {  	[sflag:s31] =	ssyncadd.s32 $0xFFFFF800  }
0x82: {  	_ =	swait.ge [sflag:s31], $0x800  }
0x83: {  	[sflag:s31] =	ssyncset.done $0x0  }
0x84: {  	[sflag:s31] =	ssyncadd.s32 $0xFFFFF800  }
0x85: {  	_ =	swait.ge [sflag:s31], $0x800  }
0x86: {  	[sflag:s31] =	ssyncset.done $0x0  }
0x87: {  	[sflag:s31] =	ssyncadd.s32 $0xFFFFF800  }
0x88: {  	_ =	swait.ge [sflag:s31], $0x800  }
0x89: {  	[sflag:s31] =	ssyncset.done $0x0  }
0x8a: {  	[sflag:s31] =	ssyncadd.s32 $0xFFFFF800  }
0x8b: {  	_ =	swait.ge [sflag:s31], $0x800  }
0x8c: {  	[sflag:s31] =	ssyncset.done $0x0  }
0x8d: {  	[sflag:s31] =	ssyncadd.s32 $0xFFFFF800  }
0x8e: {  	_ =	swait.ge [sflag:s31], $0x800  }
0x8f: {  	[sflag:s31] =	ssyncset.done $0x0  }
0x90: {  	[sflag:s31] =	ssyncadd.s32 $0xFFFFF800  }
0x91: {  	_ =	swait.ge [sflag:s31], $0x800  }
0x92: {  	[sflag:s31] =	ssyncset.done $0x0  }
0x93: {  	[sflag:s31] =	ssyncadd.s32 $0xFFFFF800  }
0x94: {  	_ =	swait.ge [sflag:s31], $0x800  }
0x95: {  	[sflag:s31] =	ssyncset.done $0x0  }
0x96: {  	[sflag:s31] =	ssyncadd.s32 $0xFFFFF800  }
0x97: {  	_ =	swait.ge [sflag:s31], $0x800  }
0x98: {  	[sflag:s31] =	ssyncset.done $0x0  }
0x99: {  	[sflag:s31] =	ssyncadd.s32 $0xFFFFF800  }
0x9a: {  	_ =	swait.ge [sflag:s31], $0x800  }
0x9b: {  	[sflag:s31] =	ssyncset.done $0x0  }
0x9c: {  	[sflag:s31] =	ssyncadd.s32 $0xFFFFF800  }
0x9d: {  	_ =	swait.ge [sflag:s31], $0x800  }
0x9e: {  	[sflag:s31] =	ssyncset.done $0x0  }
0x9f: {  	[sflag:s31] =	ssyncadd.s32 $0xFFFFF800  }
0xa0: {  	_ =	swait.ge [sflag:s31], $0x800  }
0xa1: {  	[sflag:s31] =	ssyncset.done $0x0  }
0xa2: {  	[sflag:s31] =	ssyncadd.s32 $0xFFFFF800  }
0xa3: {  	_ =	swait.ge [sflag:s31], $0x800  }
0xa4: {  	[sflag:s31] =	ssyncset.done $0x0  }
0xa5: {  	[sflag:s31] =	ssyncadd.s32 $0xFFFFF800  }
0xa6: {  	s1 =	sadd.s32 $0x1, s1;
	_ =	swait.ge [sflag:s31], $0x800  }
0xa7: {  	p0 =	sne.s32 s1, s12;
	[sflag:s31] =	ssyncset.done $0x0  }
.Ltmp3:
0xa8: {  	[sflag:s31] =	ssyncadd.s32 $0xFFFFF800;
	(pc) =	sbr.rel @p0 .LBB2_1-.Ltmp3, $4  }
0xa9: {  	[hbm4b:s11+s3] =	stream.linear.scatter [tilespmem:s19], [sflag:$0x2], $0xA000, $0x38;
	[tilespmem:$0x10A00] =	vst v63  }
0xaa: {  	_ =	swait.ge [sflag:s14], $0xA000  }
0xab: {  	[sflag:s14] =	ssyncset.done $0x0  }
0xac: {  	[sflag:s14] =	ssyncadd.s32 $0xFFFF6000  }
0xad: {  	_ =	sfence.sel $0x180000  }
0xae: {  	[bflag:$0x0] =	sbarrier.arrive $0xFFFF  }
0xaf: {  	_ =	strace $0x90000047  }
0xb0: {  	s0 =	stileid.u32;
	[bflag:$0x2] =	sbarrier.arrive $0xFFFF  }
0xb1: {  	p0 =	sne.s32 s0, $0x0;
	s0 =	rddreg [dreg:$0x2]  }
0xb2: {  	s0 =	sadd.s32 @!p0 $0x100000, s0  }
0xb3: {  	[sflag:s0] =	ssyncadd.tile.s32 @!p0 $0x1;
	_ =	shalt  }
.Lfunc_end2:
_tile_overlayer_lowered:
.L_overlay_start_2:
0xb4: {  	(tag) =	ssettag $0x2  }
0xb5: {  	s0 =	rddreg [dreg:$0x0];
	s2 =	stileid.u32  }
0xb6: {  	s1 =	rddreg [dreg:$0x1];
	p0 =	sne.s32 s2, $0x0  }
0xb7: {  	s3 =	rddreg [dreg:$0x2];
	[bflag:$0x3] =	sbarrier.arrive $0xFFFF;
	s2 =	simm.s32 @!p0 $0x1C02  }
0xb8: {  	[timem:s3], [sflag:s2] =	dma.local @!p0 [hbm:s0], s1  }
0xb9: {  	s0 =	simm.s32 @!p0 $0x2  }
0xba: {  	_ =	swait.ge @!p0 [sflag:s0], s1  }
0xbb: {  	s1 =	ssub.s32 @!p0 $0x0, s1;
	[sflag:s0] =	ssyncset.done @!p0 $0x0  }
0xbc: {  	[sflag:s0] =	ssyncadd.s32 @!p0 s1  }
0xbd: {  	[bflag:$0x3] =	sbarrier.arrive $0xFFFF  }
0xbe: {  	_ =	shalt  }

</sc_bundles>
